<compile_context>
chip_gen: v7x
topology: tpu7x:2x2x1
jax: 0.10.2.dev20260603
libtpu: 0.0.44.dev20260713+nightly
codegen_flags: <defaults>
</compile_context>

<pallas_src>
import jax
import jax.numpy as jnp
from jax import lax
from jax.experimental import pallas as pl
from jax.experimental.pallas import tpu as pltpu
from jax.experimental.pallas import tpu_sc as plsc

_N = 10000
_E = 320000
_D = 128
_NC = 2
_NS = 16
_NW = _NC * _NS
_CH = 128
_CPT = 79
_EPAD = _NW * _CPT * _CH
_IPAD = 0
_TRASH = _N
_ROWS = 10240
_RPT = _ROWS // _NS


def _mesh():
  return plsc.VectorSubcoreMesh(core_axis_name="c", subcore_axis_name="s",
                                num_cores=_NC, num_subcores=_NS)


def _seg_sum_body(feat, idx, zrows, out,
                  idx_a, idx_b, rows_a, rows_b, acc,
                  gsa, gsb, isem):
  cid = lax.axis_index("c")
  sid = lax.axis_index("s")
  wid = sid * _NC + cid
  base = wid * _CPT

  pltpu.sync_copy(zrows, rows_a)
  r0 = sid * _RPT
  for k in range(_RPT // _CH):
    pltpu.sync_copy(rows_a, acc.at[pl.ds(r0 + k * _CH, _CH)])

  pltpu.sync_copy(idx.at[base], idx_a)
  pltpu.async_copy(feat.at[idx_a.at[0]], rows_a, gsa)
  pltpu.async_copy(idx.at[base + 1], idx_b, isem)
  plsc.subcore_barrier()

  @pl.loop(0, _CPT - 1, step=2)
  def _(j):
    pltpu.make_async_copy(idx.at[base + j + 1], idx_b, isem).wait()
    pltpu.async_copy(feat.at[idx_b.at[0]], rows_b, gsb)
    pltpu.make_async_copy(feat.at[idx_a.at[0]], rows_a, gsa).wait()
    pltpu.sync_copy(rows_a, acc.at[idx_a.at[1]], add=True)
    pltpu.async_copy(idx.at[base + j + 2], idx_a, isem)

    pltpu.make_async_copy(idx.at[base + j + 2], idx_a, isem).wait()
    pltpu.async_copy(feat.at[idx_a.at[0]], rows_a, gsa)
    pltpu.make_async_copy(feat.at[idx_b.at[0]], rows_b, gsb).wait()
    pltpu.sync_copy(rows_b, acc.at[idx_b.at[1]], add=True)

    @pl.when(j < _CPT - 3)
    def _():
      pltpu.async_copy(idx.at[base + j + 3], idx_b, isem)

  pltpu.make_async_copy(feat.at[idx_a.at[0]], rows_a, gsa).wait()
  pltpu.sync_copy(rows_a, acc.at[idx_a.at[1]], add=True)
  plsc.subcore_barrier()

  pltpu.sync_copy(acc.at[pl.ds(r0, _RPT)], out.at[cid, pl.ds(r0, _RPT)])


_seg_sum = pl.kernel(
    _seg_sum_body,
    out_type=jax.ShapeDtypeStruct((_NC, _ROWS, _D), jnp.float32),
    mesh=_mesh(),
    scratch_types=[
        pltpu.VMEM((2, _CH), jnp.int32),
        pltpu.VMEM((2, _CH), jnp.int32),
        pltpu.VMEM((_CH, _D), jnp.float32),
        pltpu.VMEM((_CH, _D), jnp.float32),
        pltpu.VMEM_SHARED((_ROWS, _D), jnp.float32),
        pltpu.SemaphoreType.DMA,
        pltpu.SemaphoreType.DMA,
        pltpu.SemaphoreType.DMA,
    ],
)


def _seg_cnt_body(idx, zrows, ones, out,
                  idx_all, ones_v, acc, sem):
  cid = lax.axis_index("c")
  sid = lax.axis_index("s")
  wid = sid * _NC + cid
  base = wid * _CPT

  pltpu.sync_copy(zrows, ones_v)
  r0 = sid * _RPT
  for k in range(_RPT // _CH):
    pltpu.sync_copy(ones_v, acc.at[pl.ds(r0 + k * _CH, _CH)])
  pltpu.sync_copy(idx.at[pl.ds(base, _CPT)], idx_all)
  pltpu.sync_copy(ones, ones_v)
  plsc.subcore_barrier()

  @pl.loop(0, _CPT)
  def _(j):
    pltpu.sync_copy(ones_v, acc.at[idx_all.at[j, 1]], add=True)

  plsc.subcore_barrier()
  pltpu.sync_copy(acc.at[pl.ds(r0, _RPT)], out.at[cid, pl.ds(r0, _RPT)])


_seg_cnt = pl.kernel(
    _seg_cnt_body,
    out_type=jax.ShapeDtypeStruct((_NC, _ROWS, _D), jnp.float32),
    mesh=_mesh(),
    scratch_types=[
        pltpu.VMEM((_CPT, 2, _CH), jnp.int32),
        pltpu.VMEM((_CH, _D), jnp.float32),
        pltpu.VMEM_SHARED((_ROWS, _D), jnp.float32),
        pltpu.SemaphoreType.DMA,
    ],
)


_R = 1000


def _prelu(h, a):
  return jnp.where(h >= 0, h, a * h)


def _mean_from(p_ref, c_ref):
  p = p_ref[0] + p_ref[1]
  c = c_ref[0][:, 0:1] + c_ref[1][:, 0:1]
  return p * (1.0 / jnp.maximum(c, 1.0))


def _mm(u, w):
  return lax.dot_general(u, w, (((1,), (1,)), ((), ())),
                         preferred_element_type=jnp.float32)


def _norm_rows(o):
  nrm = jnp.sqrt(jnp.sum(o * o, axis=1, keepdims=True))
  return o / jnp.maximum(nrm, 1e-12)


def _dense1_body(p_ref, c_ref, g_ref, wl_ref, bl_ref, wr_ref,
                 wsk_ref, bsk_ref, a_ref, g2_ref, sk_ref):
  a = a_ref[0, 0]
  g = g_ref[...]
  out = _mm(_mean_from(p_ref, c_ref), wl_ref[...]) + bl_ref[...] \
      + _mm(g, wr_ref[...])
  h = _prelu(_norm_rows(out), a)
  sk = _mm(g, wsk_ref[...]) + bsk_ref[...]
  g2_ref[...] = h + sk
  sk_ref[...] = sk


def _dense2_body(p_ref, c_ref, g_ref, wl_ref, bl_ref, wr_ref,
                 sk_ref, a_ref, g3_ref):
  a = a_ref[0, 0]
  out = _mm(_mean_from(p_ref, c_ref), wl_ref[...]) + bl_ref[...] \
      + _mm(g_ref[...], wr_ref[...])
  g3_ref[...] = _prelu(_norm_rows(out), a) + sk_ref[...]


def _dense3_body(p_ref, c_ref, g_ref, wl_ref, bl_ref, wr_ref,
                 a_ref, o_ref):
  a = a_ref[0, 0]
  out = _mm(_mean_from(p_ref, c_ref), wl_ref[...]) + bl_ref[...] \
      + _mm(g_ref[...], wr_ref[...])
  o_ref[...] = _prelu(_prelu(_norm_rows(out), a), a)


def _spec_p():
  return pl.BlockSpec((2, _R, _D), lambda i: (0, i, 0))


def _spec_rows():
  return pl.BlockSpec((_R, _D), lambda i: (i, 0))


def _spec_w():
  return pl.BlockSpec((_D, _D), lambda i: (0, 0))


def _spec_b():
  return pl.BlockSpec((1, _D), lambda i: (0, 0))


def _spec_a():
  return pl.BlockSpec((1, 1), lambda i: (0, 0), memory_space=pltpu.SMEM)


_G = (_N // _R,)


_dense1 = pl.pallas_call(
    _dense1_body,
    grid=_G,
    in_specs=[_spec_p(), _spec_p(), _spec_rows(), _spec_w(), _spec_b(),
              _spec_w(), _spec_w(), _spec_b(), _spec_a()],
    out_specs=[_spec_rows(), _spec_rows()],
    out_shape=[jax.ShapeDtypeStruct((_N, _D), jnp.float32),
               jax.ShapeDtypeStruct((_N, _D), jnp.float32)],
)

_dense2 = pl.pallas_call(
    _dense2_body,
    grid=_G,
    in_specs=[_spec_p(), _spec_p(), _spec_rows(), _spec_w(), _spec_b(),
              _spec_w(), _spec_rows(), _spec_a()],
    out_specs=_spec_rows(),
    out_shape=jax.ShapeDtypeStruct((_N, _D), jnp.float32),
)

_dense3 = pl.pallas_call(
    _dense3_body,
    grid=_G,
    in_specs=[_spec_p(), _spec_p(), _spec_rows(), _spec_w(), _spec_b(),
              _spec_w(), _spec_a()],
    out_specs=_spec_rows(),
    out_shape=jax.ShapeDtypeStruct((_N, _D), jnp.float32),
)


def kernel(x, edge_index, Wskip, bskip, Wl1, bl1, Wr1,
           Wl2, bl2, Wr2, Wl3, bl3, Wr3, a):
  src = edge_index[0]
  dst = edge_index[1]
  pad = _EPAD - _E
  srcp = jnp.concatenate([src, jnp.zeros((pad,), jnp.int32)])
  trash = _TRASH + (jnp.arange(pad, dtype=jnp.int32) % (_ROWS - _TRASH))
  dstp = jnp.concatenate([dst, trash])
  idx = jnp.stack([srcp.reshape(-1, _CH), dstp.reshape(-1, _CH)], axis=1)
  zrows = jnp.zeros((_CH, _D), jnp.float32)
  ones = jnp.ones((_CH, _D), jnp.float32)
  a2 = a.reshape(1, 1)
  bl1r = bl1.reshape(1, _D)
  bl2r = bl2.reshape(1, _D)
  bl3r = bl3.reshape(1, _D)
  bskr = bskip.reshape(1, _D)

  cnt = _seg_cnt(idx, zrows, ones)
  p1 = _seg_sum(x, idx, zrows)
  g2, sk = _dense1(p1, cnt, x, Wl1, bl1r, Wr1, Wskip, bskr, a2)
  p2 = _seg_sum(g2, idx, zrows)
  g3 = _dense2(p2, cnt, g2, Wl2, bl2r, Wr2, sk, a2)
  p3 = _seg_sum(g3, idx, zrows)
  return _dense3(p3, cnt, g3, Wl3, bl3r, Wr3, a2)

# --- scband reference (transcript-rebuilt; emitter-appended) ---
"""Pipeline reference for scband-encoder-16595753632514 (READ-ONLY COPY).

The authoritative reference and input builder live on the scoring server;
editing this copy changes nothing except your own understanding.
"""

import jax, jax.numpy as jnp
import numpy as np

N = 10000
E = 320000
DIN = 128
DEMB = 128


def setup_inputs(seed: int = 0) -> dict:
    key = jax.random.key(seed)
    ks = jax.random.split(key, 16)
    x = jax.random.normal(ks[0], (N, DIN), dtype=jnp.float32)
    edge_index = jax.random.randint(ks[1], (2, E), 0, N, dtype=jnp.int32)
    s_in = 1.0 / np.sqrt(DIN)
    s_emb = 1.0 / np.sqrt(DEMB)
    Wskip = jax.random.normal(ks[2], (DEMB, DIN), dtype=jnp.float32) * s_in
    bskip = jnp.zeros((DEMB,), dtype=jnp.float32)
    Wl1 = jax.random.normal(ks[3], (DEMB, DIN), dtype=jnp.float32) * s_in
    bl1 = jnp.zeros((DEMB,), dtype=jnp.float32)
    Wr1 = jax.random.normal(ks[4], (DEMB, DIN), dtype=jnp.float32) * s_in
    Wl2 = jax.random.normal(ks[5], (DEMB, DEMB), dtype=jnp.float32) * s_emb
    bl2 = jnp.zeros((DEMB,), dtype=jnp.float32)
    Wr2 = jax.random.normal(ks[6], (DEMB, DEMB), dtype=jnp.float32) * s_emb
    Wl3 = jax.random.normal(ks[7], (DEMB, DEMB), dtype=jnp.float32) * s_emb
    bl3 = jnp.zeros((DEMB,), dtype=jnp.float32)
    Wr3 = jax.random.normal(ks[8], (DEMB, DEMB), dtype=jnp.float32) * s_emb
    a = jnp.array([0.25], dtype=jnp.float32)  # nn.PReLU default, shared across all calls
    return {"x": x, "edge_index": edge_index, "Wskip": Wskip, "bskip": bskip,
            "Wl1": Wl1, "bl1": bl1, "Wr1": Wr1,
            "Wl2": Wl2, "bl2": bl2, "Wr2": Wr2,
            "Wl3": Wl3, "bl3": bl3, "Wr3": Wr3,
            "a": a}


def _prelu(h, a):
    return jnp.where(h >= 0, h, a * h)


def _sage_conv(x, src, dst, Wl, bl, Wr, num_nodes):
    # PyG SAGEConv: mean aggregation of source features at destination,
    # then lin_l(agg) + lin_r(x), followed by L2 normalization (normalize=True).
    msgs = x[src]  # gather [E, d]
    s = jax.ops.segment_sum(msgs, dst, num_segments=num_nodes)
    cnt = jax.ops.segment_sum(jnp.ones((src.shape[0], 1), dtype=x.dtype), dst, num_segments=num_nodes)
    mean = s / jnp.maximum(cnt, 1.0)
    out = mean @ Wl.T + bl + x @ Wr.T
    nrm = jnp.linalg.norm(out, axis=-1, keepdims=True)
    return out / jnp.maximum(nrm, 1e-12)


def reference(x, edge_index, Wskip, bskip, Wl1, bl1, Wr1, Wl2, bl2, Wr2, Wl3, bl3, Wr3, a):
    src = edge_index[0]
    dst = edge_index[1]
    # dropout p=0.0 -> identity
    H1skip = x @ Wskip.T + bskip
    h11 = _prelu(_sage_conv(x, src, dst, Wl1, bl1, Wr1, N), a)
    h12 = _prelu(_sage_conv(h11 + H1skip, src, dst, Wl2, bl2, Wr2, N), a)
    h13 = _prelu(_sage_conv(h12 + H1skip, src, dst, Wl3, bl3, Wr3, N), a)
    return _prelu(h13, a)

if __name__ == "__main__":
    import jax
    _d = setup_inputs()
    print(jax.jit(kernel)(*tuple(_d.values())))

</pallas_src>

<mosaic_0001>
#map = affine_map<(d0, d1) -> (0, 0)>
#map1 = affine_map<(d0, d1) -> (0, 0, 0)>
module attributes {stable_mosaic.version = 14 : i64} {
  func.func @_seg_sum_body(%arg0: i32, %arg1: i32, %arg2: memref<10000x128xf32, #tpu.memory_space<hbm>>, %arg3: memref<2528x2x128xi32, #tpu.memory_space<hbm>>, %arg4: memref<128x128xf32, #tpu.memory_space<hbm>>, %arg5: memref<2x10240x128xf32, #tpu.memory_space<hbm>>, %arg6: memref<2x128xi32, #tpu.memory_space<vmem>>, %arg7: memref<2x128xi32, #tpu.memory_space<vmem>>, %arg8: memref<128x128xf32, #tpu.memory_space<vmem>>, %arg9: memref<128x128xf32, #tpu.memory_space<vmem>>, %arg10: memref<10240x128xf32, #tpu.memory_space<vmem_shared>>, %arg11: memref<!tpu.dma_semaphore, #tpu.memory_space<semaphore_mem>>, %arg12: memref<!tpu.dma_semaphore, #tpu.memory_space<semaphore_mem>>, %arg13: memref<!tpu.dma_semaphore, #tpu.memory_space<semaphore_mem>>) attributes {dimension_semantics = [#tpu.dimension_semantics<core_parallel>, #tpu.dimension_semantics<subcore_parallel>], iteration_bounds = array<i64: 2, 16>, scalar_prefetch = 0 : i64, scratch_operands = 8 : i64, tpu.core_type = #tpu.core_type<sc_vector_subcore>, window_params = [{transform_indices = #map}, {transform_indices = #map1}, {transform_indices = #map}, {transform_indices = #map1}]} {
    %mul3A = arith.constant 2 : i32
    %mul3A_0 = arith.muli %arg1, %mul3A : i32
    %add3A = arith.addi %mul3A_0, %arg0 : i32
    %mul3A_1 = arith.constant 79 : i32
    %mul3A_2 = arith.muli %add3A, %mul3A_1 : i32
    "tpu.region"() ({
      %run_scoped3A_42 = tpu.sem_alloc : memref<!tpu.dma_semaphore, #tpu.memory_space<semaphore_mem>>
      tpu.enqueue_dma source(%arg4 : memref<128x128xf32, #tpu.memory_space<hbm>>) target(%arg8 : memref<128x128xf32, #tpu.memory_space<vmem>>) target_semaphore(%run_scoped3A_42 : memref<!tpu.dma_semaphore, #tpu.memory_space<semaphore_mem>>)
      tpu.wait_dma2 semaphore(%run_scoped3A_42 : memref<!tpu.dma_semaphore, #tpu.memory_space<semaphore_mem>>) src(%arg4 : memref<128x128xf32, #tpu.memory_space<hbm>>) dst(%arg8 : memref<128x128xf32, #tpu.memory_space<vmem>>)
      tpu.yield
    }) : () -> ()
    %mul3A_3 = arith.constant 640 : i32
    %mul3A_4 = arith.muli %arg1, %mul3A_3 : i32
    %add3A_5 = arith.constant 0 : i32
    %add3A_6 = arith.addi %mul3A_4, %add3A_5 : i32
    "tpu.region"() ({
      %run_scoped3A_42 = tpu.sem_alloc : memref<!tpu.dma_semaphore, #tpu.memory_space<semaphore_mem>>
      %dma_start3A_43 = arith.constant 0 : i32
      %dma_start3A_44 = tpu.memref_slice %arg10[%add3A_6, %dma_start3A_43] : memref<10240x128xf32, #tpu.memory_space<vmem_shared>> -> memref<128x128xf32, #tpu.memory_space<vmem_shared>>
      %dma_start3A_45 = arith.constant 0 : i32
      %dma_start3A_46 = tpu.memref_slice %arg10[%add3A_6, %dma_start3A_45] : memref<10240x128xf32, #tpu.memory_space<vmem_shared>> -> memref<128x128xf32, #tpu.memory_space<vmem_shared>>
      tpu.enqueue_dma source(%arg8 : memref<128x128xf32, #tpu.memory_space<vmem>>) target(%dma_start3A_46 : memref<128x128xf32, #tpu.memory_space<vmem_shared>>) target_semaphore(%run_scoped3A_42 : memref<!tpu.dma_semaphore, #tpu.memory_space<semaphore_mem>>)
      %dma_wait3A_47 = arith.constant 0 : i32
      %dma_wait3A_48 = tpu.memref_slice %arg10[%add3A_6, %dma_wait3A_47] : memref<10240x128xf32, #tpu.memory_space<vmem_shared>> -> memref<128x128xf32, #tpu.memory_space<vmem_shared>>
      %dma_wait3A_49 = arith.constant 0 : i32
      %dma_wait3A_50 = tpu.memref_slice %arg10[%add3A_6, %dma_wait3A_49] : memref<10240x128xf32, #tpu.memory_space<vmem_shared>> -> memref<128x128xf32, #tpu.memory_space<vmem_shared>>
      tpu.wait_dma2 semaphore(%run_scoped3A_42 : memref<!tpu.dma_semaphore, #tpu.memory_space<semaphore_mem>>) src(%arg8 : memref<128x128xf32, #tpu.memory_space<vmem>>) dst(%dma_wait3A_50 : memref<128x128xf32, #tpu.memory_space<vmem_shared>>)
      tpu.yield
    }) : () -> ()
    %add3A_7 = arith.constant 128 : i32
    %add3A_8 = arith.addi %mul3A_4, %add3A_7 : i32
    "tpu.region"() ({
      %run_scoped3A_42 = tpu.sem_alloc : memref<!tpu.dma_semaphore, #tpu.memory_space<semaphore_mem>>
      %dma_start3A_43 = arith.constant 0 : i32
      %dma_start3A_44 = tpu.memref_slice %arg10[%add3A_8, %dma_start3A_43] : memref<10240x128xf32, #tpu.memory_space<vmem_shared>> -> memref<128x128xf32, #tpu.memory_space<vmem_shared>>
      %dma_start3A_45 = arith.constant 0 : i32
      %dma_start3A_46 = tpu.memref_slice %arg10[%add3A_8, %dma_start3A_45] : memref<10240x128xf32, #tpu.memory_space<vmem_shared>> -> memref<128x128xf32, #tpu.memory_space<vmem_shared>>
      tpu.enqueue_dma source(%arg8 : memref<128x128xf32, #tpu.memory_space<vmem>>) target(%dma_start3A_46 : memref<128x128xf32, #tpu.memory_space<vmem_shared>>) target_semaphore(%run_scoped3A_42 : memref<!tpu.dma_semaphore, #tpu.memory_space<semaphore_mem>>)
      %dma_wait3A_47 = arith.constant 0 : i32
      %dma_wait3A_48 = tpu.memref_slice %arg10[%add3A_8, %dma_wait3A_47] : memref<10240x128xf32, #tpu.memory_space<vmem_shared>> -> memref<128x128xf32, #tpu.memory_space<vmem_shared>>
      %dma_wait3A_49 = arith.constant 0 : i32
      %dma_wait3A_50 = tpu.memref_slice %arg10[%add3A_8, %dma_wait3A_49] : memref<10240x128xf32, #tpu.memory_space<vmem_shared>> -> memref<128x128xf32, #tpu.memory_space<vmem_shared>>
      tpu.wait_dma2 semaphore(%run_scoped3A_42 : memref<!tpu.dma_semaphore, #tpu.memory_space<semaphore_mem>>) src(%arg8 : memref<128x128xf32, #tpu.memory_space<vmem>>) dst(%dma_wait3A_50 : memref<128x128xf32, #tpu.memory_space<vmem_shared>>)
      tpu.yield
    }) : () -> ()
    %add3A_9 = arith.constant 256 : i32
    %add3A_10 = arith.addi %mul3A_4, %add3A_9 : i32
    "tpu.region"() ({
      %run_scoped3A_42 = tpu.sem_alloc : memref<!tpu.dma_semaphore, #tpu.memory_space<semaphore_mem>>
      %dma_start3A_43 = arith.constant 0 : i32
      %dma_start3A_44 = tpu.memref_slice %arg10[%add3A_10, %dma_start3A_43] : memref<10240x128xf32, #tpu.memory_space<vmem_shared>> -> memref<128x128xf32, #tpu.memory_space<vmem_shared>>
      %dma_start3A_45 = arith.constant 0 : i32
      %dma_start3A_46 = tpu.memref_slice %arg10[%add3A_10, %dma_start3A_45] : memref<10240x128xf32, #tpu.memory_space<vmem_shared>> -> memref<128x128xf32, #tpu.memory_space<vmem_shared>>
      tpu.enqueue_dma source(%arg8 : memref<128x128xf32, #tpu.memory_space<vmem>>) target(%dma_start3A_46 : memref<128x128xf32, #tpu.memory_space<vmem_shared>>) target_semaphore(%run_scoped3A_42 : memref<!tpu.dma_semaphore, #tpu.memory_space<semaphore_mem>>)
      %dma_wait3A_47 = arith.constant 0 : i32
      %dma_wait3A_48 = tpu.memref_slice %arg10[%add3A_10, %dma_wait3A_47] : memref<10240x128xf32, #tpu.memory_space<vmem_shared>> -> memref<128x128xf32, #tpu.memory_space<vmem_shared>>
      %dma_wait3A_49 = arith.constant 0 : i32
      %dma_wait3A_50 = tpu.memref_slice %arg10[%add3A_10, %dma_wait3A_49] : memref<10240x128xf32, #tpu.memory_space<vmem_shared>> -> memref<128x128xf32, #tpu.memory_space<vmem_shared>>
      tpu.wait_dma2 semaphore(%run_scoped3A_42 : memref<!tpu.dma_semaphore, #tpu.memory_space<semaphore_mem>>) src(%arg8 : memref<128x128xf32, #tpu.memory_space<vmem>>) dst(%dma_wait3A_50 : memref<128x128xf32, #tpu.memory_space<vmem_shared>>)
      tpu.yield
    }) : () -> ()
    %add3A_11 = arith.constant 384 : i32
    %add3A_12 = arith.addi %mul3A_4, %add3A_11 : i32
    "tpu.region"() ({
      %run_scoped3A_42 = tpu.sem_alloc : memref<!tpu.dma_semaphore, #tpu.memory_space<semaphore_mem>>
      %dma_start3A_43 = arith.constant 0 : i32
      %dma_start3A_44 = tpu.memref_slice %arg10[%add3A_12, %dma_start3A_43] : memref<10240x128xf32, #tpu.memory_space<vmem_shared>> -> memref<128x128xf32, #tpu.memory_space<vmem_shared>>
      %dma_start3A_45 = arith.constant 0 : i32
      %dma_start3A_46 = tpu.memref_slice %arg10[%add3A_12, %dma_start3A_45] : memref<10240x128xf32, #tpu.memory_space<vmem_shared>> -> memref<128x128xf32, #tpu.memory_space<vmem_shared>>
      tpu.enqueue_dma source(%arg8 : memref<128x128xf32, #tpu.memory_space<vmem>>) target(%dma_start3A_46 : memref<128x128xf32, #tpu.memory_space<vmem_shared>>) target_semaphore(%run_scoped3A_42 : memref<!tpu.dma_semaphore, #tpu.memory_space<semaphore_mem>>)
      %dma_wait3A_47 = arith.constant 0 : i32
      %dma_wait3A_48 = tpu.memref_slice %arg10[%add3A_12, %dma_wait3A_47] : memref<10240x128xf32, #tpu.memory_space<vmem_shared>> -> memref<128x128xf32, #tpu.memory_space<vmem_shared>>
      %dma_wait3A_49 = arith.constant 0 : i32
      %dma_wait3A_50 = tpu.memref_slice %arg10[%add3A_12, %dma_wait3A_49] : memref<10240x128xf32, #tpu.memory_space<vmem_shared>> -> memref<128x128xf32, #tpu.memory_space<vmem_shared>>
      tpu.wait_dma2 semaphore(%run_scoped3A_42 : memref<!tpu.dma_semaphore, #tpu.memory_space<semaphore_mem>>) src(%arg8 : memref<128x128xf32, #tpu.memory_space<vmem>>) dst(%dma_wait3A_50 : memref<128x128xf32, #tpu.memory_space<vmem_shared>>)
      tpu.yield
    }) : () -> ()
    %add3A_13 = arith.constant 512 : i32
    %add3A_14 = arith.addi %mul3A_4, %add3A_13 : i32
    "tpu.region"() ({
      %run_scoped3A_42 = tpu.sem_alloc : memref<!tpu.dma_semaphore, #tpu.memory_space<semaphore_mem>>
      %dma_start3A_43 = arith.constant 0 : i32
      %dma_start3A_44 = tpu.memref_slice %arg10[%add3A_14, %dma_start3A_43] : memref<10240x128xf32, #tpu.memory_space<vmem_shared>> -> memref<128x128xf32, #tpu.memory_space<vmem_shared>>
      %dma_start3A_45 = arith.constant 0 : i32
      %dma_start3A_46 = tpu.memref_slice %arg10[%add3A_14, %dma_start3A_45] : memref<10240x128xf32, #tpu.memory_space<vmem_shared>> -> memref<128x128xf32, #tpu.memory_space<vmem_shared>>
      tpu.enqueue_dma source(%arg8 : memref<128x128xf32, #tpu.memory_space<vmem>>) target(%dma_start3A_46 : memref<128x128xf32, #tpu.memory_space<vmem_shared>>) target_semaphore(%run_scoped3A_42 : memref<!tpu.dma_semaphore, #tpu.memory_space<semaphore_mem>>)
      %dma_wait3A_47 = arith.constant 0 : i32
      %dma_wait3A_48 = tpu.memref_slice %arg10[%add3A_14, %dma_wait3A_47] : memref<10240x128xf32, #tpu.memory_space<vmem_shared>> -> memref<128x128xf32, #tpu.memory_space<vmem_shared>>
      %dma_wait3A_49 = arith.constant 0 : i32
      %dma_wait3A_50 = tpu.memref_slice %arg10[%add3A_14, %dma_wait3A_49] : memref<10240x128xf32, #tpu.memory_space<vmem_shared>> -> memref<128x128xf32, #tpu.memory_space<vmem_shared>>
      tpu.wait_dma2 semaphore(%run_scoped3A_42 : memref<!tpu.dma_semaphore, #tpu.memory_space<semaphore_mem>>) src(%arg8 : memref<128x128xf32, #tpu.memory_space<vmem>>) dst(%dma_wait3A_50 : memref<128x128xf32, #tpu.memory_space<vmem_shared>>)
      tpu.yield
    }) : () -> ()
    "tpu.region"() ({
      %run_scoped3A_42 = tpu.sem_alloc : memref<!tpu.dma_semaphore, #tpu.memory_space<semaphore_mem>>
      %dma_start3A_43 = arith.constant 0 : i32
      %dma_start3A_44 = arith.constant 0 : i32
      %dma_start3A_45 = tpu.memref_slice %arg3[%mul3A_2, %dma_start3A_43, %dma_start3A_44] : memref<2528x2x128xi32, #tpu.memory_space<hbm>> -> memref<1x2x128xi32, #tpu.memory_space<hbm>>
      %dma_start3A_46 = tpu.memref_squeeze %dma_start3A_45 : memref<1x2x128xi32, #tpu.memory_space<hbm>> -> memref<2x128xi32, #tpu.memory_space<hbm>>
      %dma_start3A_47 = arith.constant 0 : i32
      %dma_start3A_48 = arith.constant 0 : i32
      %dma_start3A_49 = tpu.memref_slice %arg3[%mul3A_2, %dma_start3A_47, %dma_start3A_48] : memref<2528x2x128xi32, #tpu.memory_space<hbm>> -> memref<1x2x128xi32, #tpu.memory_space<hbm>>
      %dma_start3A_50 = tpu.memref_squeeze %dma_start3A_49 : memref<1x2x128xi32, #tpu.memory_space<hbm>> -> memref<2x128xi32, #tpu.memory_space<hbm>>
      tpu.enqueue_dma source(%dma_start3A_50 : memref<2x128xi32, #tpu.memory_space<hbm>>) target(%arg6 : memref<2x128xi32, #tpu.memory_space<vmem>>) target_semaphore(%run_scoped3A_42 : memref<!tpu.dma_semaphore, #tpu.memory_space<semaphore_mem>>)
      %dma_wait3A_51 = arith.constant 0 : i32
      %dma_wait3A_52 = arith.constant 0 : i32
      %dma_wait3A_53 = tpu.memref_slice %arg3[%mul3A_2, %dma_wait3A_51, %dma_wait3A_52] : memref<2528x2x128xi32, #tpu.memory_space<hbm>> -> memref<1x2x128xi32, #tpu.memory_space<hbm>>
      %dma_wait3A_54 = tpu.memref_squeeze %dma_wait3A_53 : memref<1x2x128xi32, #tpu.memory_space<hbm>> -> memref<2x128xi32, #tpu.memory_space<hbm>>
      %dma_wait3A_55 = arith.constant 0 : i32
      %dma_wait3A_56 = arith.constant 0 : i32
      %dma_wait3A_57 = tpu.memref_slice %arg3[%mul3A_2, %dma_wait3A_55, %dma_wait3A_56] : memref<2528x2x128xi32, #tpu.memory_space<hbm>> -> memref<1x2x128xi32, #tpu.memory_space<hbm>>
      %dma_wait3A_58 = tpu.memref_squeeze %dma_wait3A_57 : memref<1x2x128xi32, #tpu.memory_space<hbm>> -> memref<2x128xi32, #tpu.memory_space<hbm>>
      tpu.wait_dma2 semaphore(%run_scoped3A_42 : memref<!tpu.dma_semaphore, #tpu.memory_space<semaphore_mem>>) src(%dma_wait3A_58 : memref<2x128xi32, #tpu.memory_space<hbm>>) dst(%arg6 : memref<2x128xi32, #tpu.memory_space<vmem>>)
      tpu.yield
    }) : () -> ()
    %dma_start3A = arith.constant 0 : i32
    %dma_start3A_15 = arith.constant 0 : i32
    %dma_start3A_16 = tpu.memref_slice %arg6[%dma_start3A, %dma_start3A_15] : memref<2x128xi32, #tpu.memory_space<vmem>> -> memref<1x128xi32, #tpu.memory_space<vmem>>
    %dma_start3A_17 = tpu.memref_squeeze %dma_start3A_16 : memref<1x128xi32, #tpu.memory_space<vmem>> -> memref<128xi32, #tpu.memory_space<vmem>>
    %dma_start3A_18 = arith.constant 0 : i32
    %dma_start3A_19 = arith.constant 0 : i32
    %dma_start3A_20 = tpu.memref_slice %arg2[%dma_start3A_18, %dma_start3A_19] : memref<10000x128xf32, #tpu.memory_space<hbm>> -> memref<10000x128xf32, #tpu.memory_space<hbm>>
    tpu.enqueue_indirect_dma source(%dma_start3A_20 : memref<10000x128xf32, #tpu.memory_space<hbm>>) target(%arg8 : memref<128x128xf32, #tpu.memory_space<vmem>>) offsets(%dma_start3A_17 : memref<128xi32, #tpu.memory_space<vmem>>) semaphore(%arg11 : memref<!tpu.dma_semaphore, #tpu.memory_space<semaphore_mem>>)
    %add3A_21 = arith.constant 1 : i32
    %add3A_22 = arith.addi %mul3A_2, %add3A_21 : i32
    %dma_start3A_23 = arith.constant 0 : i32
    %dma_start3A_24 = arith.constant 0 : i32
    %dma_start3A_25 = tpu.memref_slice %arg3[%add3A_22, %dma_start3A_23, %dma_start3A_24] : memref<2528x2x128xi32, #tpu.memory_space<hbm>> -> memref<1x2x128xi32, #tpu.memory_space<hbm>>
    %dma_start3A_26 = tpu.memref_squeeze %dma_start3A_25 : memref<1x2x128xi32, #tpu.memory_space<hbm>> -> memref<2x128xi32, #tpu.memory_space<hbm>>
    %dma_start3A_27 = arith.constant 0 : i32
    %dma_start3A_28 = arith.constant 0 : i32
    %dma_start3A_29 = tpu.memref_slice %arg3[%add3A_22, %dma_start3A_27, %dma_start3A_28] : memref<2528x2x128xi32, #tpu.memory_space<hbm>> -> memref<1x2x128xi32, #tpu.memory_space<hbm>>
    %dma_start3A_30 = tpu.memref_squeeze %dma_start3A_29 : memref<1x2x128xi32, #tpu.memory_space<hbm>> -> memref<2x128xi32, #tpu.memory_space<hbm>>
    tpu.enqueue_dma source(%dma_start3A_30 : memref<2x128xi32, #tpu.memory_space<hbm>>) target(%arg7 : memref<2x128xi32, #tpu.memory_space<vmem>>) target_semaphore(%arg13 : memref<!tpu.dma_semaphore, #tpu.memory_space<semaphore_mem>>)
    %barrier3A = arith.constant 0 : index
    tpu.barrier barrier_id(%barrier3A)
    %scan3A = arith.constant 0 : i32
    %scan3A_31 = arith.constant 39 : i32
    %scan3A_32 = arith.addi %scan3A, %scan3A_31 : i32
    %scan3A_33 = arith.constant 1 : i32
    scf.for %scan3A_42 = %scan3A to %scan3A_32 step %scan3A_33  : i32 {
      %mul3A_43 = arith.constant 2 : i32
      %mul3A_44 = arith.muli %scan3A_42, %mul3A_43 : i32
      %add3A_45 = arith.constant 0 : i32
      %add3A_46 = arith.addi %add3A_45, %mul3A_44 : i32
      %add3A_47 = arith.addi %mul3A_2, %add3A_46 : i32
      %add3A_48 = arith.constant 1 : i32
      %add3A_49 = arith.addi %add3A_47, %add3A_48 : i32
      %dma_wait3A_50 = arith.constant 0 : i32
      %dma_wait3A_51 = arith.constant 0 : i32
      %dma_wait3A_52 = tpu.memref_slice %arg3[%add3A_49, %dma_wait3A_50, %dma_wait3A_51] : memref<2528x2x128xi32, #tpu.memory_space<hbm>> -> memref<1x2x128xi32, #tpu.memory_space<hbm>>
      %dma_wait3A_53 = tpu.memref_squeeze %dma_wait3A_52 : memref<1x2x128xi32, #tpu.memory_space<hbm>> -> memref<2x128xi32, #tpu.memory_space<hbm>>
      %dma_wait3A_54 = arith.constant 0 : i32
      %dma_wait3A_55 = arith.constant 0 : i32
      %dma_wait3A_56 = tpu.memref_slice %arg3[%add3A_49, %dma_wait3A_54, %dma_wait3A_55] : memref<2528x2x128xi32, #tpu.memory_space<hbm>> -> memref<1x2x128xi32, #tpu.memory_space<hbm>>
      %dma_wait3A_57 = tpu.memref_squeeze %dma_wait3A_56 : memref<1x2x128xi32, #tpu.memory_space<hbm>> -> memref<2x128xi32, #tpu.memory_space<hbm>>
      tpu.wait_dma2 semaphore(%arg13 : memref<!tpu.dma_semaphore, #tpu.memory_space<semaphore_mem>>) src(%dma_wait3A_57 : memref<2x128xi32, #tpu.memory_space<hbm>>) dst(%arg7 : memref<2x128xi32, #tpu.memory_space<vmem>>)
      %dma_start3A_58 = arith.constant 0 : i32
      %dma_start3A_59 = arith.constant 0 : i32
      %dma_start3A_60 = tpu.memref_slice %arg7[%dma_start3A_58, %dma_start3A_59] : memref<2x128xi32, #tpu.memory_space<vmem>> -> memref<1x128xi32, #tpu.memory_space<vmem>>
      %dma_start3A_61 = tpu.memref_squeeze %dma_start3A_60 : memref<1x128xi32, #tpu.memory_space<vmem>> -> memref<128xi32, #tpu.memory_space<vmem>>
      %dma_start3A_62 = arith.constant 0 : i32
      %dma_start3A_63 = arith.constant 0 : i32
      %dma_start3A_64 = tpu.memref_slice %arg2[%dma_start3A_62, %dma_start3A_63] : memref<10000x128xf32, #tpu.memory_space<hbm>> -> memref<10000x128xf32, #tpu.memory_space<hbm>>
      tpu.enqueue_indirect_dma source(%dma_start3A_64 : memref<10000x128xf32, #tpu.memory_space<hbm>>) target(%arg9 : memref<128x128xf32, #tpu.memory_space<vmem>>) offsets(%dma_start3A_61 : memref<128xi32, #tpu.memory_space<vmem>>) semaphore(%arg12 : memref<!tpu.dma_semaphore, #tpu.memory_space<semaphore_mem>>)
      %dma_wait3A_65 = arith.constant 0 : i32
      %dma_wait3A_66 = arith.constant 0 : i32
      %dma_wait3A_67 = tpu.memref_slice %arg6[%dma_wait3A_65, %dma_wait3A_66] : memref<2x128xi32, #tpu.memory_space<vmem>> -> memref<1x128xi32, #tpu.memory_space<vmem>>
      %dma_wait3A_68 = tpu.memref_squeeze %dma_wait3A_67 : memref<1x128xi32, #tpu.memory_space<vmem>> -> memref<128xi32, #tpu.memory_space<vmem>>
      %dma_wait3A_69 = arith.constant 0 : i32
      %dma_wait3A_70 = arith.constant 0 : i32
      %dma_wait3A_71 = tpu.memref_slice %arg2[%dma_wait3A_69, %dma_wait3A_70] : memref<10000x128xf32, #tpu.memory_space<hbm>> -> memref<10000x128xf32, #tpu.memory_space<hbm>>
      tpu.wait_indirect_dma semaphore(%arg11 : memref<!tpu.dma_semaphore, #tpu.memory_space<semaphore_mem>>) src(%dma_wait3A_71 : memref<10000x128xf32, #tpu.memory_space<hbm>>) dst(%arg8 : memref<128x128xf32, #tpu.memory_space<vmem>>)
      %run_scoped3A_72 = arith.constant 1 : i32
      "tpu.region"() ({
        %run_scoped3A_112 = tpu.sem_alloc : memref<!tpu.dma_semaphore, #tpu.memory_space<semaphore_mem>>
        %dma_start3A_113 = arith.constant 0 : i32
        %dma_start3A_114 = tpu.memref_slice %arg6[%run_scoped3A_72, %dma_start3A_113] : memref<2x128xi32, #tpu.memory_space<vmem>> -> memref<1x128xi32, #tpu.memory_space<vmem>>
        %dma_start3A_115 = tpu.memref_squeeze %dma_start3A_114 : memref<1x128xi32, #tpu.memory_space<vmem>> -> memref<128xi32, #tpu.memory_space<vmem>>
        %dma_start3A_116 = arith.constant 0 : i32
        %dma_start3A_117 = arith.constant 0 : i32
        %dma_start3A_118 = tpu.memref_slice %arg10[%dma_start3A_116, %dma_start3A_117] : memref<10240x128xf32, #tpu.memory_space<vmem_shared>> -> memref<10240x128xf32, #tpu.memory_space<vmem_shared>>
        tpu.enqueue_indirect_dma source(%arg8 : memref<128x128xf32, #tpu.memory_space<vmem>>) target(%dma_start3A_118 : memref<10240x128xf32, #tpu.memory_space<vmem_shared>>) offsets(%dma_start3A_115 : memref<128xi32, #tpu.memory_space<vmem>>) semaphore(%run_scoped3A_112 : memref<!tpu.dma_semaphore, #tpu.memory_space<semaphore_mem>>) {add = true}
        %dma_wait3A_119 = arith.constant 0 : i32
        %dma_wait3A_120 = tpu.memref_slice %arg6[%run_scoped3A_72, %dma_wait3A_119] : memref<2x128xi32, #tpu.memory_space<vmem>> -> memref<1x128xi32, #tpu.memory_space<vmem>>
        %dma_wait3A_121 = tpu.memref_squeeze %dma_wait3A_120 : memref<1x128xi32, #tpu.memory_space<vmem>> -> memref<128xi32, #tpu.memory_space<vmem>>
        %dma_wait3A_122 = arith.constant 0 : i32
        %dma_wait3A_123 = arith.constant 0 : i32
        %dma_wait3A_124 = tpu.memref_slice %arg10[%dma_wait3A_122, %dma_wait3A_123] : memref<10240x128xf32, #tpu.memory_space<vmem_shared>> -> memref<10240x128xf32, #tpu.memory_space<vmem_shared>>
        tpu.wait_indirect_dma semaphore(%run_scoped3A_112 : memref<!tpu.dma_semaphore, #tpu.memory_space<semaphore_mem>>) src(%arg8 : memref<128x128xf32, #tpu.memory_space<vmem>>) dst(%dma_wait3A_124 : memref<10240x128xf32, #tpu.memory_space<vmem_shared>>)
        tpu.yield
      }) : () -> ()
      %add3A_73 = arith.addi %mul3A_2, %add3A_46 : i32
      %add3A_74 = arith.constant 2 : i32
      %add3A_75 = arith.addi %add3A_73, %add3A_74 : i32
      %dma_start3A_76 = arith.constant 0 : i32
      %dma_start3A_77 = arith.constant 0 : i32
      %dma_start3A_78 = tpu.memref_slice %arg3[%add3A_75, %dma_start3A_76, %dma_start3A_77] : memref<2528x2x128xi32, #tpu.memory_space<hbm>> -> memref<1x2x128xi32, #tpu.memory_space<hbm>>
      %dma_start3A_79 = tpu.memref_squeeze %dma_start3A_78 : memref<1x2x128xi32, #tpu.memory_space<hbm>> -> memref<2x128xi32, #tpu.memory_space<hbm>>
      %dma_start3A_80 = arith.constant 0 : i32
      %dma_start3A_81 = arith.constant 0 : i32
      %dma_start3A_82 = tpu.memref_slice %arg3[%add3A_75, %dma_start3A_80, %dma_start3A_81] : memref<2528x2x128xi32, #tpu.memory_space<hbm>> -> memref<1x2x128xi32, #tpu.memory_space<hbm>>
      %dma_start3A_83 = tpu.memref_squeeze %dma_start3A_82 : memref<1x2x128xi32, #tpu.memory_space<hbm>> -> memref<2x128xi32, #tpu.memory_space<hbm>>
      tpu.enqueue_dma source(%dma_start3A_83 : memref<2x128xi32, #tpu.memory_space<hbm>>) target(%arg6 : memref<2x128xi32, #tpu.memory_space<vmem>>) target_semaphore(%arg13 : memref<!tpu.dma_semaphore, #tpu.memory_space<semaphore_mem>>)
      %add3A_84 = arith.addi %mul3A_2, %add3A_46 : i32
      %add3A_85 = arith.constant 2 : i32
      %add3A_86 = arith.addi %add3A_84, %add3A_85 : i32
      %dma_wait3A_87 = arith.constant 0 : i32
      %dma_wait3A_88 = arith.constant 0 : i32
      %dma_wait3A_89 = tpu.memref_slice %arg3[%add3A_86, %dma_wait3A_87, %dma_wait3A_88] : memref<2528x2x128xi32, #tpu.memory_space<hbm>> -> memref<1x2x128xi32, #tpu.memory_space<hbm>>
      %dma_wait3A_90 = tpu.memref_squeeze %dma_wait3A_89 : memref<1x2x128xi32, #tpu.memory_space<hbm>> -> memref<2x128xi32, #tpu.memory_space<hbm>>
      %dma_wait3A_91 = arith.constant 0 : i32
      %dma_wait3A_92 = arith.constant 0 : i32
      %dma_wait3A_93 = tpu.memref_slice %arg3[%add3A_86, %dma_wait3A_91, %dma_wait3A_92] : memref<2528x2x128xi32, #tpu.memory_space<hbm>> -> memref<1x2x128xi32, #tpu.memory_space<hbm>>
      %dma_wait3A_94 = tpu.memref_squeeze %dma_wait3A_93 : memref<1x2x128xi32, #tpu.memory_space<hbm>> -> memref<2x128xi32, #tpu.memory_space<hbm>>
      tpu.wait_dma2 semaphore(%arg13 : memref<!tpu.dma_semaphore, #tpu.memory_space<semaphore_mem>>) src(%dma_wait3A_94 : memref<2x128xi32, #tpu.memory_space<hbm>>) dst(%arg6 : memref<2x128xi32, #tpu.memory_space<vmem>>)
      %dma_start3A_95 = arith.constant 0 : i32
      %dma_start3A_96 = arith.constant 0 : i32
      %dma_start3A_97 = tpu.memref_slice %arg6[%dma_start3A_95, %dma_start3A_96] : memref<2x128xi32, #tpu.memory_space<vmem>> -> memref<1x128xi32, #tpu.memory_space<vmem>>
      %dma_start3A_98 = tpu.memref_squeeze %dma_start3A_97 : memref<1x128xi32, #tpu.memory_space<vmem>> -> memref<128xi32, #tpu.memory_space<vmem>>
      %dma_start3A_99 = arith.constant 0 : i32
      %dma_start3A_100 = arith.constant 0 : i32
      %dma_start3A_101 = tpu.memref_slice %arg2[%dma_start3A_99, %dma_start3A_100] : memref<10000x128xf32, #tpu.memory_space<hbm>> -> memref<10000x128xf32, #tpu.memory_space<hbm>>
      tpu.enqueue_indirect_dma source(%dma_start3A_101 : memref<10000x128xf32, #tpu.memory_space<hbm>>) target(%arg8 : memref<128x128xf32, #tpu.memory_space<vmem>>) offsets(%dma_start3A_98 : memref<128xi32, #tpu.memory_space<vmem>>) semaphore(%arg11 : memref<!tpu.dma_semaphore, #tpu.memory_space<semaphore_mem>>)
      %dma_wait3A_102 = arith.constant 0 : i32
      %dma_wait3A_103 = arith.constant 0 : i32
      %dma_wait3A_104 = tpu.memref_slice %arg7[%dma_wait3A_102, %dma_wait3A_103] : memref<2x128xi32, #tpu.memory_space<vmem>> -> memref<1x128xi32, #tpu.memory_space<vmem>>
      %dma_wait3A_105 = tpu.memref_squeeze %dma_wait3A_104 : memref<1x128xi32, #tpu.memory_space<vmem>> -> memref<128xi32, #tpu.memory_space<vmem>>
      %dma_wait3A_106 = arith.constant 0 : i32
      %dma_wait3A_107 = arith.constant 0 : i32
      %dma_wait3A_108 = tpu.memref_slice %arg2[%dma_wait3A_106, %dma_wait3A_107] : memref<10000x128xf32, #tpu.memory_space<hbm>> -> memref<10000x128xf32, #tpu.memory_space<hbm>>
      tpu.wait_indirect_dma semaphore(%arg12 : memref<!tpu.dma_semaphore, #tpu.memory_space<semaphore_mem>>) src(%dma_wait3A_108 : memref<10000x128xf32, #tpu.memory_space<hbm>>) dst(%arg9 : memref<128x128xf32, #tpu.memory_space<vmem>>)
      %run_scoped3A_109 = arith.constant 1 : i32
      "tpu.region"() ({
        %run_scoped3A_112 = tpu.sem_alloc : memref<!tpu.dma_semaphore, #tpu.memory_space<semaphore_mem>>
        %dma_start3A_113 = arith.constant 0 : i32
        %dma_start3A_114 = tpu.memref_slice %arg7[%run_scoped3A_109, %dma_start3A_113] : memref<2x128xi32, #tpu.memory_space<vmem>> -> memref<1x128xi32, #tpu.memory_space<vmem>>
        %dma_start3A_115 = tpu.memref_squeeze %dma_start3A_114 : memref<1x128xi32, #tpu.memory_space<vmem>> -> memref<128xi32, #tpu.memory_space<vmem>>
        %dma_start3A_116 = arith.constant 0 : i32
        %dma_start3A_117 = arith.constant 0 : i32
        %dma_start3A_118 = tpu.memref_slice %arg10[%dma_start3A_116, %dma_start3A_117] : memref<10240x128xf32, #tpu.memory_space<vmem_shared>> -> memref<10240x128xf32, #tpu.memory_space<vmem_shared>>
        tpu.enqueue_indirect_dma source(%arg9 : memref<128x128xf32, #tpu.memory_space<vmem>>) target(%dma_start3A_118 : memref<10240x128xf32, #tpu.memory_space<vmem_shared>>) offsets(%dma_start3A_115 : memref<128xi32, #tpu.memory_space<vmem>>) semaphore(%run_scoped3A_112 : memref<!tpu.dma_semaphore, #tpu.memory_space<semaphore_mem>>) {add = true}
        %dma_wait3A_119 = arith.constant 0 : i32
        %dma_wait3A_120 = tpu.memref_slice %arg7[%run_scoped3A_109, %dma_wait3A_119] : memref<2x128xi32, #tpu.memory_space<vmem>> -> memref<1x128xi32, #tpu.memory_space<vmem>>
        %dma_wait3A_121 = tpu.memref_squeeze %dma_wait3A_120 : memref<1x128xi32, #tpu.memory_space<vmem>> -> memref<128xi32, #tpu.memory_space<vmem>>
        %dma_wait3A_122 = arith.constant 0 : i32
        %dma_wait3A_123 = arith.constant 0 : i32
        %dma_wait3A_124 = tpu.memref_slice %arg10[%dma_wait3A_122, %dma_wait3A_123] : memref<10240x128xf32, #tpu.memory_space<vmem_shared>> -> memref<10240x128xf32, #tpu.memory_space<vmem_shared>>
        tpu.wait_indirect_dma semaphore(%run_scoped3A_112 : memref<!tpu.dma_semaphore, #tpu.memory_space<semaphore_mem>>) src(%arg9 : memref<128x128xf32, #tpu.memory_space<vmem>>) dst(%dma_wait3A_124 : memref<10240x128xf32, #tpu.memory_space<vmem_shared>>)
        tpu.yield
      }) : () -> ()
      %lt3A = arith.constant 76 : i32
      %lt3A_110 = arith.cmpi slt, %add3A_46, %lt3A : i32
      %convert_element_type3A = arith.extui %lt3A_110 : i1 to i32
      %cond3A = arith.constant 0 : i32
      %cond3A_111 = arith.cmpi ne, %convert_element_type3A, %cond3A : i32
      scf.if %cond3A_111 {
        %add3A_112 = arith.addi %mul3A_2, %add3A_46 : i32
        %add3A_113 = arith.constant 3 : i32
        %add3A_114 = arith.addi %add3A_112, %add3A_113 : i32
        %dma_start3A_115 = arith.constant 0 : i32
        %dma_start3A_116 = arith.constant 0 : i32
        %dma_start3A_117 = tpu.memref_slice %arg3[%add3A_114, %dma_start3A_115, %dma_start3A_116] : memref<2528x2x128xi32, #tpu.memory_space<hbm>> -> memref<1x2x128xi32, #tpu.memory_space<hbm>>
        %dma_start3A_118 = tpu.memref_squeeze %dma_start3A_117 : memref<1x2x128xi32, #tpu.memory_space<hbm>> -> memref<2x128xi32, #tpu.memory_space<hbm>>
        %dma_start3A_119 = arith.constant 0 : i32
        %dma_start3A_120 = arith.constant 0 : i32
        %dma_start3A_121 = tpu.memref_slice %arg3[%add3A_114, %dma_start3A_119, %dma_start3A_120] : memref<2528x2x128xi32, #tpu.memory_space<hbm>> -> memref<1x2x128xi32, #tpu.memory_space<hbm>>
        %dma_start3A_122 = tpu.memref_squeeze %dma_start3A_121 : memref<1x2x128xi32, #tpu.memory_space<hbm>> -> memref<2x128xi32, #tpu.memory_space<hbm>>
        tpu.enqueue_dma source(%dma_start3A_122 : memref<2x128xi32, #tpu.memory_space<hbm>>) target(%arg7 : memref<2x128xi32, #tpu.memory_space<vmem>>) target_semaphore(%arg13 : memref<!tpu.dma_semaphore, #tpu.memory_space<semaphore_mem>>)
      } else {
      }
    }
    %scan3A_34 = arith.constant 39 : i32
    %dma_wait3A = arith.constant 0 : i32
    %dma_wait3A_35 = arith.constant 0 : i32
    %dma_wait3A_36 = tpu.memref_slice %arg6[%dma_wait3A, %dma_wait3A_35] : memref<2x128xi32, #tpu.memory_space<vmem>> -> memref<1x128xi32, #tpu.memory_space<vmem>>
    %dma_wait3A_37 = tpu.memref_squeeze %dma_wait3A_36 : memref<1x128xi32, #tpu.memory_space<vmem>> -> memref<128xi32, #tpu.memory_space<vmem>>
    %dma_wait3A_38 = arith.constant 0 : i32
    %dma_wait3A_39 = arith.constant 0 : i32
    %dma_wait3A_40 = tpu.memref_slice %arg2[%dma_wait3A_38, %dma_wait3A_39] : memref<10000x128xf32, #tpu.memory_space<hbm>> -> memref<10000x128xf32, #tpu.memory_space<hbm>>
    tpu.wait_indirect_dma semaphore(%arg11 : memref<!tpu.dma_semaphore, #tpu.memory_space<semaphore_mem>>) src(%dma_wait3A_40 : memref<10000x128xf32, #tpu.memory_space<hbm>>) dst(%arg8 : memref<128x128xf32, #tpu.memory_space<vmem>>)
    %run_scoped3A = arith.constant 1 : i32
    "tpu.region"() ({
      %run_scoped3A_42 = tpu.sem_alloc : memref<!tpu.dma_semaphore, #tpu.memory_space<semaphore_mem>>
      %dma_start3A_43 = arith.constant 0 : i32
      %dma_start3A_44 = tpu.memref_slice %arg6[%run_scoped3A, %dma_start3A_43] : memref<2x128xi32, #tpu.memory_space<vmem>> -> memref<1x128xi32, #tpu.memory_space<vmem>>
      %dma_start3A_45 = tpu.memref_squeeze %dma_start3A_44 : memref<1x128xi32, #tpu.memory_space<vmem>> -> memref<128xi32, #tpu.memory_space<vmem>>
      %dma_start3A_46 = arith.constant 0 : i32
      %dma_start3A_47 = arith.constant 0 : i32
      %dma_start3A_48 = tpu.memref_slice %arg10[%dma_start3A_46, %dma_start3A_47] : memref<10240x128xf32, #tpu.memory_space<vmem_shared>> -> memref<10240x128xf32, #tpu.memory_space<vmem_shared>>
      tpu.enqueue_indirect_dma source(%arg8 : memref<128x128xf32, #tpu.memory_space<vmem>>) target(%dma_start3A_48 : memref<10240x128xf32, #tpu.memory_space<vmem_shared>>) offsets(%dma_start3A_45 : memref<128xi32, #tpu.memory_space<vmem>>) semaphore(%run_scoped3A_42 : memref<!tpu.dma_semaphore, #tpu.memory_space<semaphore_mem>>) {add = true}
      %dma_wait3A_49 = arith.constant 0 : i32
      %dma_wait3A_50 = tpu.memref_slice %arg6[%run_scoped3A, %dma_wait3A_49] : memref<2x128xi32, #tpu.memory_space<vmem>> -> memref<1x128xi32, #tpu.memory_space<vmem>>
      %dma_wait3A_51 = tpu.memref_squeeze %dma_wait3A_50 : memref<1x128xi32, #tpu.memory_space<vmem>> -> memref<128xi32, #tpu.memory_space<vmem>>
      %dma_wait3A_52 = arith.constant 0 : i32
      %dma_wait3A_53 = arith.constant 0 : i32
      %dma_wait3A_54 = tpu.memref_slice %arg10[%dma_wait3A_52, %dma_wait3A_53] : memref<10240x128xf32, #tpu.memory_space<vmem_shared>> -> memref<10240x128xf32, #tpu.memory_space<vmem_shared>>
      tpu.wait_indirect_dma semaphore(%run_scoped3A_42 : memref<!tpu.dma_semaphore, #tpu.memory_space<semaphore_mem>>) src(%arg8 : memref<128x128xf32, #tpu.memory_space<vmem>>) dst(%dma_wait3A_54 : memref<10240x128xf32, #tpu.memory_space<vmem_shared>>)
      tpu.yield
    }) : () -> ()
    %barrier3A_41 = arith.constant 0 : index
    tpu.barrier barrier_id(%barrier3A_41)
    "tpu.region"() ({
      %run_scoped3A_42 = tpu.sem_alloc : memref<!tpu.dma_semaphore, #tpu.memory_space<semaphore_mem>>
      %dma_start3A_43 = arith.constant 0 : i32
      %dma_start3A_44 = tpu.memref_slice %arg5[%arg0, %mul3A_4, %dma_start3A_43] : memref<2x10240x128xf32, #tpu.memory_space<hbm>> -> memref<1x640x128xf32, #tpu.memory_space<hbm>>
      %dma_start3A_45 = tpu.memref_squeeze %dma_start3A_44 : memref<1x640x128xf32, #tpu.memory_space<hbm>> -> memref<640x128xf32, #tpu.memory_space<hbm>>
      %dma_start3A_46 = arith.constant 0 : i32
      %dma_start3A_47 = tpu.memref_slice %arg10[%mul3A_4, %dma_start3A_46] : memref<10240x128xf32, #tpu.memory_space<vmem_shared>> -> memref<640x128xf32, #tpu.memory_space<vmem_shared>>
      tpu.enqueue_dma source(%dma_start3A_47 : memref<640x128xf32, #tpu.memory_space<vmem_shared>>) target(%dma_start3A_45 : memref<640x128xf32, #tpu.memory_space<hbm>>) target_semaphore(%run_scoped3A_42 : memref<!tpu.dma_semaphore, #tpu.memory_space<semaphore_mem>>)
      %dma_wait3A_48 = arith.constant 0 : i32
      %dma_wait3A_49 = tpu.memref_slice %arg5[%arg0, %mul3A_4, %dma_wait3A_48] : memref<2x10240x128xf32, #tpu.memory_space<hbm>> -> memref<1x640x128xf32, #tpu.memory_space<hbm>>
      %dma_wait3A_50 = tpu.memref_squeeze %dma_wait3A_49 : memref<1x640x128xf32, #tpu.memory_space<hbm>> -> memref<640x128xf32, #tpu.memory_space<hbm>>
      %dma_wait3A_51 = arith.constant 0 : i32
      %dma_wait3A_52 = tpu.memref_slice %arg10[%mul3A_4, %dma_wait3A_51] : memref<10240x128xf32, #tpu.memory_space<vmem_shared>> -> memref<640x128xf32, #tpu.memory_space<vmem_shared>>
      tpu.wait_dma2 semaphore(%run_scoped3A_42 : memref<!tpu.dma_semaphore, #tpu.memory_space<semaphore_mem>>) src(%dma_wait3A_52 : memref<640x128xf32, #tpu.memory_space<vmem_shared>>) dst(%dma_wait3A_50 : memref<640x128xf32, #tpu.memory_space<hbm>>)
      tpu.yield
    }) : () -> ()
    return
  }
}

#map = affine_map<(d0, d1) -> (0, 0, 0)>
#map1 = affine_map<(d0, d1) -> (0, 0)>
module attributes {stable_mosaic.version = 14 : i64} {
  func.func @_seg_cnt_body(%arg0: i32, %arg1: i32, %arg2: memref<2528x2x128xi32, #tpu.memory_space<hbm>>, %arg3: memref<128x128xf32, #tpu.memory_space<hbm>>, %arg4: memref<128x128xf32, #tpu.memory_space<hbm>>, %arg5: memref<2x10240x128xf32, #tpu.memory_space<hbm>>, %arg6: memref<79x2x128xi32, #tpu.memory_space<vmem>>, %arg7: memref<128x128xf32, #tpu.memory_space<vmem>>, %arg8: memref<10240x128xf32, #tpu.memory_space<vmem_shared>>, %arg9: memref<!tpu.dma_semaphore, #tpu.memory_space<semaphore_mem>>) attributes {dimension_semantics = [#tpu.dimension_semantics<core_parallel>, #tpu.dimension_semantics<subcore_parallel>], iteration_bounds = array<i64: 2, 16>, scalar_prefetch = 0 : i64, scratch_operands = 4 : i64, tpu.core_type = #tpu.core_type<sc_vector_subcore>, window_params = [{transform_indices = #map}, {transform_indices = #map1}, {transform_indices = #map1}, {transform_indices = #map}]} {
    %mul3A = arith.constant 2 : i32
    %mul3A_0 = arith.muli %arg1, %mul3A : i32
    %add3A = arith.addi %mul3A_0, %arg0 : i32
    %mul3A_1 = arith.constant 79 : i32
    %mul3A_2 = arith.muli %add3A, %mul3A_1 : i32
    "tpu.region"() ({
      %run_scoped3A = tpu.sem_alloc : memref<!tpu.dma_semaphore, #tpu.memory_space<semaphore_mem>>
      tpu.enqueue_dma source(%arg3 : memref<128x128xf32, #tpu.memory_space<hbm>>) target(%arg7 : memref<128x128xf32, #tpu.memory_space<vmem>>) target_semaphore(%run_scoped3A : memref<!tpu.dma_semaphore, #tpu.memory_space<semaphore_mem>>)
      tpu.wait_dma2 semaphore(%run_scoped3A : memref<!tpu.dma_semaphore, #tpu.memory_space<semaphore_mem>>) src(%arg3 : memref<128x128xf32, #tpu.memory_space<hbm>>) dst(%arg7 : memref<128x128xf32, #tpu.memory_space<vmem>>)
      tpu.yield
    }) : () -> ()
    %mul3A_3 = arith.constant 640 : i32
    %mul3A_4 = arith.muli %arg1, %mul3A_3 : i32
    %add3A_5 = arith.constant 0 : i32
    %add3A_6 = arith.addi %mul3A_4, %add3A_5 : i32
    "tpu.region"() ({
      %run_scoped3A = tpu.sem_alloc : memref<!tpu.dma_semaphore, #tpu.memory_space<semaphore_mem>>
      %dma_start3A = arith.constant 0 : i32
      %dma_start3A_20 = tpu.memref_slice %arg8[%add3A_6, %dma_start3A] : memref<10240x128xf32, #tpu.memory_space<vmem_shared>> -> memref<128x128xf32, #tpu.memory_space<vmem_shared>>
      %dma_start3A_21 = arith.constant 0 : i32
      %dma_start3A_22 = tpu.memref_slice %arg8[%add3A_6, %dma_start3A_21] : memref<10240x128xf32, #tpu.memory_space<vmem_shared>> -> memref<128x128xf32, #tpu.memory_space<vmem_shared>>
      tpu.enqueue_dma source(%arg7 : memref<128x128xf32, #tpu.memory_space<vmem>>) target(%dma_start3A_22 : memref<128x128xf32, #tpu.memory_space<vmem_shared>>) target_semaphore(%run_scoped3A : memref<!tpu.dma_semaphore, #tpu.memory_space<semaphore_mem>>)
      %dma_wait3A = arith.constant 0 : i32
      %dma_wait3A_23 = tpu.memref_slice %arg8[%add3A_6, %dma_wait3A] : memref<10240x128xf32, #tpu.memory_space<vmem_shared>> -> memref<128x128xf32, #tpu.memory_space<vmem_shared>>
      %dma_wait3A_24 = arith.constant 0 : i32
      %dma_wait3A_25 = tpu.memref_slice %arg8[%add3A_6, %dma_wait3A_24] : memref<10240x128xf32, #tpu.memory_space<vmem_shared>> -> memref<128x128xf32, #tpu.memory_space<vmem_shared>>
      tpu.wait_dma2 semaphore(%run_scoped3A : memref<!tpu.dma_semaphore, #tpu.memory_space<semaphore_mem>>) src(%arg7 : memref<128x128xf32, #tpu.memory_space<vmem>>) dst(%dma_wait3A_25 : memref<128x128xf32, #tpu.memory_space<vmem_shared>>)
      tpu.yield
    }) : () -> ()
    %add3A_7 = arith.constant 128 : i32
    %add3A_8 = arith.addi %mul3A_4, %add3A_7 : i32
    "tpu.region"() ({
      %run_scoped3A = tpu.sem_alloc : memref<!tpu.dma_semaphore, #tpu.memory_space<semaphore_mem>>
      %dma_start3A = arith.constant 0 : i32
      %dma_start3A_20 = tpu.memref_slice %arg8[%add3A_8, %dma_start3A] : memref<10240x128xf32, #tpu.memory_space<vmem_shared>> -> memref<128x128xf32, #tpu.memory_space<vmem_shared>>
      %dma_start3A_21 = arith.constant 0 : i32
      %dma_start3A_22 = tpu.memref_slice %arg8[%add3A_8, %dma_start3A_21] : memref<10240x128xf32, #tpu.memory_space<vmem_shared>> -> memref<128x128xf32, #tpu.memory_space<vmem_shared>>
      tpu.enqueue_dma source(%arg7 : memref<128x128xf32, #tpu.memory_space<vmem>>) target(%dma_start3A_22 : memref<128x128xf32, #tpu.memory_space<vmem_shared>>) target_semaphore(%run_scoped3A : memref<!tpu.dma_semaphore, #tpu.memory_space<semaphore_mem>>)
      %dma_wait3A = arith.constant 0 : i32
      %dma_wait3A_23 = tpu.memref_slice %arg8[%add3A_8, %dma_wait3A] : memref<10240x128xf32, #tpu.memory_space<vmem_shared>> -> memref<128x128xf32, #tpu.memory_space<vmem_shared>>
      %dma_wait3A_24 = arith.constant 0 : i32
      %dma_wait3A_25 = tpu.memref_slice %arg8[%add3A_8, %dma_wait3A_24] : memref<10240x128xf32, #tpu.memory_space<vmem_shared>> -> memref<128x128xf32, #tpu.memory_space<vmem_shared>>
      tpu.wait_dma2 semaphore(%run_scoped3A : memref<!tpu.dma_semaphore, #tpu.memory_space<semaphore_mem>>) src(%arg7 : memref<128x128xf32, #tpu.memory_space<vmem>>) dst(%dma_wait3A_25 : memref<128x128xf32, #tpu.memory_space<vmem_shared>>)
      tpu.yield
    }) : () -> ()
    %add3A_9 = arith.constant 256 : i32
    %add3A_10 = arith.addi %mul3A_4, %add3A_9 : i32
    "tpu.region"() ({
      %run_scoped3A = tpu.sem_alloc : memref<!tpu.dma_semaphore, #tpu.memory_space<semaphore_mem>>
      %dma_start3A = arith.constant 0 : i32
      %dma_start3A_20 = tpu.memref_slice %arg8[%add3A_10, %dma_start3A] : memref<10240x128xf32, #tpu.memory_space<vmem_shared>> -> memref<128x128xf32, #tpu.memory_space<vmem_shared>>
      %dma_start3A_21 = arith.constant 0 : i32
      %dma_start3A_22 = tpu.memref_slice %arg8[%add3A_10, %dma_start3A_21] : memref<10240x128xf32, #tpu.memory_space<vmem_shared>> -> memref<128x128xf32, #tpu.memory_space<vmem_shared>>
      tpu.enqueue_dma source(%arg7 : memref<128x128xf32, #tpu.memory_space<vmem>>) target(%dma_start3A_22 : memref<128x128xf32, #tpu.memory_space<vmem_shared>>) target_semaphore(%run_scoped3A : memref<!tpu.dma_semaphore, #tpu.memory_space<semaphore_mem>>)
      %dma_wait3A = arith.constant 0 : i32
      %dma_wait3A_23 = tpu.memref_slice %arg8[%add3A_10, %dma_wait3A] : memref<10240x128xf32, #tpu.memory_space<vmem_shared>> -> memref<128x128xf32, #tpu.memory_space<vmem_shared>>
      %dma_wait3A_24 = arith.constant 0 : i32
      %dma_wait3A_25 = tpu.memref_slice %arg8[%add3A_10, %dma_wait3A_24] : memref<10240x128xf32, #tpu.memory_space<vmem_shared>> -> memref<128x128xf32, #tpu.memory_space<vmem_shared>>
      tpu.wait_dma2 semaphore(%run_scoped3A : memref<!tpu.dma_semaphore, #tpu.memory_space<semaphore_mem>>) src(%arg7 : memref<128x128xf32, #tpu.memory_space<vmem>>) dst(%dma_wait3A_25 : memref<128x128xf32, #tpu.memory_space<vmem_shared>>)
      tpu.yield
    }) : () -> ()
    %add3A_11 = arith.constant 384 : i32
    %add3A_12 = arith.addi %mul3A_4, %add3A_11 : i32
    "tpu.region"() ({
      %run_scoped3A = tpu.sem_alloc : memref<!tpu.dma_semaphore, #tpu.memory_space<semaphore_mem>>
      %dma_start3A = arith.constant 0 : i32
      %dma_start3A_20 = tpu.memref_slice %arg8[%add3A_12, %dma_start3A] : memref<10240x128xf32, #tpu.memory_space<vmem_shared>> -> memref<128x128xf32, #tpu.memory_space<vmem_shared>>
      %dma_start3A_21 = arith.constant 0 : i32
      %dma_start3A_22 = tpu.memref_slice %arg8[%add3A_12, %dma_start3A_21] : memref<10240x128xf32, #tpu.memory_space<vmem_shared>> -> memref<128x128xf32, #tpu.memory_space<vmem_shared>>
      tpu.enqueue_dma source(%arg7 : memref<128x128xf32, #tpu.memory_space<vmem>>) target(%dma_start3A_22 : memref<128x128xf32, #tpu.memory_space<vmem_shared>>) target_semaphore(%run_scoped3A : memref<!tpu.dma_semaphore, #tpu.memory_space<semaphore_mem>>)
      %dma_wait3A = arith.constant 0 : i32
      %dma_wait3A_23 = tpu.memref_slice %arg8[%add3A_12, %dma_wait3A] : memref<10240x128xf32, #tpu.memory_space<vmem_shared>> -> memref<128x128xf32, #tpu.memory_space<vmem_shared>>
      %dma_wait3A_24 = arith.constant 0 : i32
      %dma_wait3A_25 = tpu.memref_slice %arg8[%add3A_12, %dma_wait3A_24] : memref<10240x128xf32, #tpu.memory_space<vmem_shared>> -> memref<128x128xf32, #tpu.memory_space<vmem_shared>>
      tpu.wait_dma2 semaphore(%run_scoped3A : memref<!tpu.dma_semaphore, #tpu.memory_space<semaphore_mem>>) src(%arg7 : memref<128x128xf32, #tpu.memory_space<vmem>>) dst(%dma_wait3A_25 : memref<128x128xf32, #tpu.memory_space<vmem_shared>>)
      tpu.yield
    }) : () -> ()
    %add3A_13 = arith.constant 512 : i32
    %add3A_14 = arith.addi %mul3A_4, %add3A_13 : i32
    "tpu.region"() ({
      %run_scoped3A = tpu.sem_alloc : memref<!tpu.dma_semaphore, #tpu.memory_space<semaphore_mem>>
      %dma_start3A = arith.constant 0 : i32
      %dma_start3A_20 = tpu.memref_slice %arg8[%add3A_14, %dma_start3A] : memref<10240x128xf32, #tpu.memory_space<vmem_shared>> -> memref<128x128xf32, #tpu.memory_space<vmem_shared>>
      %dma_start3A_21 = arith.constant 0 : i32
      %dma_start3A_22 = tpu.memref_slice %arg8[%add3A_14, %dma_start3A_21] : memref<10240x128xf32, #tpu.memory_space<vmem_shared>> -> memref<128x128xf32, #tpu.memory_space<vmem_shared>>
      tpu.enqueue_dma source(%arg7 : memref<128x128xf32, #tpu.memory_space<vmem>>) target(%dma_start3A_22 : memref<128x128xf32, #tpu.memory_space<vmem_shared>>) target_semaphore(%run_scoped3A : memref<!tpu.dma_semaphore, #tpu.memory_space<semaphore_mem>>)
      %dma_wait3A = arith.constant 0 : i32
      %dma_wait3A_23 = tpu.memref_slice %arg8[%add3A_14, %dma_wait3A] : memref<10240x128xf32, #tpu.memory_space<vmem_shared>> -> memref<128x128xf32, #tpu.memory_space<vmem_shared>>
      %dma_wait3A_24 = arith.constant 0 : i32
      %dma_wait3A_25 = tpu.memref_slice %arg8[%add3A_14, %dma_wait3A_24] : memref<10240x128xf32, #tpu.memory_space<vmem_shared>> -> memref<128x128xf32, #tpu.memory_space<vmem_shared>>
      tpu.wait_dma2 semaphore(%run_scoped3A : memref<!tpu.dma_semaphore, #tpu.memory_space<semaphore_mem>>) src(%arg7 : memref<128x128xf32, #tpu.memory_space<vmem>>) dst(%dma_wait3A_25 : memref<128x128xf32, #tpu.memory_space<vmem_shared>>)
      tpu.yield
    }) : () -> ()
    "tpu.region"() ({
      %run_scoped3A = tpu.sem_alloc : memref<!tpu.dma_semaphore, #tpu.memory_space<semaphore_mem>>
      %dma_start3A = arith.constant 0 : i32
      %dma_start3A_20 = arith.constant 0 : i32
      %dma_start3A_21 = tpu.memref_slice %arg2[%mul3A_2, %dma_start3A, %dma_start3A_20] : memref<2528x2x128xi32, #tpu.memory_space<hbm>> -> memref<79x2x128xi32, #tpu.memory_space<hbm>>
      %dma_start3A_22 = arith.constant 0 : i32
      %dma_start3A_23 = arith.constant 0 : i32
      %dma_start3A_24 = tpu.memref_slice %arg2[%mul3A_2, %dma_start3A_22, %dma_start3A_23] : memref<2528x2x128xi32, #tpu.memory_space<hbm>> -> memref<79x2x128xi32, #tpu.memory_space<hbm>>
      tpu.enqueue_dma source(%dma_start3A_24 : memref<79x2x128xi32, #tpu.memory_space<hbm>>) target(%arg6 : memref<79x2x128xi32, #tpu.memory_space<vmem>>) target_semaphore(%run_scoped3A : memref<!tpu.dma_semaphore, #tpu.memory_space<semaphore_mem>>)
      %dma_wait3A = arith.constant 0 : i32
      %dma_wait3A_25 = arith.constant 0 : i32
      %dma_wait3A_26 = tpu.memref_slice %arg2[%mul3A_2, %dma_wait3A, %dma_wait3A_25] : memref<2528x2x128xi32, #tpu.memory_space<hbm>> -> memref<79x2x128xi32, #tpu.memory_space<hbm>>
      %dma_wait3A_27 = arith.constant 0 : i32
      %dma_wait3A_28 = arith.constant 0 : i32
      %dma_wait3A_29 = tpu.memref_slice %arg2[%mul3A_2, %dma_wait3A_27, %dma_wait3A_28] : memref<2528x2x128xi32, #tpu.memory_space<hbm>> -> memref<79x2x128xi32, #tpu.memory_space<hbm>>
      tpu.wait_dma2 semaphore(%run_scoped3A : memref<!tpu.dma_semaphore, #tpu.memory_space<semaphore_mem>>) src(%dma_wait3A_29 : memref<79x2x128xi32, #tpu.memory_space<hbm>>) dst(%arg6 : memref<79x2x128xi32, #tpu.memory_space<vmem>>)
      tpu.yield
    }) : () -> ()
    "tpu.region"() ({
      %run_scoped3A = tpu.sem_alloc : memref<!tpu.dma_semaphore, #tpu.memory_space<semaphore_mem>>
      tpu.enqueue_dma source(%arg4 : memref<128x128xf32, #tpu.memory_space<hbm>>) target(%arg7 : memref<128x128xf32, #tpu.memory_space<vmem>>) target_semaphore(%run_scoped3A : memref<!tpu.dma_semaphore, #tpu.memory_space<semaphore_mem>>)
      tpu.wait_dma2 semaphore(%run_scoped3A : memref<!tpu.dma_semaphore, #tpu.memory_space<semaphore_mem>>) src(%arg4 : memref<128x128xf32, #tpu.memory_space<hbm>>) dst(%arg7 : memref<128x128xf32, #tpu.memory_space<vmem>>)
      tpu.yield
    }) : () -> ()
    %barrier3A = arith.constant 0 : index
    tpu.barrier barrier_id(%barrier3A)
    %scan3A = arith.constant 0 : i32
    %scan3A_15 = arith.constant 79 : i32
    %scan3A_16 = arith.addi %scan3A, %scan3A_15 : i32
    %scan3A_17 = arith.constant 1 : i32
    scf.for %scan3A_20 = %scan3A to %scan3A_16 step %scan3A_17  : i32 {
      %mul3A_21 = arith.constant 1 : i32
      %mul3A_22 = arith.muli %scan3A_20, %mul3A_21 : i32
      %add3A_23 = arith.constant 0 : i32
      %add3A_24 = arith.addi %add3A_23, %mul3A_22 : i32
      %run_scoped3A = arith.constant 1 : i32
      "tpu.region"() ({
        %run_scoped3A_25 = tpu.sem_alloc : memref<!tpu.dma_semaphore, #tpu.memory_space<semaphore_mem>>
        %dma_start3A = arith.constant 0 : i32
        %dma_start3A_26 = tpu.memref_slice %arg6[%add3A_24, %run_scoped3A, %dma_start3A] : memref<79x2x128xi32, #tpu.memory_space<vmem>> -> memref<1x1x128xi32, #tpu.memory_space<vmem>>
        %dma_start3A_27 = tpu.memref_squeeze %dma_start3A_26 : memref<1x1x128xi32, #tpu.memory_space<vmem>> -> memref<128xi32, #tpu.memory_space<vmem>>
        %dma_start3A_28 = arith.constant 0 : i32
        %dma_start3A_29 = arith.constant 0 : i32
        %dma_start3A_30 = tpu.memref_slice %arg8[%dma_start3A_28, %dma_start3A_29] : memref<10240x128xf32, #tpu.memory_space<vmem_shared>> -> memref<10240x128xf32, #tpu.memory_space<vmem_shared>>
        tpu.enqueue_indirect_dma source(%arg7 : memref<128x128xf32, #tpu.memory_space<vmem>>) target(%dma_start3A_30 : memref<10240x128xf32, #tpu.memory_space<vmem_shared>>) offsets(%dma_start3A_27 : memref<128xi32, #tpu.memory_space<vmem>>) semaphore(%run_scoped3A_25 : memref<!tpu.dma_semaphore, #tpu.memory_space<semaphore_mem>>) {add = true}
        %dma_wait3A = arith.constant 0 : i32
        %dma_wait3A_31 = tpu.memref_slice %arg6[%add3A_24, %run_scoped3A, %dma_wait3A] : memref<79x2x128xi32, #tpu.memory_space<vmem>> -> memref<1x1x128xi32, #tpu.memory_space<vmem>>
        %dma_wait3A_32 = tpu.memref_squeeze %dma_wait3A_31 : memref<1x1x128xi32, #tpu.memory_space<vmem>> -> memref<128xi32, #tpu.memory_space<vmem>>
        %dma_wait3A_33 = arith.constant 0 : i32
        %dma_wait3A_34 = arith.constant 0 : i32
        %dma_wait3A_35 = tpu.memref_slice %arg8[%dma_wait3A_33, %dma_wait3A_34] : memref<10240x128xf32, #tpu.memory_space<vmem_shared>> -> memref<10240x128xf32, #tpu.memory_space<vmem_shared>>
        tpu.wait_indirect_dma semaphore(%run_scoped3A_25 : memref<!tpu.dma_semaphore, #tpu.memory_space<semaphore_mem>>) src(%arg7 : memref<128x128xf32, #tpu.memory_space<vmem>>) dst(%dma_wait3A_35 : memref<10240x128xf32, #tpu.memory_space<vmem_shared>>)
        tpu.yield
      }) : () -> ()
    }
    %scan3A_18 = arith.constant 79 : i32
    %barrier3A_19 = arith.constant 0 : index
    tpu.barrier barrier_id(%barrier3A_19)
    "tpu.region"() ({
      %run_scoped3A = tpu.sem_alloc : memref<!tpu.dma_semaphore, #tpu.memory_space<semaphore_mem>>
      %dma_start3A = arith.constant 0 : i32
      %dma_start3A_20 = tpu.memref_slice %arg5[%arg0, %mul3A_4, %dma_start3A] : memref<2x10240x128xf32, #tpu.memory_space<hbm>> -> memref<1x640x128xf32, #tpu.memory_space<hbm>>
      %dma_start3A_21 = tpu.memref_squeeze %dma_start3A_20 : memref<1x640x128xf32, #tpu.memory_space<hbm>> -> memref<640x128xf32, #tpu.memory_space<hbm>>
      %dma_start3A_22 = arith.constant 0 : i32
      %dma_start3A_23 = tpu.memref_slice %arg8[%mul3A_4, %dma_start3A_22] : memref<10240x128xf32, #tpu.memory_space<vmem_shared>> -> memref<640x128xf32, #tpu.memory_space<vmem_shared>>
      tpu.enqueue_dma source(%dma_start3A_23 : memref<640x128xf32, #tpu.memory_space<vmem_shared>>) target(%dma_start3A_21 : memref<640x128xf32, #tpu.memory_space<hbm>>) target_semaphore(%run_scoped3A : memref<!tpu.dma_semaphore, #tpu.memory_space<semaphore_mem>>)
      %dma_wait3A = arith.constant 0 : i32
      %dma_wait3A_24 = tpu.memref_slice %arg5[%arg0, %mul3A_4, %dma_wait3A] : memref<2x10240x128xf32, #tpu.memory_space<hbm>> -> memref<1x640x128xf32, #tpu.memory_space<hbm>>
      %dma_wait3A_25 = tpu.memref_squeeze %dma_wait3A_24 : memref<1x640x128xf32, #tpu.memory_space<hbm>> -> memref<640x128xf32, #tpu.memory_space<hbm>>
      %dma_wait3A_26 = arith.constant 0 : i32
      %dma_wait3A_27 = tpu.memref_slice %arg8[%mul3A_4, %dma_wait3A_26] : memref<10240x128xf32, #tpu.memory_space<vmem_shared>> -> memref<640x128xf32, #tpu.memory_space<vmem_shared>>
      tpu.wait_dma2 semaphore(%run_scoped3A : memref<!tpu.dma_semaphore, #tpu.memory_space<semaphore_mem>>) src(%dma_wait3A_27 : memref<640x128xf32, #tpu.memory_space<vmem_shared>>) dst(%dma_wait3A_25 : memref<640x128xf32, #tpu.memory_space<hbm>>)
      tpu.yield
    }) : () -> ()
    return
  }
}

#map = affine_map<(d0, d1) -> (0, 0)>
#map1 = affine_map<(d0, d1) -> (0, 0, 0)>
module attributes {stable_mosaic.version = 14 : i64} {
  func.func @_seg_sum_body(%arg0: i32, %arg1: i32, %arg2: memref<10000x128xf32, #tpu.memory_space<hbm>>, %arg3: memref<2528x2x128xi32, #tpu.memory_space<hbm>>, %arg4: memref<128x128xf32, #tpu.memory_space<hbm>>, %arg5: memref<2x10240x128xf32, #tpu.memory_space<hbm>>, %arg6: memref<2x128xi32, #tpu.memory_space<vmem>>, %arg7: memref<2x128xi32, #tpu.memory_space<vmem>>, %arg8: memref<128x128xf32, #tpu.memory_space<vmem>>, %arg9: memref<128x128xf32, #tpu.memory_space<vmem>>, %arg10: memref<10240x128xf32, #tpu.memory_space<vmem_shared>>, %arg11: memref<!tpu.dma_semaphore, #tpu.memory_space<semaphore_mem>>, %arg12: memref<!tpu.dma_semaphore, #tpu.memory_space<semaphore_mem>>, %arg13: memref<!tpu.dma_semaphore, #tpu.memory_space<semaphore_mem>>) attributes {dimension_semantics = [#tpu.dimension_semantics<core_parallel>, #tpu.dimension_semantics<subcore_parallel>], iteration_bounds = array<i64: 2, 16>, scalar_prefetch = 0 : i64, scratch_operands = 8 : i64, tpu.core_type = #tpu.core_type<sc_vector_subcore>, window_params = [{transform_indices = #map}, {transform_indices = #map1}, {transform_indices = #map}, {transform_indices = #map1}]} {
    %mul3A = arith.constant 2 : i32
    %mul3A_0 = arith.muli %arg1, %mul3A : i32
    %add3A = arith.addi %mul3A_0, %arg0 : i32
    %mul3A_1 = arith.constant 79 : i32
    %mul3A_2 = arith.muli %add3A, %mul3A_1 : i32
    "tpu.region"() ({
      %run_scoped3A_42 = tpu.sem_alloc : memref<!tpu.dma_semaphore, #tpu.memory_space<semaphore_mem>>
      tpu.enqueue_dma source(%arg4 : memref<128x128xf32, #tpu.memory_space<hbm>>) target(%arg8 : memref<128x128xf32, #tpu.memory_space<vmem>>) target_semaphore(%run_scoped3A_42 : memref<!tpu.dma_semaphore, #tpu.memory_space<semaphore_mem>>)
      tpu.wait_dma2 semaphore(%run_scoped3A_42 : memref<!tpu.dma_semaphore, #tpu.memory_space<semaphore_mem>>) src(%arg4 : memref<128x128xf32, #tpu.memory_space<hbm>>) dst(%arg8 : memref<128x128xf32, #tpu.memory_space<vmem>>)
      tpu.yield
    }) : () -> ()
    %mul3A_3 = arith.constant 640 : i32
    %mul3A_4 = arith.muli %arg1, %mul3A_3 : i32
    %add3A_5 = arith.constant 0 : i32
    %add3A_6 = arith.addi %mul3A_4, %add3A_5 : i32
    "tpu.region"() ({
      %run_scoped3A_42 = tpu.sem_alloc : memref<!tpu.dma_semaphore, #tpu.memory_space<semaphore_mem>>
      %dma_start3A_43 = arith.constant 0 : i32
      %dma_start3A_44 = tpu.memref_slice %arg10[%add3A_6, %dma_start3A_43] : memref<10240x128xf32, #tpu.memory_space<vmem_shared>> -> memref<128x128xf32, #tpu.memory_space<vmem_shared>>
      %dma_start3A_45 = arith.constant 0 : i32
      %dma_start3A_46 = tpu.memref_slice %arg10[%add3A_6, %dma_start3A_45] : memref<10240x128xf32, #tpu.memory_space<vmem_shared>> -> memref<128x128xf32, #tpu.memory_space<vmem_shared>>
      tpu.enqueue_dma source(%arg8 : memref<128x128xf32, #tpu.memory_space<vmem>>) target(%dma_start3A_46 : memref<128x128xf32, #tpu.memory_space<vmem_shared>>) target_semaphore(%run_scoped3A_42 : memref<!tpu.dma_semaphore, #tpu.memory_space<semaphore_mem>>)
      %dma_wait3A_47 = arith.constant 0 : i32
      %dma_wait3A_48 = tpu.memref_slice %arg10[%add3A_6, %dma_wait3A_47] : memref<10240x128xf32, #tpu.memory_space<vmem_shared>> -> memref<128x128xf32, #tpu.memory_space<vmem_shared>>
      %dma_wait3A_49 = arith.constant 0 : i32
      %dma_wait3A_50 = tpu.memref_slice %arg10[%add3A_6, %dma_wait3A_49] : memref<10240x128xf32, #tpu.memory_space<vmem_shared>> -> memref<128x128xf32, #tpu.memory_space<vmem_shared>>
      tpu.wait_dma2 semaphore(%run_scoped3A_42 : memref<!tpu.dma_semaphore, #tpu.memory_space<semaphore_mem>>) src(%arg8 : memref<128x128xf32, #tpu.memory_space<vmem>>) dst(%dma_wait3A_50 : memref<128x128xf32, #tpu.memory_space<vmem_shared>>)
      tpu.yield
    }) : () -> ()
    %add3A_7 = arith.constant 128 : i32
    %add3A_8 = arith.addi %mul3A_4, %add3A_7 : i32
    "tpu.region"() ({
      %run_scoped3A_42 = tpu.sem_alloc : memref<!tpu.dma_semaphore, #tpu.memory_space<semaphore_mem>>
      %dma_start3A_43 = arith.constant 0 : i32
      %dma_start3A_44 = tpu.memref_slice %arg10[%add3A_8, %dma_start3A_43] : memref<10240x128xf32, #tpu.memory_space<vmem_shared>> -> memref<128x128xf32, #tpu.memory_space<vmem_shared>>
      %dma_start3A_45 = arith.constant 0 : i32
      %dma_start3A_46 = tpu.memref_slice %arg10[%add3A_8, %dma_start3A_45] : memref<10240x128xf32, #tpu.memory_space<vmem_shared>> -> memref<128x128xf32, #tpu.memory_space<vmem_shared>>
      tpu.enqueue_dma source(%arg8 : memref<128x128xf32, #tpu.memory_space<vmem>>) target(%dma_start3A_46 : memref<128x128xf32, #tpu.memory_space<vmem_shared>>) target_semaphore(%run_scoped3A_42 : memref<!tpu.dma_semaphore, #tpu.memory_space<semaphore_mem>>)
      %dma_wait3A_47 = arith.constant 0 : i32
      %dma_wait3A_48 = tpu.memref_slice %arg10[%add3A_8, %dma_wait3A_47] : memref<10240x128xf32, #tpu.memory_space<vmem_shared>> -> memref<128x128xf32, #tpu.memory_space<vmem_shared>>
      %dma_wait3A_49 = arith.constant 0 : i32
      %dma_wait3A_50 = tpu.memref_slice %arg10[%add3A_8, %dma_wait3A_49] : memref<10240x128xf32, #tpu.memory_space<vmem_shared>> -> memref<128x128xf32, #tpu.memory_space<vmem_shared>>
      tpu.wait_dma2 semaphore(%run_scoped3A_42 : memref<!tpu.dma_semaphore, #tpu.memory_space<semaphore_mem>>) src(%arg8 : memref<128x128xf32, #tpu.memory_space<vmem>>) dst(%dma_wait3A_50 : memref<128x128xf32, #tpu.memory_space<vmem_shared>>)
      tpu.yield
    }) : () -> ()
    %add3A_9 = arith.constant 256 : i32
    %add3A_10 = arith.addi %mul3A_4, %add3A_9 : i32
    "tpu.region"() ({
      %run_scoped3A_42 = tpu.sem_alloc : memref<!tpu.dma_semaphore, #tpu.memory_space<semaphore_mem>>
      %dma_start3A_43 = arith.constant 0 : i32
      %dma_start3A_44 = tpu.memref_slice %arg10[%add3A_10, %dma_start3A_43] : memref<10240x128xf32, #tpu.memory_space<vmem_shared>> -> memref<128x128xf32, #tpu.memory_space<vmem_shared>>
      %dma_start3A_45 = arith.constant 0 : i32
      %dma_start3A_46 = tpu.memref_slice %arg10[%add3A_10, %dma_start3A_45] : memref<10240x128xf32, #tpu.memory_space<vmem_shared>> -> memref<128x128xf32, #tpu.memory_space<vmem_shared>>
      tpu.enqueue_dma source(%arg8 : memref<128x128xf32, #tpu.memory_space<vmem>>) target(%dma_start3A_46 : memref<128x128xf32, #tpu.memory_space<vmem_shared>>) target_semaphore(%run_scoped3A_42 : memref<!tpu.dma_semaphore, #tpu.memory_space<semaphore_mem>>)
      %dma_wait3A_47 = arith.constant 0 : i32
      %dma_wait3A_48 = tpu.memref_slice %arg10[%add3A_10, %dma_wait3A_47] : memref<10240x128xf32, #tpu.memory_space<vmem_shared>> -> memref<128x128xf32, #tpu.memory_space<vmem_shared>>
      %dma_wait3A_49 = arith.constant 0 : i32
      %dma_wait3A_50 = tpu.memref_slice %arg10[%add3A_10, %dma_wait3A_49] : memref<10240x128xf32, #tpu.memory_space<vmem_shared>> -> memref<128x128xf32, #tpu.memory_space<vmem_shared>>
      tpu.wait_dma2 semaphore(%run_scoped3A_42 : memref<!tpu.dma_semaphore, #tpu.memory_space<semaphore_mem>>) src(%arg8 : memref<128x128xf32, #tpu.memory_space<vmem>>) dst(%dma_wait3A_50 : memref<128x128xf32, #tpu.memory_space<vmem_shared>>)
      tpu.yield
    }) : () -> ()
    %add3A_11 = arith.constant 384 : i32
    %add3A_12 = arith.addi %mul3A_4, %add3A_11 : i32
    "tpu.region"() ({
      %run_scoped3A_42 = tpu.sem_alloc : memref<!tpu.dma_semaphore, #tpu.memory_space<semaphore_mem>>
      %dma_start3A_43 = arith.constant 0 : i32
      %dma_start3A_44 = tpu.memref_slice %arg10[%add3A_12, %dma_start3A_43] : memref<10240x128xf32, #tpu.memory_space<vmem_shared>> -> memref<128x128xf32, #tpu.memory_space<vmem_shared>>
      %dma_start3A_45 = arith.constant 0 : i32
      %dma_start3A_46 = tpu.memref_slice %arg10[%add3A_12, %dma_start3A_45] : memref<10240x128xf32, #tpu.memory_space<vmem_shared>> -> memref<128x128xf32, #tpu.memory_space<vmem_shared>>
      tpu.enqueue_dma source(%arg8 : memref<128x128xf32, #tpu.memory_space<vmem>>) target(%dma_start3A_46 : memref<128x128xf32, #tpu.memory_space<vmem_shared>>) target_semaphore(%run_scoped3A_42 : memref<!tpu.dma_semaphore, #tpu.memory_space<semaphore_mem>>)
      %dma_wait3A_47 = arith.constant 0 : i32
      %dma_wait3A_48 = tpu.memref_slice %arg10[%add3A_12, %dma_wait3A_47] : memref<10240x128xf32, #tpu.memory_space<vmem_shared>> -> memref<128x128xf32, #tpu.memory_space<vmem_shared>>
      %dma_wait3A_49 = arith.constant 0 : i32
      %dma_wait3A_50 = tpu.memref_slice %arg10[%add3A_12, %dma_wait3A_49] : memref<10240x128xf32, #tpu.memory_space<vmem_shared>> -> memref<128x128xf32, #tpu.memory_space<vmem_shared>>
      tpu.wait_dma2 semaphore(%run_scoped3A_42 : memref<!tpu.dma_semaphore, #tpu.memory_space<semaphore_mem>>) src(%arg8 : memref<128x128xf32, #tpu.memory_space<vmem>>) dst(%dma_wait3A_50 : memref<128x128xf32, #tpu.memory_space<vmem_shared>>)
      tpu.yield
    }) : () -> ()
    %add3A_13 = arith.constant 512 : i32
    %add3A_14 = arith.addi %mul3A_4, %add3A_13 : i32
    "tpu.region"() ({
      %run_scoped3A_42 = tpu.sem_alloc : memref<!tpu.dma_semaphore, #tpu.memory_space<semaphore_mem>>
      %dma_start3A_43 = arith.constant 0 : i32
      %dma_start3A_44 = tpu.memref_slice %arg10[%add3A_14, %dma_start3A_43] : memref<10240x128xf32, #tpu.memory_space<vmem_shared>> -> memref<128x128xf32, #tpu.memory_space<vmem_shared>>
      %dma_start3A_45 = arith.constant 0 : i32
      %dma_start3A_46 = tpu.memref_slice %arg10[%add3A_14, %dma_start3A_45] : memref<10240x128xf32, #tpu.memory_space<vmem_shared>> -> memref<128x128xf32, #tpu.memory_space<vmem_shared>>
      tpu.enqueue_dma source(%arg8 : memref<128x128xf32, #tpu.memory_space<vmem>>) target(%dma_start3A_46 : memref<128x128xf32, #tpu.memory_space<vmem_shared>>) target_semaphore(%run_scoped3A_42 : memref<!tpu.dma_semaphore, #tpu.memory_space<semaphore_mem>>)
      %dma_wait3A_47 = arith.constant 0 : i32
      %dma_wait3A_48 = tpu.memref_slice %arg10[%add3A_14, %dma_wait3A_47] : memref<10240x128xf32, #tpu.memory_space<vmem_shared>> -> memref<128x128xf32, #tpu.memory_space<vmem_shared>>
      %dma_wait3A_49 = arith.constant 0 : i32
      %dma_wait3A_50 = tpu.memref_slice %arg10[%add3A_14, %dma_wait3A_49] : memref<10240x128xf32, #tpu.memory_space<vmem_shared>> -> memref<128x128xf32, #tpu.memory_space<vmem_shared>>
      tpu.wait_dma2 semaphore(%run_scoped3A_42 : memref<!tpu.dma_semaphore, #tpu.memory_space<semaphore_mem>>) src(%arg8 : memref<128x128xf32, #tpu.memory_space<vmem>>) dst(%dma_wait3A_50 : memref<128x128xf32, #tpu.memory_space<vmem_shared>>)
      tpu.yield
    }) : () -> ()
    "tpu.region"() ({
      %run_scoped3A_42 = tpu.sem_alloc : memref<!tpu.dma_semaphore, #tpu.memory_space<semaphore_mem>>
      %dma_start3A_43 = arith.constant 0 : i32
      %dma_start3A_44 = arith.constant 0 : i32
      %dma_start3A_45 = tpu.memref_slice %arg3[%mul3A_2, %dma_start3A_43, %dma_start3A_44] : memref<2528x2x128xi32, #tpu.memory_space<hbm>> -> memref<1x2x128xi32, #tpu.memory_space<hbm>>
      %dma_start3A_46 = tpu.memref_squeeze %dma_start3A_45 : memref<1x2x128xi32, #tpu.memory_space<hbm>> -> memref<2x128xi32, #tpu.memory_space<hbm>>
      %dma_start3A_47 = arith.constant 0 : i32
      %dma_start3A_48 = arith.constant 0 : i32
      %dma_start3A_49 = tpu.memref_slice %arg3[%mul3A_2, %dma_start3A_47, %dma_start3A_48] : memref<2528x2x128xi32, #tpu.memory_space<hbm>> -> memref<1x2x128xi32, #tpu.memory_space<hbm>>
      %dma_start3A_50 = tpu.memref_squeeze %dma_start3A_49 : memref<1x2x128xi32, #tpu.memory_space<hbm>> -> memref<2x128xi32, #tpu.memory_space<hbm>>
      tpu.enqueue_dma source(%dma_start3A_50 : memref<2x128xi32, #tpu.memory_space<hbm>>) target(%arg6 : memref<2x128xi32, #tpu.memory_space<vmem>>) target_semaphore(%run_scoped3A_42 : memref<!tpu.dma_semaphore, #tpu.memory_space<semaphore_mem>>)
      %dma_wait3A_51 = arith.constant 0 : i32
      %dma_wait3A_52 = arith.constant 0 : i32
      %dma_wait3A_53 = tpu.memref_slice %arg3[%mul3A_2, %dma_wait3A_51, %dma_wait3A_52] : memref<2528x2x128xi32, #tpu.memory_space<hbm>> -> memref<1x2x128xi32, #tpu.memory_space<hbm>>
      %dma_wait3A_54 = tpu.memref_squeeze %dma_wait3A_53 : memref<1x2x128xi32, #tpu.memory_space<hbm>> -> memref<2x128xi32, #tpu.memory_space<hbm>>
      %dma_wait3A_55 = arith.constant 0 : i32
      %dma_wait3A_56 = arith.constant 0 : i32
      %dma_wait3A_57 = tpu.memref_slice %arg3[%mul3A_2, %dma_wait3A_55, %dma_wait3A_56] : memref<2528x2x128xi32, #tpu.memory_space<hbm>> -> memref<1x2x128xi32, #tpu.memory_space<hbm>>
      %dma_wait3A_58 = tpu.memref_squeeze %dma_wait3A_57 : memref<1x2x128xi32, #tpu.memory_space<hbm>> -> memref<2x128xi32, #tpu.memory_space<hbm>>
      tpu.wait_dma2 semaphore(%run_scoped3A_42 : memref<!tpu.dma_semaphore, #tpu.memory_space<semaphore_mem>>) src(%dma_wait3A_58 : memref<2x128xi32, #tpu.memory_space<hbm>>) dst(%arg6 : memref<2x128xi32, #tpu.memory_space<vmem>>)
      tpu.yield
    }) : () -> ()
    %dma_start3A = arith.constant 0 : i32
    %dma_start3A_15 = arith.constant 0 : i32
    %dma_start3A_16 = tpu.memref_slice %arg6[%dma_start3A, %dma_start3A_15] : memref<2x128xi32, #tpu.memory_space<vmem>> -> memref<1x128xi32, #tpu.memory_space<vmem>>
    %dma_start3A_17 = tpu.memref_squeeze %dma_start3A_16 : memref<1x128xi32, #tpu.memory_space<vmem>> -> memref<128xi32, #tpu.memory_space<vmem>>
    %dma_start3A_18 = arith.constant 0 : i32
    %dma_start3A_19 = arith.constant 0 : i32
    %dma_start3A_20 = tpu.memref_slice %arg2[%dma_start3A_18, %dma_start3A_19] : memref<10000x128xf32, #tpu.memory_space<hbm>> -> memref<10000x128xf32, #tpu.memory_space<hbm>>
    tpu.enqueue_indirect_dma source(%dma_start3A_20 : memref<10000x128xf32, #tpu.memory_space<hbm>>) target(%arg8 : memref<128x128xf32, #tpu.memory_space<vmem>>) offsets(%dma_start3A_17 : memref<128xi32, #tpu.memory_space<vmem>>) semaphore(%arg11 : memref<!tpu.dma_semaphore, #tpu.memory_space<semaphore_mem>>)
    %add3A_21 = arith.constant 1 : i32
    %add3A_22 = arith.addi %mul3A_2, %add3A_21 : i32
    %dma_start3A_23 = arith.constant 0 : i32
    %dma_start3A_24 = arith.constant 0 : i32
    %dma_start3A_25 = tpu.memref_slice %arg3[%add3A_22, %dma_start3A_23, %dma_start3A_24] : memref<2528x2x128xi32, #tpu.memory_space<hbm>> -> memref<1x2x128xi32, #tpu.memory_space<hbm>>
    %dma_start3A_26 = tpu.memref_squeeze %dma_start3A_25 : memref<1x2x128xi32, #tpu.memory_space<hbm>> -> memref<2x128xi32, #tpu.memory_space<hbm>>
    %dma_start3A_27 = arith.constant 0 : i32
    %dma_start3A_28 = arith.constant 0 : i32
    %dma_start3A_29 = tpu.memref_slice %arg3[%add3A_22, %dma_start3A_27, %dma_start3A_28] : memref<2528x2x128xi32, #tpu.memory_space<hbm>> -> memref<1x2x128xi32, #tpu.memory_space<hbm>>
    %dma_start3A_30 = tpu.memref_squeeze %dma_start3A_29 : memref<1x2x128xi32, #tpu.memory_space<hbm>> -> memref<2x128xi32, #tpu.memory_space<hbm>>
    tpu.enqueue_dma source(%dma_start3A_30 : memref<2x128xi32, #tpu.memory_space<hbm>>) target(%arg7 : memref<2x128xi32, #tpu.memory_space<vmem>>) target_semaphore(%arg13 : memref<!tpu.dma_semaphore, #tpu.memory_space<semaphore_mem>>)
    %barrier3A = arith.constant 0 : index
    tpu.barrier barrier_id(%barrier3A)
    %scan3A = arith.constant 0 : i32
    %scan3A_31 = arith.constant 39 : i32
    %scan3A_32 = arith.addi %scan3A, %scan3A_31 : i32
    %scan3A_33 = arith.constant 1 : i32
    scf.for %scan3A_42 = %scan3A to %scan3A_32 step %scan3A_33  : i32 {
      %mul3A_43 = arith.constant 2 : i32
      %mul3A_44 = arith.muli %scan3A_42, %mul3A_43 : i32
      %add3A_45 = arith.constant 0 : i32
      %add3A_46 = arith.addi %add3A_45, %mul3A_44 : i32
      %add3A_47 = arith.addi %mul3A_2, %add3A_46 : i32
      %add3A_48 = arith.constant 1 : i32
      %add3A_49 = arith.addi %add3A_47, %add3A_48 : i32
      %dma_wait3A_50 = arith.constant 0 : i32
      %dma_wait3A_51 = arith.constant 0 : i32
      %dma_wait3A_52 = tpu.memref_slice %arg3[%add3A_49, %dma_wait3A_50, %dma_wait3A_51] : memref<2528x2x128xi32, #tpu.memory_space<hbm>> -> memref<1x2x128xi32, #tpu.memory_space<hbm>>
      %dma_wait3A_53 = tpu.memref_squeeze %dma_wait3A_52 : memref<1x2x128xi32, #tpu.memory_space<hbm>> -> memref<2x128xi32, #tpu.memory_space<hbm>>
      %dma_wait3A_54 = arith.constant 0 : i32
      %dma_wait3A_55 = arith.constant 0 : i32
      %dma_wait3A_56 = tpu.memref_slice %arg3[%add3A_49, %dma_wait3A_54, %dma_wait3A_55] : memref<2528x2x128xi32, #tpu.memory_space<hbm>> -> memref<1x2x128xi32, #tpu.memory_space<hbm>>
      %dma_wait3A_57 = tpu.memref_squeeze %dma_wait3A_56 : memref<1x2x128xi32, #tpu.memory_space<hbm>> -> memref<2x128xi32, #tpu.memory_space<hbm>>
      tpu.wait_dma2 semaphore(%arg13 : memref<!tpu.dma_semaphore, #tpu.memory_space<semaphore_mem>>) src(%dma_wait3A_57 : memref<2x128xi32, #tpu.memory_space<hbm>>) dst(%arg7 : memref<2x128xi32, #tpu.memory_space<vmem>>)
      %dma_start3A_58 = arith.constant 0 : i32
      %dma_start3A_59 = arith.constant 0 : i32
      %dma_start3A_60 = tpu.memref_slice %arg7[%dma_start3A_58, %dma_start3A_59] : memref<2x128xi32, #tpu.memory_space<vmem>> -> memref<1x128xi32, #tpu.memory_space<vmem>>
      %dma_start3A_61 = tpu.memref_squeeze %dma_start3A_60 : memref<1x128xi32, #tpu.memory_space<vmem>> -> memref<128xi32, #tpu.memory_space<vmem>>
      %dma_start3A_62 = arith.constant 0 : i32
      %dma_start3A_63 = arith.constant 0 : i32
      %dma_start3A_64 = tpu.memref_slice %arg2[%dma_start3A_62, %dma_start3A_63] : memref<10000x128xf32, #tpu.memory_space<hbm>> -> memref<10000x128xf32, #tpu.memory_space<hbm>>
      tpu.enqueue_indirect_dma source(%dma_start3A_64 : memref<10000x128xf32, #tpu.memory_space<hbm>>) target(%arg9 : memref<128x128xf32, #tpu.memory_space<vmem>>) offsets(%dma_start3A_61 : memref<128xi32, #tpu.memory_space<vmem>>) semaphore(%arg12 : memref<!tpu.dma_semaphore, #tpu.memory_space<semaphore_mem>>)
      %dma_wait3A_65 = arith.constant 0 : i32
      %dma_wait3A_66 = arith.constant 0 : i32
      %dma_wait3A_67 = tpu.memref_slice %arg6[%dma_wait3A_65, %dma_wait3A_66] : memref<2x128xi32, #tpu.memory_space<vmem>> -> memref<1x128xi32, #tpu.memory_space<vmem>>
      %dma_wait3A_68 = tpu.memref_squeeze %dma_wait3A_67 : memref<1x128xi32, #tpu.memory_space<vmem>> -> memref<128xi32, #tpu.memory_space<vmem>>
      %dma_wait3A_69 = arith.constant 0 : i32
      %dma_wait3A_70 = arith.constant 0 : i32
      %dma_wait3A_71 = tpu.memref_slice %arg2[%dma_wait3A_69, %dma_wait3A_70] : memref<10000x128xf32, #tpu.memory_space<hbm>> -> memref<10000x128xf32, #tpu.memory_space<hbm>>
      tpu.wait_indirect_dma semaphore(%arg11 : memref<!tpu.dma_semaphore, #tpu.memory_space<semaphore_mem>>) src(%dma_wait3A_71 : memref<10000x128xf32, #tpu.memory_space<hbm>>) dst(%arg8 : memref<128x128xf32, #tpu.memory_space<vmem>>)
      %run_scoped3A_72 = arith.constant 1 : i32
      "tpu.region"() ({
        %run_scoped3A_112 = tpu.sem_alloc : memref<!tpu.dma_semaphore, #tpu.memory_space<semaphore_mem>>
        %dma_start3A_113 = arith.constant 0 : i32
        %dma_start3A_114 = tpu.memref_slice %arg6[%run_scoped3A_72, %dma_start3A_113] : memref<2x128xi32, #tpu.memory_space<vmem>> -> memref<1x128xi32, #tpu.memory_space<vmem>>
        %dma_start3A_115 = tpu.memref_squeeze %dma_start3A_114 : memref<1x128xi32, #tpu.memory_space<vmem>> -> memref<128xi32, #tpu.memory_space<vmem>>
        %dma_start3A_116 = arith.constant 0 : i32
        %dma_start3A_117 = arith.constant 0 : i32
        %dma_start3A_118 = tpu.memref_slice %arg10[%dma_start3A_116, %dma_start3A_117] : memref<10240x128xf32, #tpu.memory_space<vmem_shared>> -> memref<10240x128xf32, #tpu.memory_space<vmem_shared>>
        tpu.enqueue_indirect_dma source(%arg8 : memref<128x128xf32, #tpu.memory_space<vmem>>) target(%dma_start3A_118 : memref<10240x128xf32, #tpu.memory_space<vmem_shared>>) offsets(%dma_start3A_115 : memref<128xi32, #tpu.memory_space<vmem>>) semaphore(%run_scoped3A_112 : memref<!tpu.dma_semaphore, #tpu.memory_space<semaphore_mem>>) {add = true}
        %dma_wait3A_119 = arith.constant 0 : i32
        %dma_wait3A_120 = tpu.memref_slice %arg6[%run_scoped3A_72, %dma_wait3A_119] : memref<2x128xi32, #tpu.memory_space<vmem>> -> memref<1x128xi32, #tpu.memory_space<vmem>>
        %dma_wait3A_121 = tpu.memref_squeeze %dma_wait3A_120 : memref<1x128xi32, #tpu.memory_space<vmem>> -> memref<128xi32, #tpu.memory_space<vmem>>
        %dma_wait3A_122 = arith.constant 0 : i32
        %dma_wait3A_123 = arith.constant 0 : i32
        %dma_wait3A_124 = tpu.memref_slice %arg10[%dma_wait3A_122, %dma_wait3A_123] : memref<10240x128xf32, #tpu.memory_space<vmem_shared>> -> memref<10240x128xf32, #tpu.memory_space<vmem_shared>>
        tpu.wait_indirect_dma semaphore(%run_scoped3A_112 : memref<!tpu.dma_semaphore, #tpu.memory_space<semaphore_mem>>) src(%arg8 : memref<128x128xf32, #tpu.memory_space<vmem>>) dst(%dma_wait3A_124 : memref<10240x128xf32, #tpu.memory_space<vmem_shared>>)
        tpu.yield
      }) : () -> ()
      %add3A_73 = arith.addi %mul3A_2, %add3A_46 : i32
      %add3A_74 = arith.constant 2 : i32
      %add3A_75 = arith.addi %add3A_73, %add3A_74 : i32
      %dma_start3A_76 = arith.constant 0 : i32
      %dma_start3A_77 = arith.constant 0 : i32
      %dma_start3A_78 = tpu.memref_slice %arg3[%add3A_75, %dma_start3A_76, %dma_start3A_77] : memref<2528x2x128xi32, #tpu.memory_space<hbm>> -> memref<1x2x128xi32, #tpu.memory_space<hbm>>
      %dma_start3A_79 = tpu.memref_squeeze %dma_start3A_78 : memref<1x2x128xi32, #tpu.memory_space<hbm>> -> memref<2x128xi32, #tpu.memory_space<hbm>>
      %dma_start3A_80 = arith.constant 0 : i32
      %dma_start3A_81 = arith.constant 0 : i32
      %dma_start3A_82 = tpu.memref_slice %arg3[%add3A_75, %dma_start3A_80, %dma_start3A_81] : memref<2528x2x128xi32, #tpu.memory_space<hbm>> -> memref<1x2x128xi32, #tpu.memory_space<hbm>>
      %dma_start3A_83 = tpu.memref_squeeze %dma_start3A_82 : memref<1x2x128xi32, #tpu.memory_space<hbm>> -> memref<2x128xi32, #tpu.memory_space<hbm>>
      tpu.enqueue_dma source(%dma_start3A_83 : memref<2x128xi32, #tpu.memory_space<hbm>>) target(%arg6 : memref<2x128xi32, #tpu.memory_space<vmem>>) target_semaphore(%arg13 : memref<!tpu.dma_semaphore, #tpu.memory_space<semaphore_mem>>)
      %add3A_84 = arith.addi %mul3A_2, %add3A_46 : i32
      %add3A_85 = arith.constant 2 : i32
      %add3A_86 = arith.addi %add3A_84, %add3A_85 : i32
      %dma_wait3A_87 = arith.constant 0 : i32
      %dma_wait3A_88 = arith.constant 0 : i32
      %dma_wait3A_89 = tpu.memref_slice %arg3[%add3A_86, %dma_wait3A_87, %dma_wait3A_88] : memref<2528x2x128xi32, #tpu.memory_space<hbm>> -> memref<1x2x128xi32, #tpu.memory_space<hbm>>
      %dma_wait3A_90 = tpu.memref_squeeze %dma_wait3A_89 : memref<1x2x128xi32, #tpu.memory_space<hbm>> -> memref<2x128xi32, #tpu.memory_space<hbm>>
      %dma_wait3A_91 = arith.constant 0 : i32
      %dma_wait3A_92 = arith.constant 0 : i32
      %dma_wait3A_93 = tpu.memref_slice %arg3[%add3A_86, %dma_wait3A_91, %dma_wait3A_92] : memref<2528x2x128xi32, #tpu.memory_space<hbm>> -> memref<1x2x128xi32, #tpu.memory_space<hbm>>
      %dma_wait3A_94 = tpu.memref_squeeze %dma_wait3A_93 : memref<1x2x128xi32, #tpu.memory_space<hbm>> -> memref<2x128xi32, #tpu.memory_space<hbm>>
      tpu.wait_dma2 semaphore(%arg13 : memref<!tpu.dma_semaphore, #tpu.memory_space<semaphore_mem>>) src(%dma_wait3A_94 : memref<2x128xi32, #tpu.memory_space<hbm>>) dst(%arg6 : memref<2x128xi32, #tpu.memory_space<vmem>>)
      %dma_start3A_95 = arith.constant 0 : i32
      %dma_start3A_96 = arith.constant 0 : i32
      %dma_start3A_97 = tpu.memref_slice %arg6[%dma_start3A_95, %dma_start3A_96] : memref<2x128xi32, #tpu.memory_space<vmem>> -> memref<1x128xi32, #tpu.memory_space<vmem>>
      %dma_start3A_98 = tpu.memref_squeeze %dma_start3A_97 : memref<1x128xi32, #tpu.memory_space<vmem>> -> memref<128xi32, #tpu.memory_space<vmem>>
      %dma_start3A_99 = arith.constant 0 : i32
      %dma_start3A_100 = arith.constant 0 : i32
      %dma_start3A_101 = tpu.memref_slice %arg2[%dma_start3A_99, %dma_start3A_100] : memref<10000x128xf32, #tpu.memory_space<hbm>> -> memref<10000x128xf32, #tpu.memory_space<hbm>>
      tpu.enqueue_indirect_dma source(%dma_start3A_101 : memref<10000x128xf32, #tpu.memory_space<hbm>>) target(%arg8 : memref<128x128xf32, #tpu.memory_space<vmem>>) offsets(%dma_start3A_98 : memref<128xi32, #tpu.memory_space<vmem>>) semaphore(%arg11 : memref<!tpu.dma_semaphore, #tpu.memory_space<semaphore_mem>>)
      %dma_wait3A_102 = arith.constant 0 : i32
      %dma_wait3A_103 = arith.constant 0 : i32
      %dma_wait3A_104 = tpu.memref_slice %arg7[%dma_wait3A_102, %dma_wait3A_103] : memref<2x128xi32, #tpu.memory_space<vmem>> -> memref<1x128xi32, #tpu.memory_space<vmem>>
      %dma_wait3A_105 = tpu.memref_squeeze %dma_wait3A_104 : memref<1x128xi32, #tpu.memory_space<vmem>> -> memref<128xi32, #tpu.memory_space<vmem>>
      %dma_wait3A_106 = arith.constant 0 : i32
      %dma_wait3A_107 = arith.constant 0 : i32
      %dma_wait3A_108 = tpu.memref_slice %arg2[%dma_wait3A_106, %dma_wait3A_107] : memref<10000x128xf32, #tpu.memory_space<hbm>> -> memref<10000x128xf32, #tpu.memory_space<hbm>>
      tpu.wait_indirect_dma semaphore(%arg12 : memref<!tpu.dma_semaphore, #tpu.memory_space<semaphore_mem>>) src(%dma_wait3A_108 : memref<10000x128xf32, #tpu.memory_space<hbm>>) dst(%arg9 : memref<128x128xf32, #tpu.memory_space<vmem>>)
      %run_scoped3A_109 = arith.constant 1 : i32
      "tpu.region"() ({
        %run_scoped3A_112 = tpu.sem_alloc : memref<!tpu.dma_semaphore, #tpu.memory_space<semaphore_mem>>
        %dma_start3A_113 = arith.constant 0 : i32
        %dma_start3A_114 = tpu.memref_slice %arg7[%run_scoped3A_109, %dma_start3A_113] : memref<2x128xi32, #tpu.memory_space<vmem>> -> memref<1x128xi32, #tpu.memory_space<vmem>>
        %dma_start3A_115 = tpu.memref_squeeze %dma_start3A_114 : memref<1x128xi32, #tpu.memory_space<vmem>> -> memref<128xi32, #tpu.memory_space<vmem>>
        %dma_start3A_116 = arith.constant 0 : i32
        %dma_start3A_117 = arith.constant 0 : i32
        %dma_start3A_118 = tpu.memref_slice %arg10[%dma_start3A_116, %dma_start3A_117] : memref<10240x128xf32, #tpu.memory_space<vmem_shared>> -> memref<10240x128xf32, #tpu.memory_space<vmem_shared>>
        tpu.enqueue_indirect_dma source(%arg9 : memref<128x128xf32, #tpu.memory_space<vmem>>) target(%dma_start3A_118 : memref<10240x128xf32, #tpu.memory_space<vmem_shared>>) offsets(%dma_start3A_115 : memref<128xi32, #tpu.memory_space<vmem>>) semaphore(%run_scoped3A_112 : memref<!tpu.dma_semaphore, #tpu.memory_space<semaphore_mem>>) {add = true}
        %dma_wait3A_119 = arith.constant 0 : i32
        %dma_wait3A_120 = tpu.memref_slice %arg7[%run_scoped3A_109, %dma_wait3A_119] : memref<2x128xi32, #tpu.memory_space<vmem>> -> memref<1x128xi32, #tpu.memory_space<vmem>>
        %dma_wait3A_121 = tpu.memref_squeeze %dma_wait3A_120 : memref<1x128xi32, #tpu.memory_space<vmem>> -> memref<128xi32, #tpu.memory_space<vmem>>
        %dma_wait3A_122 = arith.constant 0 : i32
        %dma_wait3A_123 = arith.constant 0 : i32
        %dma_wait3A_124 = tpu.memref_slice %arg10[%dma_wait3A_122, %dma_wait3A_123] : memref<10240x128xf32, #tpu.memory_space<vmem_shared>> -> memref<10240x128xf32, #tpu.memory_space<vmem_shared>>
        tpu.wait_indirect_dma semaphore(%run_scoped3A_112 : memref<!tpu.dma_semaphore, #tpu.memory_space<semaphore_mem>>) src(%arg9 : memref<128x128xf32, #tpu.memory_space<vmem>>) dst(%dma_wait3A_124 : memref<10240x128xf32, #tpu.memory_space<vmem_shared>>)
        tpu.yield
      }) : () -> ()
      %lt3A = arith.constant 76 : i32
      %lt3A_110 = arith.cmpi slt, %add3A_46, %lt3A : i32
      %convert_element_type3A = arith.extui %lt3A_110 : i1 to i32
      %cond3A = arith.constant 0 : i32
      %cond3A_111 = arith.cmpi ne, %convert_element_type3A, %cond3A : i32
      scf.if %cond3A_111 {
        %add3A_112 = arith.addi %mul3A_2, %add3A_46 : i32
        %add3A_113 = arith.constant 3 : i32
        %add3A_114 = arith.addi %add3A_112, %add3A_113 : i32
        %dma_start3A_115 = arith.constant 0 : i32
        %dma_start3A_116 = arith.constant 0 : i32
        %dma_start3A_117 = tpu.memref_slice %arg3[%add3A_114, %dma_start3A_115, %dma_start3A_116] : memref<2528x2x128xi32, #tpu.memory_space<hbm>> -> memref<1x2x128xi32, #tpu.memory_space<hbm>>
        %dma_start3A_118 = tpu.memref_squeeze %dma_start3A_117 : memref<1x2x128xi32, #tpu.memory_space<hbm>> -> memref<2x128xi32, #tpu.memory_space<hbm>>
        %dma_start3A_119 = arith.constant 0 : i32
        %dma_start3A_120 = arith.constant 0 : i32
        %dma_start3A_121 = tpu.memref_slice %arg3[%add3A_114, %dma_start3A_119, %dma_start3A_120] : memref<2528x2x128xi32, #tpu.memory_space<hbm>> -> memref<1x2x128xi32, #tpu.memory_space<hbm>>
        %dma_start3A_122 = tpu.memref_squeeze %dma_start3A_121 : memref<1x2x128xi32, #tpu.memory_space<hbm>> -> memref<2x128xi32, #tpu.memory_space<hbm>>
        tpu.enqueue_dma source(%dma_start3A_122 : memref<2x128xi32, #tpu.memory_space<hbm>>) target(%arg7 : memref<2x128xi32, #tpu.memory_space<vmem>>) target_semaphore(%arg13 : memref<!tpu.dma_semaphore, #tpu.memory_space<semaphore_mem>>)
      } else {
      }
    }
    %scan3A_34 = arith.constant 39 : i32
    %dma_wait3A = arith.constant 0 : i32
    %dma_wait3A_35 = arith.constant 0 : i32
    %dma_wait3A_36 = tpu.memref_slice %arg6[%dma_wait3A, %dma_wait3A_35] : memref<2x128xi32, #tpu.memory_space<vmem>> -> memref<1x128xi32, #tpu.memory_space<vmem>>
    %dma_wait3A_37 = tpu.memref_squeeze %dma_wait3A_36 : memref<1x128xi32, #tpu.memory_space<vmem>> -> memref<128xi32, #tpu.memory_space<vmem>>
    %dma_wait3A_38 = arith.constant 0 : i32
    %dma_wait3A_39 = arith.constant 0 : i32
    %dma_wait3A_40 = tpu.memref_slice %arg2[%dma_wait3A_38, %dma_wait3A_39] : memref<10000x128xf32, #tpu.memory_space<hbm>> -> memref<10000x128xf32, #tpu.memory_space<hbm>>
    tpu.wait_indirect_dma semaphore(%arg11 : memref<!tpu.dma_semaphore, #tpu.memory_space<semaphore_mem>>) src(%dma_wait3A_40 : memref<10000x128xf32, #tpu.memory_space<hbm>>) dst(%arg8 : memref<128x128xf32, #tpu.memory_space<vmem>>)
    %run_scoped3A = arith.constant 1 : i32
    "tpu.region"() ({
      %run_scoped3A_42 = tpu.sem_alloc : memref<!tpu.dma_semaphore, #tpu.memory_space<semaphore_mem>>
      %dma_start3A_43 = arith.constant 0 : i32
      %dma_start3A_44 = tpu.memref_slice %arg6[%run_scoped3A, %dma_start3A_43] : memref<2x128xi32, #tpu.memory_space<vmem>> -> memref<1x128xi32, #tpu.memory_space<vmem>>
      %dma_start3A_45 = tpu.memref_squeeze %dma_start3A_44 : memref<1x128xi32, #tpu.memory_space<vmem>> -> memref<128xi32, #tpu.memory_space<vmem>>
      %dma_start3A_46 = arith.constant 0 : i32
      %dma_start3A_47 = arith.constant 0 : i32
      %dma_start3A_48 = tpu.memref_slice %arg10[%dma_start3A_46, %dma_start3A_47] : memref<10240x128xf32, #tpu.memory_space<vmem_shared>> -> memref<10240x128xf32, #tpu.memory_space<vmem_shared>>
      tpu.enqueue_indirect_dma source(%arg8 : memref<128x128xf32, #tpu.memory_space<vmem>>) target(%dma_start3A_48 : memref<10240x128xf32, #tpu.memory_space<vmem_shared>>) offsets(%dma_start3A_45 : memref<128xi32, #tpu.memory_space<vmem>>) semaphore(%run_scoped3A_42 : memref<!tpu.dma_semaphore, #tpu.memory_space<semaphore_mem>>) {add = true}
      %dma_wait3A_49 = arith.constant 0 : i32
      %dma_wait3A_50 = tpu.memref_slice %arg6[%run_scoped3A, %dma_wait3A_49] : memref<2x128xi32, #tpu.memory_space<vmem>> -> memref<1x128xi32, #tpu.memory_space<vmem>>
      %dma_wait3A_51 = tpu.memref_squeeze %dma_wait3A_50 : memref<1x128xi32, #tpu.memory_space<vmem>> -> memref<128xi32, #tpu.memory_space<vmem>>
      %dma_wait3A_52 = arith.constant 0 : i32
      %dma_wait3A_53 = arith.constant 0 : i32
      %dma_wait3A_54 = tpu.memref_slice %arg10[%dma_wait3A_52, %dma_wait3A_53] : memref<10240x128xf32, #tpu.memory_space<vmem_shared>> -> memref<10240x128xf32, #tpu.memory_space<vmem_shared>>
      tpu.wait_indirect_dma semaphore(%run_scoped3A_42 : memref<!tpu.dma_semaphore, #tpu.memory_space<semaphore_mem>>) src(%arg8 : memref<128x128xf32, #tpu.memory_space<vmem>>) dst(%dma_wait3A_54 : memref<10240x128xf32, #tpu.memory_space<vmem_shared>>)
      tpu.yield
    }) : () -> ()
    %barrier3A_41 = arith.constant 0 : index
    tpu.barrier barrier_id(%barrier3A_41)
    "tpu.region"() ({
      %run_scoped3A_42 = tpu.sem_alloc : memref<!tpu.dma_semaphore, #tpu.memory_space<semaphore_mem>>
      %dma_start3A_43 = arith.constant 0 : i32
      %dma_start3A_44 = tpu.memref_slice %arg5[%arg0, %mul3A_4, %dma_start3A_43] : memref<2x10240x128xf32, #tpu.memory_space<hbm>> -> memref<1x640x128xf32, #tpu.memory_space<hbm>>
      %dma_start3A_45 = tpu.memref_squeeze %dma_start3A_44 : memref<1x640x128xf32, #tpu.memory_space<hbm>> -> memref<640x128xf32, #tpu.memory_space<hbm>>
      %dma_start3A_46 = arith.constant 0 : i32
      %dma_start3A_47 = tpu.memref_slice %arg10[%mul3A_4, %dma_start3A_46] : memref<10240x128xf32, #tpu.memory_space<vmem_shared>> -> memref<640x128xf32, #tpu.memory_space<vmem_shared>>
      tpu.enqueue_dma source(%dma_start3A_47 : memref<640x128xf32, #tpu.memory_space<vmem_shared>>) target(%dma_start3A_45 : memref<640x128xf32, #tpu.memory_space<hbm>>) target_semaphore(%run_scoped3A_42 : memref<!tpu.dma_semaphore, #tpu.memory_space<semaphore_mem>>)
      %dma_wait3A_48 = arith.constant 0 : i32
      %dma_wait3A_49 = tpu.memref_slice %arg5[%arg0, %mul3A_4, %dma_wait3A_48] : memref<2x10240x128xf32, #tpu.memory_space<hbm>> -> memref<1x640x128xf32, #tpu.memory_space<hbm>>
      %dma_wait3A_50 = tpu.memref_squeeze %dma_wait3A_49 : memref<1x640x128xf32, #tpu.memory_space<hbm>> -> memref<640x128xf32, #tpu.memory_space<hbm>>
      %dma_wait3A_51 = arith.constant 0 : i32
      %dma_wait3A_52 = tpu.memref_slice %arg10[%mul3A_4, %dma_wait3A_51] : memref<10240x128xf32, #tpu.memory_space<vmem_shared>> -> memref<640x128xf32, #tpu.memory_space<vmem_shared>>
      tpu.wait_dma2 semaphore(%run_scoped3A_42 : memref<!tpu.dma_semaphore, #tpu.memory_space<semaphore_mem>>) src(%dma_wait3A_52 : memref<640x128xf32, #tpu.memory_space<vmem_shared>>) dst(%dma_wait3A_50 : memref<640x128xf32, #tpu.memory_space<hbm>>)
      tpu.yield
    }) : () -> ()
    return
  }
}

#map = affine_map<(d0, d1) -> (0, 0)>
#map1 = affine_map<(d0, d1) -> (0, 0, 0)>
module attributes {stable_mosaic.version = 14 : i64} {
  func.func @_seg_sum_body(%arg0: i32, %arg1: i32, %arg2: memref<10000x128xf32, #tpu.memory_space<hbm>>, %arg3: memref<2528x2x128xi32, #tpu.memory_space<hbm>>, %arg4: memref<128x128xf32, #tpu.memory_space<hbm>>, %arg5: memref<2x10240x128xf32, #tpu.memory_space<hbm>>, %arg6: memref<2x128xi32, #tpu.memory_space<vmem>>, %arg7: memref<2x128xi32, #tpu.memory_space<vmem>>, %arg8: memref<128x128xf32, #tpu.memory_space<vmem>>, %arg9: memref<128x128xf32, #tpu.memory_space<vmem>>, %arg10: memref<10240x128xf32, #tpu.memory_space<vmem_shared>>, %arg11: memref<!tpu.dma_semaphore, #tpu.memory_space<semaphore_mem>>, %arg12: memref<!tpu.dma_semaphore, #tpu.memory_space<semaphore_mem>>, %arg13: memref<!tpu.dma_semaphore, #tpu.memory_space<semaphore_mem>>) attributes {dimension_semantics = [#tpu.dimension_semantics<core_parallel>, #tpu.dimension_semantics<subcore_parallel>], iteration_bounds = array<i64: 2, 16>, scalar_prefetch = 0 : i64, scratch_operands = 8 : i64, tpu.core_type = #tpu.core_type<sc_vector_subcore>, window_params = [{transform_indices = #map}, {transform_indices = #map1}, {transform_indices = #map}, {transform_indices = #map1}]} {
    %mul3A = arith.constant 2 : i32
    %mul3A_0 = arith.muli %arg1, %mul3A : i32
    %add3A = arith.addi %mul3A_0, %arg0 : i32
    %mul3A_1 = arith.constant 79 : i32
    %mul3A_2 = arith.muli %add3A, %mul3A_1 : i32
    "tpu.region"() ({
      %run_scoped3A_42 = tpu.sem_alloc : memref<!tpu.dma_semaphore, #tpu.memory_space<semaphore_mem>>
      tpu.enqueue_dma source(%arg4 : memref<128x128xf32, #tpu.memory_space<hbm>>) target(%arg8 : memref<128x128xf32, #tpu.memory_space<vmem>>) target_semaphore(%run_scoped3A_42 : memref<!tpu.dma_semaphore, #tpu.memory_space<semaphore_mem>>)
      tpu.wait_dma2 semaphore(%run_scoped3A_42 : memref<!tpu.dma_semaphore, #tpu.memory_space<semaphore_mem>>) src(%arg4 : memref<128x128xf32, #tpu.memory_space<hbm>>) dst(%arg8 : memref<128x128xf32, #tpu.memory_space<vmem>>)
      tpu.yield
    }) : () -> ()
    %mul3A_3 = arith.constant 640 : i32
    %mul3A_4 = arith.muli %arg1, %mul3A_3 : i32
    %add3A_5 = arith.constant 0 : i32
    %add3A_6 = arith.addi %mul3A_4, %add3A_5 : i32
    "tpu.region"() ({
      %run_scoped3A_42 = tpu.sem_alloc : memref<!tpu.dma_semaphore, #tpu.memory_space<semaphore_mem>>
      %dma_start3A_43 = arith.constant 0 : i32
      %dma_start3A_44 = tpu.memref_slice %arg10[%add3A_6, %dma_start3A_43] : memref<10240x128xf32, #tpu.memory_space<vmem_shared>> -> memref<128x128xf32, #tpu.memory_space<vmem_shared>>
      %dma_start3A_45 = arith.constant 0 : i32
      %dma_start3A_46 = tpu.memref_slice %arg10[%add3A_6, %dma_start3A_45] : memref<10240x128xf32, #tpu.memory_space<vmem_shared>> -> memref<128x128xf32, #tpu.memory_space<vmem_shared>>
      tpu.enqueue_dma source(%arg8 : memref<128x128xf32, #tpu.memory_space<vmem>>) target(%dma_start3A_46 : memref<128x128xf32, #tpu.memory_space<vmem_shared>>) target_semaphore(%run_scoped3A_42 : memref<!tpu.dma_semaphore, #tpu.memory_space<semaphore_mem>>)
      %dma_wait3A_47 = arith.constant 0 : i32
      %dma_wait3A_48 = tpu.memref_slice %arg10[%add3A_6, %dma_wait3A_47] : memref<10240x128xf32, #tpu.memory_space<vmem_shared>> -> memref<128x128xf32, #tpu.memory_space<vmem_shared>>
      %dma_wait3A_49 = arith.constant 0 : i32
      %dma_wait3A_50 = tpu.memref_slice %arg10[%add3A_6, %dma_wait3A_49] : memref<10240x128xf32, #tpu.memory_space<vmem_shared>> -> memref<128x128xf32, #tpu.memory_space<vmem_shared>>
      tpu.wait_dma2 semaphore(%run_scoped3A_42 : memref<!tpu.dma_semaphore, #tpu.memory_space<semaphore_mem>>) src(%arg8 : memref<128x128xf32, #tpu.memory_space<vmem>>) dst(%dma_wait3A_50 : memref<128x128xf32, #tpu.memory_space<vmem_shared>>)
      tpu.yield
    }) : () -> ()
    %add3A_7 = arith.constant 128 : i32
    %add3A_8 = arith.addi %mul3A_4, %add3A_7 : i32
    "tpu.region"() ({
      %run_scoped3A_42 = tpu.sem_alloc : memref<!tpu.dma_semaphore, #tpu.memory_space<semaphore_mem>>
      %dma_start3A_43 = arith.constant 0 : i32
      %dma_start3A_44 = tpu.memref_slice %arg10[%add3A_8, %dma_start3A_43] : memref<10240x128xf32, #tpu.memory_space<vmem_shared>> -> memref<128x128xf32, #tpu.memory_space<vmem_shared>>
      %dma_start3A_45 = arith.constant 0 : i32
      %dma_start3A_46 = tpu.memref_slice %arg10[%add3A_8, %dma_start3A_45] : memref<10240x128xf32, #tpu.memory_space<vmem_shared>> -> memref<128x128xf32, #tpu.memory_space<vmem_shared>>
      tpu.enqueue_dma source(%arg8 : memref<128x128xf32, #tpu.memory_space<vmem>>) target(%dma_start3A_46 : memref<128x128xf32, #tpu.memory_space<vmem_shared>>) target_semaphore(%run_scoped3A_42 : memref<!tpu.dma_semaphore, #tpu.memory_space<semaphore_mem>>)
      %dma_wait3A_47 = arith.constant 0 : i32
      %dma_wait3A_48 = tpu.memref_slice %arg10[%add3A_8, %dma_wait3A_47] : memref<10240x128xf32, #tpu.memory_space<vmem_shared>> -> memref<128x128xf32, #tpu.memory_space<vmem_shared>>
      %dma_wait3A_49 = arith.constant 0 : i32
      %dma_wait3A_50 = tpu.memref_slice %arg10[%add3A_8, %dma_wait3A_49] : memref<10240x128xf32, #tpu.memory_space<vmem_shared>> -> memref<128x128xf32, #tpu.memory_space<vmem_shared>>
      tpu.wait_dma2 semaphore(%run_scoped3A_42 : memref<!tpu.dma_semaphore, #tpu.memory_space<semaphore_mem>>) src(%arg8 : memref<128x128xf32, #tpu.memory_space<vmem>>) dst(%dma_wait3A_50 : memref<128x128xf32, #tpu.memory_space<vmem_shared>>)
      tpu.yield
    }) : () -> ()
    %add3A_9 = arith.constant 256 : i32
    %add3A_10 = arith.addi %mul3A_4, %add3A_9 : i32
    "tpu.region"() ({
      %run_scoped3A_42 = tpu.sem_alloc : memref<!tpu.dma_semaphore, #tpu.memory_space<semaphore_mem>>
      %dma_start3A_43 = arith.constant 0 : i32
      %dma_start3A_44 = tpu.memref_slice %arg10[%add3A_10, %dma_start3A_43] : memref<10240x128xf32, #tpu.memory_space<vmem_shared>> -> memref<128x128xf32, #tpu.memory_space<vmem_shared>>
      %dma_start3A_45 = arith.constant 0 : i32
      %dma_start3A_46 = tpu.memref_slice %arg10[%add3A_10, %dma_start3A_45] : memref<10240x128xf32, #tpu.memory_space<vmem_shared>> -> memref<128x128xf32, #tpu.memory_space<vmem_shared>>
      tpu.enqueue_dma source(%arg8 : memref<128x128xf32, #tpu.memory_space<vmem>>) target(%dma_start3A_46 : memref<128x128xf32, #tpu.memory_space<vmem_shared>>) target_semaphore(%run_scoped3A_42 : memref<!tpu.dma_semaphore, #tpu.memory_space<semaphore_mem>>)
      %dma_wait3A_47 = arith.constant 0 : i32
      %dma_wait3A_48 = tpu.memref_slice %arg10[%add3A_10, %dma_wait3A_47] : memref<10240x128xf32, #tpu.memory_space<vmem_shared>> -> memref<128x128xf32, #tpu.memory_space<vmem_shared>>
      %dma_wait3A_49 = arith.constant 0 : i32
      %dma_wait3A_50 = tpu.memref_slice %arg10[%add3A_10, %dma_wait3A_49] : memref<10240x128xf32, #tpu.memory_space<vmem_shared>> -> memref<128x128xf32, #tpu.memory_space<vmem_shared>>
      tpu.wait_dma2 semaphore(%run_scoped3A_42 : memref<!tpu.dma_semaphore, #tpu.memory_space<semaphore_mem>>) src(%arg8 : memref<128x128xf32, #tpu.memory_space<vmem>>) dst(%dma_wait3A_50 : memref<128x128xf32, #tpu.memory_space<vmem_shared>>)
      tpu.yield
    }) : () -> ()
    %add3A_11 = arith.constant 384 : i32
    %add3A_12 = arith.addi %mul3A_4, %add3A_11 : i32
    "tpu.region"() ({
      %run_scoped3A_42 = tpu.sem_alloc : memref<!tpu.dma_semaphore, #tpu.memory_space<semaphore_mem>>
      %dma_start3A_43 = arith.constant 0 : i32
      %dma_start3A_44 = tpu.memref_slice %arg10[%add3A_12, %dma_start3A_43] : memref<10240x128xf32, #tpu.memory_space<vmem_shared>> -> memref<128x128xf32, #tpu.memory_space<vmem_shared>>
      %dma_start3A_45 = arith.constant 0 : i32
      %dma_start3A_46 = tpu.memref_slice %arg10[%add3A_12, %dma_start3A_45] : memref<10240x128xf32, #tpu.memory_space<vmem_shared>> -> memref<128x128xf32, #tpu.memory_space<vmem_shared>>
      tpu.enqueue_dma source(%arg8 : memref<128x128xf32, #tpu.memory_space<vmem>>) target(%dma_start3A_46 : memref<128x128xf32, #tpu.memory_space<vmem_shared>>) target_semaphore(%run_scoped3A_42 : memref<!tpu.dma_semaphore, #tpu.memory_space<semaphore_mem>>)
      %dma_wait3A_47 = arith.constant 0 : i32
      %dma_wait3A_48 = tpu.memref_slice %arg10[%add3A_12, %dma_wait3A_47] : memref<10240x128xf32, #tpu.memory_space<vmem_shared>> -> memref<128x128xf32, #tpu.memory_space<vmem_shared>>
      %dma_wait3A_49 = arith.constant 0 : i32
      %dma_wait3A_50 = tpu.memref_slice %arg10[%add3A_12, %dma_wait3A_49] : memref<10240x128xf32, #tpu.memory_space<vmem_shared>> -> memref<128x128xf32, #tpu.memory_space<vmem_shared>>
      tpu.wait_dma2 semaphore(%run_scoped3A_42 : memref<!tpu.dma_semaphore, #tpu.memory_space<semaphore_mem>>) src(%arg8 : memref<128x128xf32, #tpu.memory_space<vmem>>) dst(%dma_wait3A_50 : memref<128x128xf32, #tpu.memory_space<vmem_shared>>)
      tpu.yield
    }) : () -> ()
    %add3A_13 = arith.constant 512 : i32
    %add3A_14 = arith.addi %mul3A_4, %add3A_13 : i32
    "tpu.region"() ({
      %run_scoped3A_42 = tpu.sem_alloc : memref<!tpu.dma_semaphore, #tpu.memory_space<semaphore_mem>>
      %dma_start3A_43 = arith.constant 0 : i32
      %dma_start3A_44 = tpu.memref_slice %arg10[%add3A_14, %dma_start3A_43] : memref<10240x128xf32, #tpu.memory_space<vmem_shared>> -> memref<128x128xf32, #tpu.memory_space<vmem_shared>>
      %dma_start3A_45 = arith.constant 0 : i32
      %dma_start3A_46 = tpu.memref_slice %arg10[%add3A_14, %dma_start3A_45] : memref<10240x128xf32, #tpu.memory_space<vmem_shared>> -> memref<128x128xf32, #tpu.memory_space<vmem_shared>>
      tpu.enqueue_dma source(%arg8 : memref<128x128xf32, #tpu.memory_space<vmem>>) target(%dma_start3A_46 : memref<128x128xf32, #tpu.memory_space<vmem_shared>>) target_semaphore(%run_scoped3A_42 : memref<!tpu.dma_semaphore, #tpu.memory_space<semaphore_mem>>)
      %dma_wait3A_47 = arith.constant 0 : i32
      %dma_wait3A_48 = tpu.memref_slice %arg10[%add3A_14, %dma_wait3A_47] : memref<10240x128xf32, #tpu.memory_space<vmem_shared>> -> memref<128x128xf32, #tpu.memory_space<vmem_shared>>
      %dma_wait3A_49 = arith.constant 0 : i32
      %dma_wait3A_50 = tpu.memref_slice %arg10[%add3A_14, %dma_wait3A_49] : memref<10240x128xf32, #tpu.memory_space<vmem_shared>> -> memref<128x128xf32, #tpu.memory_space<vmem_shared>>
      tpu.wait_dma2 semaphore(%run_scoped3A_42 : memref<!tpu.dma_semaphore, #tpu.memory_space<semaphore_mem>>) src(%arg8 : memref<128x128xf32, #tpu.memory_space<vmem>>) dst(%dma_wait3A_50 : memref<128x128xf32, #tpu.memory_space<vmem_shared>>)
      tpu.yield
    }) : () -> ()
    "tpu.region"() ({
      %run_scoped3A_42 = tpu.sem_alloc : memref<!tpu.dma_semaphore, #tpu.memory_space<semaphore_mem>>
      %dma_start3A_43 = arith.constant 0 : i32
      %dma_start3A_44 = arith.constant 0 : i32
      %dma_start3A_45 = tpu.memref_slice %arg3[%mul3A_2, %dma_start3A_43, %dma_start3A_44] : memref<2528x2x128xi32, #tpu.memory_space<hbm>> -> memref<1x2x128xi32, #tpu.memory_space<hbm>>
      %dma_start3A_46 = tpu.memref_squeeze %dma_start3A_45 : memref<1x2x128xi32, #tpu.memory_space<hbm>> -> memref<2x128xi32, #tpu.memory_space<hbm>>
      %dma_start3A_47 = arith.constant 0 : i32
      %dma_start3A_48 = arith.constant 0 : i32
      %dma_start3A_49 = tpu.memref_slice %arg3[%mul3A_2, %dma_start3A_47, %dma_start3A_48] : memref<2528x2x128xi32, #tpu.memory_space<hbm>> -> memref<1x2x128xi32, #tpu.memory_space<hbm>>
      %dma_start3A_50 = tpu.memref_squeeze %dma_start3A_49 : memref<1x2x128xi32, #tpu.memory_space<hbm>> -> memref<2x128xi32, #tpu.memory_space<hbm>>
      tpu.enqueue_dma source(%dma_start3A_50 : memref<2x128xi32, #tpu.memory_space<hbm>>) target(%arg6 : memref<2x128xi32, #tpu.memory_space<vmem>>) target_semaphore(%run_scoped3A_42 : memref<!tpu.dma_semaphore, #tpu.memory_space<semaphore_mem>>)
      %dma_wait3A_51 = arith.constant 0 : i32
      %dma_wait3A_52 = arith.constant 0 : i32
      %dma_wait3A_53 = tpu.memref_slice %arg3[%mul3A_2, %dma_wait3A_51, %dma_wait3A_52] : memref<2528x2x128xi32, #tpu.memory_space<hbm>> -> memref<1x2x128xi32, #tpu.memory_space<hbm>>
      %dma_wait3A_54 = tpu.memref_squeeze %dma_wait3A_53 : memref<1x2x128xi32, #tpu.memory_space<hbm>> -> memref<2x128xi32, #tpu.memory_space<hbm>>
      %dma_wait3A_55 = arith.constant 0 : i32
      %dma_wait3A_56 = arith.constant 0 : i32
      %dma_wait3A_57 = tpu.memref_slice %arg3[%mul3A_2, %dma_wait3A_55, %dma_wait3A_56] : memref<2528x2x128xi32, #tpu.memory_space<hbm>> -> memref<1x2x128xi32, #tpu.memory_space<hbm>>
      %dma_wait3A_58 = tpu.memref_squeeze %dma_wait3A_57 : memref<1x2x128xi32, #tpu.memory_space<hbm>> -> memref<2x128xi32, #tpu.memory_space<hbm>>
      tpu.wait_dma2 semaphore(%run_scoped3A_42 : memref<!tpu.dma_semaphore, #tpu.memory_space<semaphore_mem>>) src(%dma_wait3A_58 : memref<2x128xi32, #tpu.memory_space<hbm>>) dst(%arg6 : memref<2x128xi32, #tpu.memory_space<vmem>>)
      tpu.yield
    }) : () -> ()
    %dma_start3A = arith.constant 0 : i32
    %dma_start3A_15 = arith.constant 0 : i32
    %dma_start3A_16 = tpu.memref_slice %arg6[%dma_start3A, %dma_start3A_15] : memref<2x128xi32, #tpu.memory_space<vmem>> -> memref<1x128xi32, #tpu.memory_space<vmem>>
    %dma_start3A_17 = tpu.memref_squeeze %dma_start3A_16 : memref<1x128xi32, #tpu.memory_space<vmem>> -> memref<128xi32, #tpu.memory_space<vmem>>
    %dma_start3A_18 = arith.constant 0 : i32
    %dma_start3A_19 = arith.constant 0 : i32
    %dma_start3A_20 = tpu.memref_slice %arg2[%dma_start3A_18, %dma_start3A_19] : memref<10000x128xf32, #tpu.memory_space<hbm>> -> memref<10000x128xf32, #tpu.memory_space<hbm>>
    tpu.enqueue_indirect_dma source(%dma_start3A_20 : memref<10000x128xf32, #tpu.memory_space<hbm>>) target(%arg8 : memref<128x128xf32, #tpu.memory_space<vmem>>) offsets(%dma_start3A_17 : memref<128xi32, #tpu.memory_space<vmem>>) semaphore(%arg11 : memref<!tpu.dma_semaphore, #tpu.memory_space<semaphore_mem>>)
    %add3A_21 = arith.constant 1 : i32
    %add3A_22 = arith.addi %mul3A_2, %add3A_21 : i32
    %dma_start3A_23 = arith.constant 0 : i32
    %dma_start3A_24 = arith.constant 0 : i32
    %dma_start3A_25 = tpu.memref_slice %arg3[%add3A_22, %dma_start3A_23, %dma_start3A_24] : memref<2528x2x128xi32, #tpu.memory_space<hbm>> -> memref<1x2x128xi32, #tpu.memory_space<hbm>>
    %dma_start3A_26 = tpu.memref_squeeze %dma_start3A_25 : memref<1x2x128xi32, #tpu.memory_space<hbm>> -> memref<2x128xi32, #tpu.memory_space<hbm>>
    %dma_start3A_27 = arith.constant 0 : i32
    %dma_start3A_28 = arith.constant 0 : i32
    %dma_start3A_29 = tpu.memref_slice %arg3[%add3A_22, %dma_start3A_27, %dma_start3A_28] : memref<2528x2x128xi32, #tpu.memory_space<hbm>> -> memref<1x2x128xi32, #tpu.memory_space<hbm>>
    %dma_start3A_30 = tpu.memref_squeeze %dma_start3A_29 : memref<1x2x128xi32, #tpu.memory_space<hbm>> -> memref<2x128xi32, #tpu.memory_space<hbm>>
    tpu.enqueue_dma source(%dma_start3A_30 : memref<2x128xi32, #tpu.memory_space<hbm>>) target(%arg7 : memref<2x128xi32, #tpu.memory_space<vmem>>) target_semaphore(%arg13 : memref<!tpu.dma_semaphore, #tpu.memory_space<semaphore_mem>>)
    %barrier3A = arith.constant 0 : index
    tpu.barrier barrier_id(%barrier3A)
    %scan3A = arith.constant 0 : i32
    %scan3A_31 = arith.constant 39 : i32
    %scan3A_32 = arith.addi %scan3A, %scan3A_31 : i32
    %scan3A_33 = arith.constant 1 : i32
    scf.for %scan3A_42 = %scan3A to %scan3A_32 step %scan3A_33  : i32 {
      %mul3A_43 = arith.constant 2 : i32
      %mul3A_44 = arith.muli %scan3A_42, %mul3A_43 : i32
      %add3A_45 = arith.constant 0 : i32
      %add3A_46 = arith.addi %add3A_45, %mul3A_44 : i32
      %add3A_47 = arith.addi %mul3A_2, %add3A_46 : i32
      %add3A_48 = arith.constant 1 : i32
      %add3A_49 = arith.addi %add3A_47, %add3A_48 : i32
      %dma_wait3A_50 = arith.constant 0 : i32
      %dma_wait3A_51 = arith.constant 0 : i32
      %dma_wait3A_52 = tpu.memref_slice %arg3[%add3A_49, %dma_wait3A_50, %dma_wait3A_51] : memref<2528x2x128xi32, #tpu.memory_space<hbm>> -> memref<1x2x128xi32, #tpu.memory_space<hbm>>
      %dma_wait3A_53 = tpu.memref_squeeze %dma_wait3A_52 : memref<1x2x128xi32, #tpu.memory_space<hbm>> -> memref<2x128xi32, #tpu.memory_space<hbm>>
      %dma_wait3A_54 = arith.constant 0 : i32
      %dma_wait3A_55 = arith.constant 0 : i32
      %dma_wait3A_56 = tpu.memref_slice %arg3[%add3A_49, %dma_wait3A_54, %dma_wait3A_55] : memref<2528x2x128xi32, #tpu.memory_space<hbm>> -> memref<1x2x128xi32, #tpu.memory_space<hbm>>
      %dma_wait3A_57 = tpu.memref_squeeze %dma_wait3A_56 : memref<1x2x128xi32, #tpu.memory_space<hbm>> -> memref<2x128xi32, #tpu.memory_space<hbm>>
      tpu.wait_dma2 semaphore(%arg13 : memref<!tpu.dma_semaphore, #tpu.memory_space<semaphore_mem>>) src(%dma_wait3A_57 : memref<2x128xi32, #tpu.memory_space<hbm>>) dst(%arg7 : memref<2x128xi32, #tpu.memory_space<vmem>>)
      %dma_start3A_58 = arith.constant 0 : i32
      %dma_start3A_59 = arith.constant 0 : i32
      %dma_start3A_60 = tpu.memref_slice %arg7[%dma_start3A_58, %dma_start3A_59] : memref<2x128xi32, #tpu.memory_space<vmem>> -> memref<1x128xi32, #tpu.memory_space<vmem>>
      %dma_start3A_61 = tpu.memref_squeeze %dma_start3A_60 : memref<1x128xi32, #tpu.memory_space<vmem>> -> memref<128xi32, #tpu.memory_space<vmem>>
      %dma_start3A_62 = arith.constant 0 : i32
      %dma_start3A_63 = arith.constant 0 : i32
      %dma_start3A_64 = tpu.memref_slice %arg2[%dma_start3A_62, %dma_start3A_63] : memref<10000x128xf32, #tpu.memory_space<hbm>> -> memref<10000x128xf32, #tpu.memory_space<hbm>>
      tpu.enqueue_indirect_dma source(%dma_start3A_64 : memref<10000x128xf32, #tpu.memory_space<hbm>>) target(%arg9 : memref<128x128xf32, #tpu.memory_space<vmem>>) offsets(%dma_start3A_61 : memref<128xi32, #tpu.memory_space<vmem>>) semaphore(%arg12 : memref<!tpu.dma_semaphore, #tpu.memory_space<semaphore_mem>>)
      %dma_wait3A_65 = arith.constant 0 : i32
      %dma_wait3A_66 = arith.constant 0 : i32
      %dma_wait3A_67 = tpu.memref_slice %arg6[%dma_wait3A_65, %dma_wait3A_66] : memref<2x128xi32, #tpu.memory_space<vmem>> -> memref<1x128xi32, #tpu.memory_space<vmem>>
      %dma_wait3A_68 = tpu.memref_squeeze %dma_wait3A_67 : memref<1x128xi32, #tpu.memory_space<vmem>> -> memref<128xi32, #tpu.memory_space<vmem>>
      %dma_wait3A_69 = arith.constant 0 : i32
      %dma_wait3A_70 = arith.constant 0 : i32
      %dma_wait3A_71 = tpu.memref_slice %arg2[%dma_wait3A_69, %dma_wait3A_70] : memref<10000x128xf32, #tpu.memory_space<hbm>> -> memref<10000x128xf32, #tpu.memory_space<hbm>>
      tpu.wait_indirect_dma semaphore(%arg11 : memref<!tpu.dma_semaphore, #tpu.memory_space<semaphore_mem>>) src(%dma_wait3A_71 : memref<10000x128xf32, #tpu.memory_space<hbm>>) dst(%arg8 : memref<128x128xf32, #tpu.memory_space<vmem>>)
      %run_scoped3A_72 = arith.constant 1 : i32
      "tpu.region"() ({
        %run_scoped3A_112 = tpu.sem_alloc : memref<!tpu.dma_semaphore, #tpu.memory_space<semaphore_mem>>
        %dma_start3A_113 = arith.constant 0 : i32
        %dma_start3A_114 = tpu.memref_slice %arg6[%run_scoped3A_72, %dma_start3A_113] : memref<2x128xi32, #tpu.memory_space<vmem>> -> memref<1x128xi32, #tpu.memory_space<vmem>>
        %dma_start3A_115 = tpu.memref_squeeze %dma_start3A_114 : memref<1x128xi32, #tpu.memory_space<vmem>> -> memref<128xi32, #tpu.memory_space<vmem>>
        %dma_start3A_116 = arith.constant 0 : i32
        %dma_start3A_117 = arith.constant 0 : i32
        %dma_start3A_118 = tpu.memref_slice %arg10[%dma_start3A_116, %dma_start3A_117] : memref<10240x128xf32, #tpu.memory_space<vmem_shared>> -> memref<10240x128xf32, #tpu.memory_space<vmem_shared>>
        tpu.enqueue_indirect_dma source(%arg8 : memref<128x128xf32, #tpu.memory_space<vmem>>) target(%dma_start3A_118 : memref<10240x128xf32, #tpu.memory_space<vmem_shared>>) offsets(%dma_start3A_115 : memref<128xi32, #tpu.memory_space<vmem>>) semaphore(%run_scoped3A_112 : memref<!tpu.dma_semaphore, #tpu.memory_space<semaphore_mem>>) {add = true}
        %dma_wait3A_119 = arith.constant 0 : i32
        %dma_wait3A_120 = tpu.memref_slice %arg6[%run_scoped3A_72, %dma_wait3A_119] : memref<2x128xi32, #tpu.memory_space<vmem>> -> memref<1x128xi32, #tpu.memory_space<vmem>>
        %dma_wait3A_121 = tpu.memref_squeeze %dma_wait3A_120 : memref<1x128xi32, #tpu.memory_space<vmem>> -> memref<128xi32, #tpu.memory_space<vmem>>
        %dma_wait3A_122 = arith.constant 0 : i32
        %dma_wait3A_123 = arith.constant 0 : i32
        %dma_wait3A_124 = tpu.memref_slice %arg10[%dma_wait3A_122, %dma_wait3A_123] : memref<10240x128xf32, #tpu.memory_space<vmem_shared>> -> memref<10240x128xf32, #tpu.memory_space<vmem_shared>>
        tpu.wait_indirect_dma semaphore(%run_scoped3A_112 : memref<!tpu.dma_semaphore, #tpu.memory_space<semaphore_mem>>) src(%arg8 : memref<128x128xf32, #tpu.memory_space<vmem>>) dst(%dma_wait3A_124 : memref<10240x128xf32, #tpu.memory_space<vmem_shared>>)
        tpu.yield
      }) : () -> ()
      %add3A_73 = arith.addi %mul3A_2, %add3A_46 : i32
      %add3A_74 = arith.constant 2 : i32
      %add3A_75 = arith.addi %add3A_73, %add3A_74 : i32
      %dma_start3A_76 = arith.constant 0 : i32
      %dma_start3A_77 = arith.constant 0 : i32
      %dma_start3A_78 = tpu.memref_slice %arg3[%add3A_75, %dma_start3A_76, %dma_start3A_77] : memref<2528x2x128xi32, #tpu.memory_space<hbm>> -> memref<1x2x128xi32, #tpu.memory_space<hbm>>
      %dma_start3A_79 = tpu.memref_squeeze %dma_start3A_78 : memref<1x2x128xi32, #tpu.memory_space<hbm>> -> memref<2x128xi32, #tpu.memory_space<hbm>>
      %dma_start3A_80 = arith.constant 0 : i32
      %dma_start3A_81 = arith.constant 0 : i32
      %dma_start3A_82 = tpu.memref_slice %arg3[%add3A_75, %dma_start3A_80, %dma_start3A_81] : memref<2528x2x128xi32, #tpu.memory_space<hbm>> -> memref<1x2x128xi32, #tpu.memory_space<hbm>>
      %dma_start3A_83 = tpu.memref_squeeze %dma_start3A_82 : memref<1x2x128xi32, #tpu.memory_space<hbm>> -> memref<2x128xi32, #tpu.memory_space<hbm>>
      tpu.enqueue_dma source(%dma_start3A_83 : memref<2x128xi32, #tpu.memory_space<hbm>>) target(%arg6 : memref<2x128xi32, #tpu.memory_space<vmem>>) target_semaphore(%arg13 : memref<!tpu.dma_semaphore, #tpu.memory_space<semaphore_mem>>)
      %add3A_84 = arith.addi %mul3A_2, %add3A_46 : i32
      %add3A_85 = arith.constant 2 : i32
      %add3A_86 = arith.addi %add3A_84, %add3A_85 : i32
      %dma_wait3A_87 = arith.constant 0 : i32
      %dma_wait3A_88 = arith.constant 0 : i32
      %dma_wait3A_89 = tpu.memref_slice %arg3[%add3A_86, %dma_wait3A_87, %dma_wait3A_88] : memref<2528x2x128xi32, #tpu.memory_space<hbm>> -> memref<1x2x128xi32, #tpu.memory_space<hbm>>
      %dma_wait3A_90 = tpu.memref_squeeze %dma_wait3A_89 : memref<1x2x128xi32, #tpu.memory_space<hbm>> -> memref<2x128xi32, #tpu.memory_space<hbm>>
      %dma_wait3A_91 = arith.constant 0 : i32
      %dma_wait3A_92 = arith.constant 0 : i32
      %dma_wait3A_93 = tpu.memref_slice %arg3[%add3A_86, %dma_wait3A_91, %dma_wait3A_92] : memref<2528x2x128xi32, #tpu.memory_space<hbm>> -> memref<1x2x128xi32, #tpu.memory_space<hbm>>
      %dma_wait3A_94 = tpu.memref_squeeze %dma_wait3A_93 : memref<1x2x128xi32, #tpu.memory_space<hbm>> -> memref<2x128xi32, #tpu.memory_space<hbm>>
      tpu.wait_dma2 semaphore(%arg13 : memref<!tpu.dma_semaphore, #tpu.memory_space<semaphore_mem>>) src(%dma_wait3A_94 : memref<2x128xi32, #tpu.memory_space<hbm>>) dst(%arg6 : memref<2x128xi32, #tpu.memory_space<vmem>>)
      %dma_start3A_95 = arith.constant 0 : i32
      %dma_start3A_96 = arith.constant 0 : i32
      %dma_start3A_97 = tpu.memref_slice %arg6[%dma_start3A_95, %dma_start3A_96] : memref<2x128xi32, #tpu.memory_space<vmem>> -> memref<1x128xi32, #tpu.memory_space<vmem>>
      %dma_start3A_98 = tpu.memref_squeeze %dma_start3A_97 : memref<1x128xi32, #tpu.memory_space<vmem>> -> memref<128xi32, #tpu.memory_space<vmem>>
      %dma_start3A_99 = arith.constant 0 : i32
      %dma_start3A_100 = arith.constant 0 : i32
      %dma_start3A_101 = tpu.memref_slice %arg2[%dma_start3A_99, %dma_start3A_100] : memref<10000x128xf32, #tpu.memory_space<hbm>> -> memref<10000x128xf32, #tpu.memory_space<hbm>>
      tpu.enqueue_indirect_dma source(%dma_start3A_101 : memref<10000x128xf32, #tpu.memory_space<hbm>>) target(%arg8 : memref<128x128xf32, #tpu.memory_space<vmem>>) offsets(%dma_start3A_98 : memref<128xi32, #tpu.memory_space<vmem>>) semaphore(%arg11 : memref<!tpu.dma_semaphore, #tpu.memory_space<semaphore_mem>>)
      %dma_wait3A_102 = arith.constant 0 : i32
      %dma_wait3A_103 = arith.constant 0 : i32
      %dma_wait3A_104 = tpu.memref_slice %arg7[%dma_wait3A_102, %dma_wait3A_103] : memref<2x128xi32, #tpu.memory_space<vmem>> -> memref<1x128xi32, #tpu.memory_space<vmem>>
      %dma_wait3A_105 = tpu.memref_squeeze %dma_wait3A_104 : memref<1x128xi32, #tpu.memory_space<vmem>> -> memref<128xi32, #tpu.memory_space<vmem>>
      %dma_wait3A_106 = arith.constant 0 : i32
      %dma_wait3A_107 = arith.constant 0 : i32
      %dma_wait3A_108 = tpu.memref_slice %arg2[%dma_wait3A_106, %dma_wait3A_107] : memref<10000x128xf32, #tpu.memory_space<hbm>> -> memref<10000x128xf32, #tpu.memory_space<hbm>>
      tpu.wait_indirect_dma semaphore(%arg12 : memref<!tpu.dma_semaphore, #tpu.memory_space<semaphore_mem>>) src(%dma_wait3A_108 : memref<10000x128xf32, #tpu.memory_space<hbm>>) dst(%arg9 : memref<128x128xf32, #tpu.memory_space<vmem>>)
      %run_scoped3A_109 = arith.constant 1 : i32
      "tpu.region"() ({
        %run_scoped3A_112 = tpu.sem_alloc : memref<!tpu.dma_semaphore, #tpu.memory_space<semaphore_mem>>
        %dma_start3A_113 = arith.constant 0 : i32
        %dma_start3A_114 = tpu.memref_slice %arg7[%run_scoped3A_109, %dma_start3A_113] : memref<2x128xi32, #tpu.memory_space<vmem>> -> memref<1x128xi32, #tpu.memory_space<vmem>>
        %dma_start3A_115 = tpu.memref_squeeze %dma_start3A_114 : memref<1x128xi32, #tpu.memory_space<vmem>> -> memref<128xi32, #tpu.memory_space<vmem>>
        %dma_start3A_116 = arith.constant 0 : i32
        %dma_start3A_117 = arith.constant 0 : i32
        %dma_start3A_118 = tpu.memref_slice %arg10[%dma_start3A_116, %dma_start3A_117] : memref<10240x128xf32, #tpu.memory_space<vmem_shared>> -> memref<10240x128xf32, #tpu.memory_space<vmem_shared>>
        tpu.enqueue_indirect_dma source(%arg9 : memref<128x128xf32, #tpu.memory_space<vmem>>) target(%dma_start3A_118 : memref<10240x128xf32, #tpu.memory_space<vmem_shared>>) offsets(%dma_start3A_115 : memref<128xi32, #tpu.memory_space<vmem>>) semaphore(%run_scoped3A_112 : memref<!tpu.dma_semaphore, #tpu.memory_space<semaphore_mem>>) {add = true}
        %dma_wait3A_119 = arith.constant 0 : i32
        %dma_wait3A_120 = tpu.memref_slice %arg7[%run_scoped3A_109, %dma_wait3A_119] : memref<2x128xi32, #tpu.memory_space<vmem>> -> memref<1x128xi32, #tpu.memory_space<vmem>>
        %dma_wait3A_121 = tpu.memref_squeeze %dma_wait3A_120 : memref<1x128xi32, #tpu.memory_space<vmem>> -> memref<128xi32, #tpu.memory_space<vmem>>
        %dma_wait3A_122 = arith.constant 0 : i32
        %dma_wait3A_123 = arith.constant 0 : i32
        %dma_wait3A_124 = tpu.memref_slice %arg10[%dma_wait3A_122, %dma_wait3A_123] : memref<10240x128xf32, #tpu.memory_space<vmem_shared>> -> memref<10240x128xf32, #tpu.memory_space<vmem_shared>>
        tpu.wait_indirect_dma semaphore(%run_scoped3A_112 : memref<!tpu.dma_semaphore, #tpu.memory_space<semaphore_mem>>) src(%arg9 : memref<128x128xf32, #tpu.memory_space<vmem>>) dst(%dma_wait3A_124 : memref<10240x128xf32, #tpu.memory_space<vmem_shared>>)
        tpu.yield
      }) : () -> ()
      %lt3A = arith.constant 76 : i32
      %lt3A_110 = arith.cmpi slt, %add3A_46, %lt3A : i32
      %convert_element_type3A = arith.extui %lt3A_110 : i1 to i32
      %cond3A = arith.constant 0 : i32
      %cond3A_111 = arith.cmpi ne, %convert_element_type3A, %cond3A : i32
      scf.if %cond3A_111 {
        %add3A_112 = arith.addi %mul3A_2, %add3A_46 : i32
        %add3A_113 = arith.constant 3 : i32
        %add3A_114 = arith.addi %add3A_112, %add3A_113 : i32
        %dma_start3A_115 = arith.constant 0 : i32
        %dma_start3A_116 = arith.constant 0 : i32
        %dma_start3A_117 = tpu.memref_slice %arg3[%add3A_114, %dma_start3A_115, %dma_start3A_116] : memref<2528x2x128xi32, #tpu.memory_space<hbm>> -> memref<1x2x128xi32, #tpu.memory_space<hbm>>
        %dma_start3A_118 = tpu.memref_squeeze %dma_start3A_117 : memref<1x2x128xi32, #tpu.memory_space<hbm>> -> memref<2x128xi32, #tpu.memory_space<hbm>>
        %dma_start3A_119 = arith.constant 0 : i32
        %dma_start3A_120 = arith.constant 0 : i32
        %dma_start3A_121 = tpu.memref_slice %arg3[%add3A_114, %dma_start3A_119, %dma_start3A_120] : memref<2528x2x128xi32, #tpu.memory_space<hbm>> -> memref<1x2x128xi32, #tpu.memory_space<hbm>>
        %dma_start3A_122 = tpu.memref_squeeze %dma_start3A_121 : memref<1x2x128xi32, #tpu.memory_space<hbm>> -> memref<2x128xi32, #tpu.memory_space<hbm>>
        tpu.enqueue_dma source(%dma_start3A_122 : memref<2x128xi32, #tpu.memory_space<hbm>>) target(%arg7 : memref<2x128xi32, #tpu.memory_space<vmem>>) target_semaphore(%arg13 : memref<!tpu.dma_semaphore, #tpu.memory_space<semaphore_mem>>)
      } else {
      }
    }
    %scan3A_34 = arith.constant 39 : i32
    %dma_wait3A = arith.constant 0 : i32
    %dma_wait3A_35 = arith.constant 0 : i32
    %dma_wait3A_36 = tpu.memref_slice %arg6[%dma_wait3A, %dma_wait3A_35] : memref<2x128xi32, #tpu.memory_space<vmem>> -> memref<1x128xi32, #tpu.memory_space<vmem>>
    %dma_wait3A_37 = tpu.memref_squeeze %dma_wait3A_36 : memref<1x128xi32, #tpu.memory_space<vmem>> -> memref<128xi32, #tpu.memory_space<vmem>>
    %dma_wait3A_38 = arith.constant 0 : i32
    %dma_wait3A_39 = arith.constant 0 : i32
    %dma_wait3A_40 = tpu.memref_slice %arg2[%dma_wait3A_38, %dma_wait3A_39] : memref<10000x128xf32, #tpu.memory_space<hbm>> -> memref<10000x128xf32, #tpu.memory_space<hbm>>
    tpu.wait_indirect_dma semaphore(%arg11 : memref<!tpu.dma_semaphore, #tpu.memory_space<semaphore_mem>>) src(%dma_wait3A_40 : memref<10000x128xf32, #tpu.memory_space<hbm>>) dst(%arg8 : memref<128x128xf32, #tpu.memory_space<vmem>>)
    %run_scoped3A = arith.constant 1 : i32
    "tpu.region"() ({
      %run_scoped3A_42 = tpu.sem_alloc : memref<!tpu.dma_semaphore, #tpu.memory_space<semaphore_mem>>
      %dma_start3A_43 = arith.constant 0 : i32
      %dma_start3A_44 = tpu.memref_slice %arg6[%run_scoped3A, %dma_start3A_43] : memref<2x128xi32, #tpu.memory_space<vmem>> -> memref<1x128xi32, #tpu.memory_space<vmem>>
      %dma_start3A_45 = tpu.memref_squeeze %dma_start3A_44 : memref<1x128xi32, #tpu.memory_space<vmem>> -> memref<128xi32, #tpu.memory_space<vmem>>
      %dma_start3A_46 = arith.constant 0 : i32
      %dma_start3A_47 = arith.constant 0 : i32
      %dma_start3A_48 = tpu.memref_slice %arg10[%dma_start3A_46, %dma_start3A_47] : memref<10240x128xf32, #tpu.memory_space<vmem_shared>> -> memref<10240x128xf32, #tpu.memory_space<vmem_shared>>
      tpu.enqueue_indirect_dma source(%arg8 : memref<128x128xf32, #tpu.memory_space<vmem>>) target(%dma_start3A_48 : memref<10240x128xf32, #tpu.memory_space<vmem_shared>>) offsets(%dma_start3A_45 : memref<128xi32, #tpu.memory_space<vmem>>) semaphore(%run_scoped3A_42 : memref<!tpu.dma_semaphore, #tpu.memory_space<semaphore_mem>>) {add = true}
      %dma_wait3A_49 = arith.constant 0 : i32
      %dma_wait3A_50 = tpu.memref_slice %arg6[%run_scoped3A, %dma_wait3A_49] : memref<2x128xi32, #tpu.memory_space<vmem>> -> memref<1x128xi32, #tpu.memory_space<vmem>>
      %dma_wait3A_51 = tpu.memref_squeeze %dma_wait3A_50 : memref<1x128xi32, #tpu.memory_space<vmem>> -> memref<128xi32, #tpu.memory_space<vmem>>
      %dma_wait3A_52 = arith.constant 0 : i32
      %dma_wait3A_53 = arith.constant 0 : i32
      %dma_wait3A_54 = tpu.memref_slice %arg10[%dma_wait3A_52, %dma_wait3A_53] : memref<10240x128xf32, #tpu.memory_space<vmem_shared>> -> memref<10240x128xf32, #tpu.memory_space<vmem_shared>>
      tpu.wait_indirect_dma semaphore(%run_scoped3A_42 : memref<!tpu.dma_semaphore, #tpu.memory_space<semaphore_mem>>) src(%arg8 : memref<128x128xf32, #tpu.memory_space<vmem>>) dst(%dma_wait3A_54 : memref<10240x128xf32, #tpu.memory_space<vmem_shared>>)
      tpu.yield
    }) : () -> ()
    %barrier3A_41 = arith.constant 0 : index
    tpu.barrier barrier_id(%barrier3A_41)
    "tpu.region"() ({
      %run_scoped3A_42 = tpu.sem_alloc : memref<!tpu.dma_semaphore, #tpu.memory_space<semaphore_mem>>
      %dma_start3A_43 = arith.constant 0 : i32
      %dma_start3A_44 = tpu.memref_slice %arg5[%arg0, %mul3A_4, %dma_start3A_43] : memref<2x10240x128xf32, #tpu.memory_space<hbm>> -> memref<1x640x128xf32, #tpu.memory_space<hbm>>
      %dma_start3A_45 = tpu.memref_squeeze %dma_start3A_44 : memref<1x640x128xf32, #tpu.memory_space<hbm>> -> memref<640x128xf32, #tpu.memory_space<hbm>>
      %dma_start3A_46 = arith.constant 0 : i32
      %dma_start3A_47 = tpu.memref_slice %arg10[%mul3A_4, %dma_start3A_46] : memref<10240x128xf32, #tpu.memory_space<vmem_shared>> -> memref<640x128xf32, #tpu.memory_space<vmem_shared>>
      tpu.enqueue_dma source(%dma_start3A_47 : memref<640x128xf32, #tpu.memory_space<vmem_shared>>) target(%dma_start3A_45 : memref<640x128xf32, #tpu.memory_space<hbm>>) target_semaphore(%run_scoped3A_42 : memref<!tpu.dma_semaphore, #tpu.memory_space<semaphore_mem>>)
      %dma_wait3A_48 = arith.constant 0 : i32
      %dma_wait3A_49 = tpu.memref_slice %arg5[%arg0, %mul3A_4, %dma_wait3A_48] : memref<2x10240x128xf32, #tpu.memory_space<hbm>> -> memref<1x640x128xf32, #tpu.memory_space<hbm>>
      %dma_wait3A_50 = tpu.memref_squeeze %dma_wait3A_49 : memref<1x640x128xf32, #tpu.memory_space<hbm>> -> memref<640x128xf32, #tpu.memory_space<hbm>>
      %dma_wait3A_51 = arith.constant 0 : i32
      %dma_wait3A_52 = tpu.memref_slice %arg10[%mul3A_4, %dma_wait3A_51] : memref<10240x128xf32, #tpu.memory_space<vmem_shared>> -> memref<640x128xf32, #tpu.memory_space<vmem_shared>>
      tpu.wait_dma2 semaphore(%run_scoped3A_42 : memref<!tpu.dma_semaphore, #tpu.memory_space<semaphore_mem>>) src(%dma_wait3A_52 : memref<640x128xf32, #tpu.memory_space<vmem_shared>>) dst(%dma_wait3A_50 : memref<640x128xf32, #tpu.memory_space<hbm>>)
      tpu.yield
    }) : () -> ()
    return
  }
}

module attributes {stable_mosaic.version = 14 : i64} {
  func.func @_dense1_body(%arg0: i32, %arg1: memref<2x1000x128xf32, #tpu.memory_space<vmem>>, %arg2: memref<2x1000x128xf32, #tpu.memory_space<vmem>>, %arg3: memref<1000x128xf32, #tpu.memory_space<vmem>>, %arg4: memref<128x128xf32, #tpu.memory_space<vmem>>, %arg5: memref<1x128xf32, #tpu.memory_space<vmem>>, %arg6: memref<128x128xf32, #tpu.memory_space<vmem>>, %arg7: memref<128x128xf32, #tpu.memory_space<vmem>>, %arg8: memref<1x128xf32, #tpu.memory_space<vmem>>, %arg9: memref<1x1xf32, #tpu.memory_space<smem>>, %arg10: memref<1000x128xf32, #tpu.memory_space<vmem>>, %arg11: memref<1000x128xf32, #tpu.memory_space<vmem>>) attributes {dimension_semantics = [#tpu.dimension_semantics<arbitrary>], iteration_bounds = array<i64: 10>, scalar_prefetch = 0 : i64, scratch_operands = 0 : i64, tpu.core_type = #tpu.core_type<tc>, window_params = [{transform_indices = @transform_0, window_bounds = array<i64: 2, 1000, 128>}, {transform_indices = @transform_1, window_bounds = array<i64: 2, 1000, 128>}, {transform_indices = @transform_2, window_bounds = array<i64: 1000, 128>}, {pipeline_mode = #tpu.pipeline_mode<synchronous>, transform_indices = @transform_3, window_bounds = array<i64: 128, 128>}, {pipeline_mode = #tpu.pipeline_mode<synchronous>, transform_indices = @transform_4, window_bounds = array<i64: 1, 128>}, {pipeline_mode = #tpu.pipeline_mode<synchronous>, transform_indices = @transform_5, window_bounds = array<i64: 128, 128>}, {pipeline_mode = #tpu.pipeline_mode<synchronous>, transform_indices = @transform_6, window_bounds = array<i64: 128, 128>}, {pipeline_mode = #tpu.pipeline_mode<synchronous>, transform_indices = @transform_7, window_bounds = array<i64: 1, 128>}, {transform_indices = @transform_8, window_bounds = array<i64: 1, 1>}, {transform_indices = @transform_9, window_bounds = array<i64: 1000, 128>}, {transform_indices = @transform_10, window_bounds = array<i64: 1000, 128>}]} {
    %get3A = arith.constant 0 : index
    %get3A_0 = arith.constant 0 : index
    %get3A_1 = memref.load %arg9[%get3A, %get3A_0] : memref<1x1xf32, #tpu.memory_space<smem>>
    %get3A_2 = arith.constant 0 : index
    %get3A_3 = arith.constant 0 : index
    %get3A_4 = vector.load %arg3[%get3A_2, %get3A_3] : memref<1000x128xf32, #tpu.memory_space<vmem>>, vector<1000x128xf32>
    %get3A_5 = arith.constant 0 : index
    %get3A_6 = arith.constant 0 : index
    %get3A_7 = arith.constant 0 : index
    %get3A_8 = vector.load %arg1[%get3A_5, %get3A_6, %get3A_7] : memref<2x1000x128xf32, #tpu.memory_space<vmem>>, vector<1x1000x128xf32>
    %get3A_9 = vector.shape_cast %get3A_8 : vector<1x1000x128xf32> to vector<1000x128xf32>
    %get3A_10 = arith.constant 1 : index
    %get3A_11 = arith.constant 0 : index
    %get3A_12 = arith.constant 0 : index
    %get3A_13 = vector.load %arg1[%get3A_10, %get3A_11, %get3A_12] : memref<2x1000x128xf32, #tpu.memory_space<vmem>>, vector<1x1000x128xf32>
    %get3A_14 = vector.shape_cast %get3A_13 : vector<1x1000x128xf32> to vector<1000x128xf32>
    %add3A = arith.addf %get3A_9, %get3A_14 : vector<1000x128xf32>
    %get3A_15 = arith.constant 0 : index
    %get3A_16 = arith.constant 0 : index
    %get3A_17 = arith.constant 0 : index
    %get3A_18 = vector.load %arg2[%get3A_15, %get3A_16, %get3A_17] : memref<2x1000x128xf32, #tpu.memory_space<vmem>>, vector<1x1000x128xf32>
    %get3A_19 = vector.shape_cast %get3A_18 : vector<1x1000x128xf32> to vector<1000x128xf32>
    %slice3A = vector.extract_strided_slice %get3A_19 {offsets = [0, 0], sizes = [1000, 1], strides = [1, 1]} : vector<1000x128xf32> to vector<1000x1xf32>
    %get3A_20 = arith.constant 1 : index
    %get3A_21 = arith.constant 0 : index
    %get3A_22 = arith.constant 0 : index
    %get3A_23 = vector.load %arg2[%get3A_20, %get3A_21, %get3A_22] : memref<2x1000x128xf32, #tpu.memory_space<vmem>>, vector<1x1000x128xf32>
    %get3A_24 = vector.shape_cast %get3A_23 : vector<1x1000x128xf32> to vector<1000x128xf32>
    %slice3A_25 = vector.extract_strided_slice %get3A_24 {offsets = [0, 0], sizes = [1000, 1], strides = [1, 1]} : vector<1000x128xf32> to vector<1000x1xf32>
    %add3A_26 = arith.addf %slice3A, %slice3A_25 : vector<1000x1xf32>
    %max3A = arith.constant 1.000000e+00 : f32
    %max3A_27 = vector.broadcast %max3A : f32 to vector<1000x1xf32>
    %max3A_28 = arith.maximumf %add3A_26, %max3A_27 : vector<1000x1xf32>
    %div3A = arith.constant 1.000000e+00 : f32
    %div3A_29 = vector.broadcast %div3A : f32 to vector<1000x1xf32>
    %div3A_30 = arith.divf %div3A_29, %max3A_28 : vector<1000x1xf32>
    %mul3A = vector.broadcast %div3A_30 : vector<1000x1xf32> to vector<1000x128xf32>
    %mul3A_31 = arith.mulf %add3A, %mul3A : vector<1000x128xf32>
    %get3A_32 = arith.constant 0 : index
    %get3A_33 = arith.constant 0 : index
    %get3A_34 = vector.load %arg4[%get3A_32, %get3A_33] : memref<128x128xf32, #tpu.memory_space<vmem>>, vector<128x128xf32>
    %dot_general3A = arith.constant dense<0.000000e+00> : vector<1000x128xf32>
    %dot_general3A_35 = tpu.matmul %mul3A_31, %get3A_34, %dot_general3A {dimension_numbers = #tpu.dot_dimension_numbers<[1], [1], [0], [0], [0, 0, 1, 0], [], []>, transpose_lhs_hint = false} : vector<1000x128xf32>, vector<128x128xf32>, vector<1000x128xf32> -> vector<1000x128xf32>
    %get3A_36 = arith.constant 0 : index
    %get3A_37 = arith.constant 0 : index
    %get3A_38 = vector.load %arg5[%get3A_36, %get3A_37] : memref<1x128xf32, #tpu.memory_space<vmem>>, vector<1x128xf32>
    %add3A_39 = vector.broadcast %get3A_38 : vector<1x128xf32> to vector<1000x128xf32>
    %add3A_40 = arith.addf %dot_general3A_35, %add3A_39 : vector<1000x128xf32>
    %get3A_41 = arith.constant 0 : index
    %get3A_42 = arith.constant 0 : index
    %get3A_43 = vector.load %arg6[%get3A_41, %get3A_42] : memref<128x128xf32, #tpu.memory_space<vmem>>, vector<128x128xf32>
    %dot_general3A_44 = arith.constant dense<0.000000e+00> : vector<1000x128xf32>
    %dot_general3A_45 = tpu.matmul %get3A_4, %get3A_43, %dot_general3A_44 {dimension_numbers = #tpu.dot_dimension_numbers<[1], [1], [0], [0], [0, 0, 1, 0], [], []>, transpose_lhs_hint = false} : vector<1000x128xf32>, vector<128x128xf32>, vector<1000x128xf32> -> vector<1000x128xf32>
    %add3A_46 = arith.addf %add3A_40, %dot_general3A_45 : vector<1000x128xf32>
    %mul3A_47 = arith.mulf %add3A_46, %add3A_46 : vector<1000x128xf32>
    %reduce_sum3A = arith.constant dense<0.000000e+00> : vector<1000xf32>
    %reduce_sum3A_48 = vector.multi_reduction <add>, %mul3A_47, %reduce_sum3A [1] : vector<1000x128xf32> to vector<1000xf32>
    %broadcast_in_dim3A = vector.shape_cast %reduce_sum3A_48 : vector<1000xf32> to vector<1000x1xf32>
    %sqrt3A = math.sqrt %broadcast_in_dim3A : vector<1000x1xf32>
    %max3A_49 = arith.constant 9.99999996E-13 : f32
    %max3A_50 = vector.broadcast %max3A_49 : f32 to vector<1000x1xf32>
    %max3A_51 = arith.maximumf %sqrt3A, %max3A_50 : vector<1000x1xf32>
    %div3A_52 = vector.broadcast %max3A_51 : vector<1000x1xf32> to vector<1000x128xf32>
    %div3A_53 = arith.divf %add3A_46, %div3A_52 : vector<1000x128xf32>
    %ge3A = arith.constant 0.000000e+00 : f32
    %ge3A_54 = vector.broadcast %ge3A : f32 to vector<1000x128xf32>
    %ge3A_55 = arith.cmpf oge, %div3A_53, %ge3A_54 : vector<1000x128xf32>
    %mul3A_56 = vector.broadcast %get3A_1 : f32 to vector<1000x128xf32>
    %mul3A_57 = arith.mulf %mul3A_56, %div3A_53 : vector<1000x128xf32>
    %select_n3A = arith.select %ge3A_55, %div3A_53, %mul3A_57 : vector<1000x128xi1>, vector<1000x128xf32>
    %get3A_58 = arith.constant 0 : index
    %get3A_59 = arith.constant 0 : index
    %get3A_60 = vector.load %arg7[%get3A_58, %get3A_59] : memref<128x128xf32, #tpu.memory_space<vmem>>, vector<128x128xf32>
    %dot_general3A_61 = arith.constant dense<0.000000e+00> : vector<1000x128xf32>
    %dot_general3A_62 = tpu.matmul %get3A_4, %get3A_60, %dot_general3A_61 {dimension_numbers = #tpu.dot_dimension_numbers<[1], [1], [0], [0], [0, 0, 1, 0], [], []>, transpose_lhs_hint = false} : vector<1000x128xf32>, vector<128x128xf32>, vector<1000x128xf32> -> vector<1000x128xf32>
    %get3A_63 = arith.constant 0 : index
    %get3A_64 = arith.constant 0 : index
    %get3A_65 = vector.load %arg8[%get3A_63, %get3A_64] : memref<1x128xf32, #tpu.memory_space<vmem>>, vector<1x128xf32>
    %add3A_66 = vector.broadcast %get3A_65 : vector<1x128xf32> to vector<1000x128xf32>
    %add3A_67 = arith.addf %dot_general3A_62, %add3A_66 : vector<1000x128xf32>
    %add3A_68 = arith.addf %select_n3A, %add3A_67 : vector<1000x128xf32>
    %swap3A = arith.constant 0 : index
    %swap3A_69 = arith.constant 0 : index
    %swap3A_70 = vector.load %arg10[%swap3A, %swap3A_69] : memref<1000x128xf32, #tpu.memory_space<vmem>>, vector<1000x128xf32>
    tpu.vector_store %arg10[%swap3A, %swap3A_69], %add3A_68 {strides = array<i32>} : memref<1000x128xf32, #tpu.memory_space<vmem>>, vector<1000x128xf32>,
    %swap3A_71 = arith.constant 0 : index
    %swap3A_72 = arith.constant 0 : index
    %swap3A_73 = vector.load %arg11[%swap3A_71, %swap3A_72] : memref<1000x128xf32, #tpu.memory_space<vmem>>, vector<1000x128xf32>
    tpu.vector_store %arg11[%swap3A_71, %swap3A_72], %add3A_67 {strides = array<i32>} : memref<1000x128xf32, #tpu.memory_space<vmem>>, vector<1000x128xf32>,
    return
  }
  func.func @transform_0(%arg0: i32) -> (i32, i32, i32) {
    %c0_i32 = arith.constant 0 : i32
    %c0_i32_0 = arith.constant 0 : i32
    %c0_i32_1 = arith.constant 0 : i32
    return %c0_i32, %arg0, %c0_i32_0 : i32, i32, i32
  }
  func.func @transform_1(%arg0: i32) -> (i32, i32, i32) {
    %c0_i32 = arith.constant 0 : i32
    %c0_i32_0 = arith.constant 0 : i32
    %c0_i32_1 = arith.constant 0 : i32
    return %c0_i32, %arg0, %c0_i32_0 : i32, i32, i32
  }
  func.func @transform_2(%arg0: i32) -> (i32, i32) {
    %c0_i32 = arith.constant 0 : i32
    %c0_i32_0 = arith.constant 0 : i32
    return %arg0, %c0_i32 : i32, i32
  }
  func.func @transform_3(%arg0: i32) -> (i32, i32) {
    %c0_i32 = arith.constant 0 : i32
    %c0_i32_0 = arith.constant 0 : i32
    %c0_i32_1 = arith.constant 0 : i32
    return %c0_i32, %c0_i32_0 : i32, i32
  }
  func.func @transform_4(%arg0: i32) -> (i32, i32) {
    %c0_i32 = arith.constant 0 : i32
    %c0_i32_0 = arith.constant 0 : i32
    %c0_i32_1 = arith.constant 0 : i32
    return %c0_i32, %c0_i32_0 : i32, i32
  }
  func.func @transform_5(%arg0: i32) -> (i32, i32) {
    %c0_i32 = arith.constant 0 : i32
    %c0_i32_0 = arith.constant 0 : i32
    %c0_i32_1 = arith.constant 0 : i32
    return %c0_i32, %c0_i32_0 : i32, i32
  }
  func.func @transform_6(%arg0: i32) -> (i32, i32) {
    %c0_i32 = arith.constant 0 : i32
    %c0_i32_0 = arith.constant 0 : i32
    %c0_i32_1 = arith.constant 0 : i32
    return %c0_i32, %c0_i32_0 : i32, i32
  }
  func.func @transform_7(%arg0: i32) -> (i32, i32) {
    %c0_i32 = arith.constant 0 : i32
    %c0_i32_0 = arith.constant 0 : i32
    %c0_i32_1 = arith.constant 0 : i32
    return %c0_i32, %c0_i32_0 : i32, i32
  }
  func.func @transform_8(%arg0: i32) -> (i32, i32) {
    %c0_i32 = arith.constant 0 : i32
    %c0_i32_0 = arith.constant 0 : i32
    %c0_i32_1 = arith.constant 0 : i32
    return %c0_i32, %c0_i32_0 : i32, i32
  }
  func.func @transform_9(%arg0: i32) -> (i32, i32) {
    %c0_i32 = arith.constant 0 : i32
    %c0_i32_0 = arith.constant 0 : i32
    return %arg0, %c0_i32 : i32, i32
  }
  func.func @transform_10(%arg0: i32) -> (i32, i32) {
    %c0_i32 = arith.constant 0 : i32
    %c0_i32_0 = arith.constant 0 : i32
    return %arg0, %c0_i32 : i32, i32
  }
}

module attributes {stable_mosaic.version = 14 : i64} {
  func.func @_dense2_body(%arg0: i32, %arg1: memref<2x1000x128xf32, #tpu.memory_space<vmem>>, %arg2: memref<2x1000x128xf32, #tpu.memory_space<vmem>>, %arg3: memref<1000x128xf32, #tpu.memory_space<vmem>>, %arg4: memref<128x128xf32, #tpu.memory_space<vmem>>, %arg5: memref<1x128xf32, #tpu.memory_space<vmem>>, %arg6: memref<128x128xf32, #tpu.memory_space<vmem>>, %arg7: memref<1000x128xf32, #tpu.memory_space<vmem>>, %arg8: memref<1x1xf32, #tpu.memory_space<smem>>, %arg9: memref<1000x128xf32, #tpu.memory_space<vmem>>) attributes {dimension_semantics = [#tpu.dimension_semantics<arbitrary>], iteration_bounds = array<i64: 10>, scalar_prefetch = 0 : i64, scratch_operands = 0 : i64, tpu.core_type = #tpu.core_type<tc>, window_params = [{transform_indices = @transform_0, window_bounds = array<i64: 2, 1000, 128>}, {transform_indices = @transform_1, window_bounds = array<i64: 2, 1000, 128>}, {transform_indices = @transform_2, window_bounds = array<i64: 1000, 128>}, {pipeline_mode = #tpu.pipeline_mode<synchronous>, transform_indices = @transform_3, window_bounds = array<i64: 128, 128>}, {pipeline_mode = #tpu.pipeline_mode<synchronous>, transform_indices = @transform_4, window_bounds = array<i64: 1, 128>}, {pipeline_mode = #tpu.pipeline_mode<synchronous>, transform_indices = @transform_5, window_bounds = array<i64: 128, 128>}, {transform_indices = @transform_6, window_bounds = array<i64: 1000, 128>}, {transform_indices = @transform_7, window_bounds = array<i64: 1, 1>}, {transform_indices = @transform_8, window_bounds = array<i64: 1000, 128>}]} {
    %get3A = arith.constant 0 : index
    %get3A_0 = arith.constant 0 : index
    %get3A_1 = memref.load %arg8[%get3A, %get3A_0] : memref<1x1xf32, #tpu.memory_space<smem>>
    %get3A_2 = arith.constant 0 : index
    %get3A_3 = arith.constant 0 : index
    %get3A_4 = arith.constant 0 : index
    %get3A_5 = vector.load %arg1[%get3A_2, %get3A_3, %get3A_4] : memref<2x1000x128xf32, #tpu.memory_space<vmem>>, vector<1x1000x128xf32>
    %get3A_6 = vector.shape_cast %get3A_5 : vector<1x1000x128xf32> to vector<1000x128xf32>
    %get3A_7 = arith.constant 1 : index
    %get3A_8 = arith.constant 0 : index
    %get3A_9 = arith.constant 0 : index
    %get3A_10 = vector.load %arg1[%get3A_7, %get3A_8, %get3A_9] : memref<2x1000x128xf32, #tpu.memory_space<vmem>>, vector<1x1000x128xf32>
    %get3A_11 = vector.shape_cast %get3A_10 : vector<1x1000x128xf32> to vector<1000x128xf32>
    %add3A = arith.addf %get3A_6, %get3A_11 : vector<1000x128xf32>
    %get3A_12 = arith.constant 0 : index
    %get3A_13 = arith.constant 0 : index
    %get3A_14 = arith.constant 0 : index
    %get3A_15 = vector.load %arg2[%get3A_12, %get3A_13, %get3A_14] : memref<2x1000x128xf32, #tpu.memory_space<vmem>>, vector<1x1000x128xf32>
    %get3A_16 = vector.shape_cast %get3A_15 : vector<1x1000x128xf32> to vector<1000x128xf32>
    %slice3A = vector.extract_strided_slice %get3A_16 {offsets = [0, 0], sizes = [1000, 1], strides = [1, 1]} : vector<1000x128xf32> to vector<1000x1xf32>
    %get3A_17 = arith.constant 1 : index
    %get3A_18 = arith.constant 0 : index
    %get3A_19 = arith.constant 0 : index
    %get3A_20 = vector.load %arg2[%get3A_17, %get3A_18, %get3A_19] : memref<2x1000x128xf32, #tpu.memory_space<vmem>>, vector<1x1000x128xf32>
    %get3A_21 = vector.shape_cast %get3A_20 : vector<1x1000x128xf32> to vector<1000x128xf32>
    %slice3A_22 = vector.extract_strided_slice %get3A_21 {offsets = [0, 0], sizes = [1000, 1], strides = [1, 1]} : vector<1000x128xf32> to vector<1000x1xf32>
    %add3A_23 = arith.addf %slice3A, %slice3A_22 : vector<1000x1xf32>
    %max3A = arith.constant 1.000000e+00 : f32
    %max3A_24 = vector.broadcast %max3A : f32 to vector<1000x1xf32>
    %max3A_25 = arith.maximumf %add3A_23, %max3A_24 : vector<1000x1xf32>
    %div3A = arith.constant 1.000000e+00 : f32
    %div3A_26 = vector.broadcast %div3A : f32 to vector<1000x1xf32>
    %div3A_27 = arith.divf %div3A_26, %max3A_25 : vector<1000x1xf32>
    %mul3A = vector.broadcast %div3A_27 : vector<1000x1xf32> to vector<1000x128xf32>
    %mul3A_28 = arith.mulf %add3A, %mul3A : vector<1000x128xf32>
    %get3A_29 = arith.constant 0 : index
    %get3A_30 = arith.constant 0 : index
    %get3A_31 = vector.load %arg4[%get3A_29, %get3A_30] : memref<128x128xf32, #tpu.memory_space<vmem>>, vector<128x128xf32>
    %dot_general3A = arith.constant dense<0.000000e+00> : vector<1000x128xf32>
    %dot_general3A_32 = tpu.matmul %mul3A_28, %get3A_31, %dot_general3A {dimension_numbers = #tpu.dot_dimension_numbers<[1], [1], [0], [0], [0, 0, 1, 0], [], []>, transpose_lhs_hint = false} : vector<1000x128xf32>, vector<128x128xf32>, vector<1000x128xf32> -> vector<1000x128xf32>
    %get3A_33 = arith.constant 0 : index
    %get3A_34 = arith.constant 0 : index
    %get3A_35 = vector.load %arg5[%get3A_33, %get3A_34] : memref<1x128xf32, #tpu.memory_space<vmem>>, vector<1x128xf32>
    %add3A_36 = vector.broadcast %get3A_35 : vector<1x128xf32> to vector<1000x128xf32>
    %add3A_37 = arith.addf %dot_general3A_32, %add3A_36 : vector<1000x128xf32>
    %get3A_38 = arith.constant 0 : index
    %get3A_39 = arith.constant 0 : index
    %get3A_40 = vector.load %arg3[%get3A_38, %get3A_39] : memref<1000x128xf32, #tpu.memory_space<vmem>>, vector<1000x128xf32>
    %get3A_41 = arith.constant 0 : index
    %get3A_42 = arith.constant 0 : index
    %get3A_43 = vector.load %arg6[%get3A_41, %get3A_42] : memref<128x128xf32, #tpu.memory_space<vmem>>, vector<128x128xf32>
    %dot_general3A_44 = arith.constant dense<0.000000e+00> : vector<1000x128xf32>
    %dot_general3A_45 = tpu.matmul %get3A_40, %get3A_43, %dot_general3A_44 {dimension_numbers = #tpu.dot_dimension_numbers<[1], [1], [0], [0], [0, 0, 1, 0], [], []>, transpose_lhs_hint = false} : vector<1000x128xf32>, vector<128x128xf32>, vector<1000x128xf32> -> vector<1000x128xf32>
    %add3A_46 = arith.addf %add3A_37, %dot_general3A_45 : vector<1000x128xf32>
    %mul3A_47 = arith.mulf %add3A_46, %add3A_46 : vector<1000x128xf32>
    %reduce_sum3A = arith.constant dense<0.000000e+00> : vector<1000xf32>
    %reduce_sum3A_48 = vector.multi_reduction <add>, %mul3A_47, %reduce_sum3A [1] : vector<1000x128xf32> to vector<1000xf32>
    %broadcast_in_dim3A = vector.shape_cast %reduce_sum3A_48 : vector<1000xf32> to vector<1000x1xf32>
    %sqrt3A = math.sqrt %broadcast_in_dim3A : vector<1000x1xf32>
    %max3A_49 = arith.constant 9.99999996E-13 : f32
    %max3A_50 = vector.broadcast %max3A_49 : f32 to vector<1000x1xf32>
    %max3A_51 = arith.maximumf %sqrt3A, %max3A_50 : vector<1000x1xf32>
    %div3A_52 = vector.broadcast %max3A_51 : vector<1000x1xf32> to vector<1000x128xf32>
    %div3A_53 = arith.divf %add3A_46, %div3A_52 : vector<1000x128xf32>
    %ge3A = arith.constant 0.000000e+00 : f32
    %ge3A_54 = vector.broadcast %ge3A : f32 to vector<1000x128xf32>
    %ge3A_55 = arith.cmpf oge, %div3A_53, %ge3A_54 : vector<1000x128xf32>
    %mul3A_56 = vector.broadcast %get3A_1 : f32 to vector<1000x128xf32>
    %mul3A_57 = arith.mulf %mul3A_56, %div3A_53 : vector<1000x128xf32>
    %select_n3A = arith.select %ge3A_55, %div3A_53, %mul3A_57 : vector<1000x128xi1>, vector<1000x128xf32>
    %get3A_58 = arith.constant 0 : index
    %get3A_59 = arith.constant 0 : index
    %get3A_60 = vector.load %arg7[%get3A_58, %get3A_59] : memref<1000x128xf32, #tpu.memory_space<vmem>>, vector<1000x128xf32>
    %add3A_61 = arith.addf %select_n3A, %get3A_60 : vector<1000x128xf32>
    %swap3A = arith.constant 0 : index
    %swap3A_62 = arith.constant 0 : index
    %swap3A_63 = vector.load %arg9[%swap3A, %swap3A_62] : memref<1000x128xf32, #tpu.memory_space<vmem>>, vector<1000x128xf32>
    tpu.vector_store %arg9[%swap3A, %swap3A_62], %add3A_61 {strides = array<i32>} : memref<1000x128xf32, #tpu.memory_space<vmem>>, vector<1000x128xf32>,
    return
  }
  func.func @transform_0(%arg0: i32) -> (i32, i32, i32) {
    %c0_i32 = arith.constant 0 : i32
    %c0_i32_0 = arith.constant 0 : i32
    %c0_i32_1 = arith.constant 0 : i32
    return %c0_i32, %arg0, %c0_i32_0 : i32, i32, i32
  }
  func.func @transform_1(%arg0: i32) -> (i32, i32, i32) {
    %c0_i32 = arith.constant 0 : i32
    %c0_i32_0 = arith.constant 0 : i32
    %c0_i32_1 = arith.constant 0 : i32
    return %c0_i32, %arg0, %c0_i32_0 : i32, i32, i32
  }
  func.func @transform_2(%arg0: i32) -> (i32, i32) {
    %c0_i32 = arith.constant 0 : i32
    %c0_i32_0 = arith.constant 0 : i32
    return %arg0, %c0_i32 : i32, i32
  }
  func.func @transform_3(%arg0: i32) -> (i32, i32) {
    %c0_i32 = arith.constant 0 : i32
    %c0_i32_0 = arith.constant 0 : i32
    %c0_i32_1 = arith.constant 0 : i32
    return %c0_i32, %c0_i32_0 : i32, i32
  }
  func.func @transform_4(%arg0: i32) -> (i32, i32) {
    %c0_i32 = arith.constant 0 : i32
    %c0_i32_0 = arith.constant 0 : i32
    %c0_i32_1 = arith.constant 0 : i32
    return %c0_i32, %c0_i32_0 : i32, i32
  }
  func.func @transform_5(%arg0: i32) -> (i32, i32) {
    %c0_i32 = arith.constant 0 : i32
    %c0_i32_0 = arith.constant 0 : i32
    %c0_i32_1 = arith.constant 0 : i32
    return %c0_i32, %c0_i32_0 : i32, i32
  }
  func.func @transform_6(%arg0: i32) -> (i32, i32) {
    %c0_i32 = arith.constant 0 : i32
    %c0_i32_0 = arith.constant 0 : i32
    return %arg0, %c0_i32 : i32, i32
  }
  func.func @transform_7(%arg0: i32) -> (i32, i32) {
    %c0_i32 = arith.constant 0 : i32
    %c0_i32_0 = arith.constant 0 : i32
    %c0_i32_1 = arith.constant 0 : i32
    return %c0_i32, %c0_i32_0 : i32, i32
  }
  func.func @transform_8(%arg0: i32) -> (i32, i32) {
    %c0_i32 = arith.constant 0 : i32
    %c0_i32_0 = arith.constant 0 : i32
    return %arg0, %c0_i32 : i32, i32
  }
}

module attributes {stable_mosaic.version = 14 : i64} {
  func.func @_dense3_body(%arg0: i32, %arg1: memref<2x1000x128xf32, #tpu.memory_space<vmem>>, %arg2: memref<2x1000x128xf32, #tpu.memory_space<vmem>>, %arg3: memref<1000x128xf32, #tpu.memory_space<vmem>>, %arg4: memref<128x128xf32, #tpu.memory_space<vmem>>, %arg5: memref<1x128xf32, #tpu.memory_space<vmem>>, %arg6: memref<128x128xf32, #tpu.memory_space<vmem>>, %arg7: memref<1x1xf32, #tpu.memory_space<smem>>, %arg8: memref<1000x128xf32, #tpu.memory_space<vmem>>) attributes {dimension_semantics = [#tpu.dimension_semantics<arbitrary>], iteration_bounds = array<i64: 10>, scalar_prefetch = 0 : i64, scratch_operands = 0 : i64, tpu.core_type = #tpu.core_type<tc>, window_params = [{transform_indices = @transform_0, window_bounds = array<i64: 2, 1000, 128>}, {transform_indices = @transform_1, window_bounds = array<i64: 2, 1000, 128>}, {transform_indices = @transform_2, window_bounds = array<i64: 1000, 128>}, {pipeline_mode = #tpu.pipeline_mode<synchronous>, transform_indices = @transform_3, window_bounds = array<i64: 128, 128>}, {pipeline_mode = #tpu.pipeline_mode<synchronous>, transform_indices = @transform_4, window_bounds = array<i64: 1, 128>}, {pipeline_mode = #tpu.pipeline_mode<synchronous>, transform_indices = @transform_5, window_bounds = array<i64: 128, 128>}, {transform_indices = @transform_6, window_bounds = array<i64: 1, 1>}, {transform_indices = @transform_7, window_bounds = array<i64: 1000, 128>}]} {
    %get3A = arith.constant 0 : index
    %get3A_0 = arith.constant 0 : index
    %get3A_1 = memref.load %arg7[%get3A, %get3A_0] : memref<1x1xf32, #tpu.memory_space<smem>>
    %get3A_2 = arith.constant 0 : index
    %get3A_3 = arith.constant 0 : index
    %get3A_4 = arith.constant 0 : index
    %get3A_5 = vector.load %arg1[%get3A_2, %get3A_3, %get3A_4] : memref<2x1000x128xf32, #tpu.memory_space<vmem>>, vector<1x1000x128xf32>
    %get3A_6 = vector.shape_cast %get3A_5 : vector<1x1000x128xf32> to vector<1000x128xf32>
    %get3A_7 = arith.constant 1 : index
    %get3A_8 = arith.constant 0 : index
    %get3A_9 = arith.constant 0 : index
    %get3A_10 = vector.load %arg1[%get3A_7, %get3A_8, %get3A_9] : memref<2x1000x128xf32, #tpu.memory_space<vmem>>, vector<1x1000x128xf32>
    %get3A_11 = vector.shape_cast %get3A_10 : vector<1x1000x128xf32> to vector<1000x128xf32>
    %add3A = arith.addf %get3A_6, %get3A_11 : vector<1000x128xf32>
    %get3A_12 = arith.constant 0 : index
    %get3A_13 = arith.constant 0 : index
    %get3A_14 = arith.constant 0 : index
    %get3A_15 = vector.load %arg2[%get3A_12, %get3A_13, %get3A_14] : memref<2x1000x128xf32, #tpu.memory_space<vmem>>, vector<1x1000x128xf32>
    %get3A_16 = vector.shape_cast %get3A_15 : vector<1x1000x128xf32> to vector<1000x128xf32>
    %slice3A = vector.extract_strided_slice %get3A_16 {offsets = [0, 0], sizes = [1000, 1], strides = [1, 1]} : vector<1000x128xf32> to vector<1000x1xf32>
    %get3A_17 = arith.constant 1 : index
    %get3A_18 = arith.constant 0 : index
    %get3A_19 = arith.constant 0 : index
    %get3A_20 = vector.load %arg2[%get3A_17, %get3A_18, %get3A_19] : memref<2x1000x128xf32, #tpu.memory_space<vmem>>, vector<1x1000x128xf32>
    %get3A_21 = vector.shape_cast %get3A_20 : vector<1x1000x128xf32> to vector<1000x128xf32>
    %slice3A_22 = vector.extract_strided_slice %get3A_21 {offsets = [0, 0], sizes = [1000, 1], strides = [1, 1]} : vector<1000x128xf32> to vector<1000x1xf32>
    %add3A_23 = arith.addf %slice3A, %slice3A_22 : vector<1000x1xf32>
    %max3A = arith.constant 1.000000e+00 : f32
    %max3A_24 = vector.broadcast %max3A : f32 to vector<1000x1xf32>
    %max3A_25 = arith.maximumf %add3A_23, %max3A_24 : vector<1000x1xf32>
    %div3A = arith.constant 1.000000e+00 : f32
    %div3A_26 = vector.broadcast %div3A : f32 to vector<1000x1xf32>
    %div3A_27 = arith.divf %div3A_26, %max3A_25 : vector<1000x1xf32>
    %mul3A = vector.broadcast %div3A_27 : vector<1000x1xf32> to vector<1000x128xf32>
    %mul3A_28 = arith.mulf %add3A, %mul3A : vector<1000x128xf32>
    %get3A_29 = arith.constant 0 : index
    %get3A_30 = arith.constant 0 : index
    %get3A_31 = vector.load %arg4[%get3A_29, %get3A_30] : memref<128x128xf32, #tpu.memory_space<vmem>>, vector<128x128xf32>
    %dot_general3A = arith.constant dense<0.000000e+00> : vector<1000x128xf32>
    %dot_general3A_32 = tpu.matmul %mul3A_28, %get3A_31, %dot_general3A {dimension_numbers = #tpu.dot_dimension_numbers<[1], [1], [0], [0], [0, 0, 1, 0], [], []>, transpose_lhs_hint = false} : vector<1000x128xf32>, vector<128x128xf32>, vector<1000x128xf32> -> vector<1000x128xf32>
    %get3A_33 = arith.constant 0 : index
    %get3A_34 = arith.constant 0 : index
    %get3A_35 = vector.load %arg5[%get3A_33, %get3A_34] : memref<1x128xf32, #tpu.memory_space<vmem>>, vector<1x128xf32>
    %add3A_36 = vector.broadcast %get3A_35 : vector<1x128xf32> to vector<1000x128xf32>
    %add3A_37 = arith.addf %dot_general3A_32, %add3A_36 : vector<1000x128xf32>
    %get3A_38 = arith.constant 0 : index
    %get3A_39 = arith.constant 0 : index
    %get3A_40 = vector.load %arg3[%get3A_38, %get3A_39] : memref<1000x128xf32, #tpu.memory_space<vmem>>, vector<1000x128xf32>
    %get3A_41 = arith.constant 0 : index
    %get3A_42 = arith.constant 0 : index
    %get3A_43 = vector.load %arg6[%get3A_41, %get3A_42] : memref<128x128xf32, #tpu.memory_space<vmem>>, vector<128x128xf32>
    %dot_general3A_44 = arith.constant dense<0.000000e+00> : vector<1000x128xf32>
    %dot_general3A_45 = tpu.matmul %get3A_40, %get3A_43, %dot_general3A_44 {dimension_numbers = #tpu.dot_dimension_numbers<[1], [1], [0], [0], [0, 0, 1, 0], [], []>, transpose_lhs_hint = false} : vector<1000x128xf32>, vector<128x128xf32>, vector<1000x128xf32> -> vector<1000x128xf32>
    %add3A_46 = arith.addf %add3A_37, %dot_general3A_45 : vector<1000x128xf32>
    %mul3A_47 = arith.mulf %add3A_46, %add3A_46 : vector<1000x128xf32>
    %reduce_sum3A = arith.constant dense<0.000000e+00> : vector<1000xf32>
    %reduce_sum3A_48 = vector.multi_reduction <add>, %mul3A_47, %reduce_sum3A [1] : vector<1000x128xf32> to vector<1000xf32>
    %broadcast_in_dim3A = vector.shape_cast %reduce_sum3A_48 : vector<1000xf32> to vector<1000x1xf32>
    %sqrt3A = math.sqrt %broadcast_in_dim3A : vector<1000x1xf32>
    %max3A_49 = arith.constant 9.99999996E-13 : f32
    %max3A_50 = vector.broadcast %max3A_49 : f32 to vector<1000x1xf32>
    %max3A_51 = arith.maximumf %sqrt3A, %max3A_50 : vector<1000x1xf32>
    %div3A_52 = vector.broadcast %max3A_51 : vector<1000x1xf32> to vector<1000x128xf32>
    %div3A_53 = arith.divf %add3A_46, %div3A_52 : vector<1000x128xf32>
    %ge3A = arith.constant 0.000000e+00 : f32
    %ge3A_54 = vector.broadcast %ge3A : f32 to vector<1000x128xf32>
    %ge3A_55 = arith.cmpf oge, %div3A_53, %ge3A_54 : vector<1000x128xf32>
    %mul3A_56 = vector.broadcast %get3A_1 : f32 to vector<1000x128xf32>
    %mul3A_57 = arith.mulf %mul3A_56, %div3A_53 : vector<1000x128xf32>
    %select_n3A = arith.select %ge3A_55, %div3A_53, %mul3A_57 : vector<1000x128xi1>, vector<1000x128xf32>
    %ge3A_58 = arith.constant 0.000000e+00 : f32
    %ge3A_59 = vector.broadcast %ge3A_58 : f32 to vector<1000x128xf32>
    %ge3A_60 = arith.cmpf oge, %select_n3A, %ge3A_59 : vector<1000x128xf32>
    %mul3A_61 = vector.broadcast %get3A_1 : f32 to vector<1000x128xf32>
    %mul3A_62 = arith.mulf %mul3A_61, %select_n3A : vector<1000x128xf32>
    %select_n3A_63 = arith.select %ge3A_60, %select_n3A, %mul3A_62 : vector<1000x128xi1>, vector<1000x128xf32>
    %swap3A = arith.constant 0 : index
    %swap3A_64 = arith.constant 0 : index
    %swap3A_65 = vector.load %arg8[%swap3A, %swap3A_64] : memref<1000x128xf32, #tpu.memory_space<vmem>>, vector<1000x128xf32>
    tpu.vector_store %arg8[%swap3A, %swap3A_64], %select_n3A_63 {strides = array<i32>} : memref<1000x128xf32, #tpu.memory_space<vmem>>, vector<1000x128xf32>,
    return
  }
  func.func @transform_0(%arg0: i32) -> (i32, i32, i32) {
    %c0_i32 = arith.constant 0 : i32
    %c0_i32_0 = arith.constant 0 : i32
    %c0_i32_1 = arith.constant 0 : i32
    return %c0_i32, %arg0, %c0_i32_0 : i32, i32, i32
  }
  func.func @transform_1(%arg0: i32) -> (i32, i32, i32) {
    %c0_i32 = arith.constant 0 : i32
    %c0_i32_0 = arith.constant 0 : i32
    %c0_i32_1 = arith.constant 0 : i32
    return %c0_i32, %arg0, %c0_i32_0 : i32, i32, i32
  }
  func.func @transform_2(%arg0: i32) -> (i32, i32) {
    %c0_i32 = arith.constant 0 : i32
    %c0_i32_0 = arith.constant 0 : i32
    return %arg0, %c0_i32 : i32, i32
  }
  func.func @transform_3(%arg0: i32) -> (i32, i32) {
    %c0_i32 = arith.constant 0 : i32
    %c0_i32_0 = arith.constant 0 : i32
    %c0_i32_1 = arith.constant 0 : i32
    return %c0_i32, %c0_i32_0 : i32, i32
  }
  func.func @transform_4(%arg0: i32) -> (i32, i32) {
    %c0_i32 = arith.constant 0 : i32
    %c0_i32_0 = arith.constant 0 : i32
    %c0_i32_1 = arith.constant 0 : i32
    return %c0_i32, %c0_i32_0 : i32, i32
  }
  func.func @transform_5(%arg0: i32) -> (i32, i32) {
    %c0_i32 = arith.constant 0 : i32
    %c0_i32_0 = arith.constant 0 : i32
    %c0_i32_1 = arith.constant 0 : i32
    return %c0_i32, %c0_i32_0 : i32, i32
  }
  func.func @transform_6(%arg0: i32) -> (i32, i32) {
    %c0_i32 = arith.constant 0 : i32
    %c0_i32_0 = arith.constant 0 : i32
    %c0_i32_1 = arith.constant 0 : i32
    return %c0_i32, %c0_i32_0 : i32, i32
  }
  func.func @transform_7(%arg0: i32) -> (i32, i32) {
    %c0_i32 = arith.constant 0 : i32
    %c0_i32_0 = arith.constant 0 : i32
    return %arg0, %c0_i32 : i32, i32
  }
}

</mosaic_0001>

<sc_bundles>
// kernel: kernel.12.cloned.1.call-start
scs
__scs_entry_jumppad:
0x0: {  	(pc) =	sbr.rel $0x88, $3  }
0x1: {  	(tag) =	ssettag $0x0;
	lr =	simm.s32 $0x1  }
0x2: {  	[smem:$0x3F93] =	sst lr;
	_ =	strace $0xD0000000  }
0x3: {  	_ = 	snop  }
0x4: {  	_ = 	snop  }
0x5: {  	_ = 	snop  }
0x6: {  	_ = 	snop  }
0x7: {  	_ = 	snop  }
__scs_overlays_trampoline_lowered:
0x8: {  	[smem:$0x3FA2] =	sst s0  }
0x9: {  	[smem:$0x3FA3] =	sst s1  }
0xa: {  	[smem:$0x3FA4] =	sst s2  }
0xb: {  	[smem:$0x3FA5] =	sst s3  }
0xc: {  	[smem:$0x3FA6] =	sst s4  }
0xd: {  	[smem:$0x3FA7] =	sst s5  }
0xe: {  	[smem:$0x3FA8] =	sst s6  }
0xf: {  	[smem:$0x3FA9] =	sst s7  }
0x10: {  	[smem:$0x3FAA] =	sst s8  }
0x11: {  	[smem:$0x3FAB] =	sst s9;
	s0 =	simm.s32 @!p0 $0x0  }
0x12: {  	s1 =	sld [smem:$0x3F91];
	s0 =	simm.s32 @p0 $0x1  }
0x13: {  	[smem:$0x3FAC] =	sst s0;
	s0 =	simm.s32 @!p1 $0x0  }
0x14: {  	s2 =	sld [smem:$0x3F90];
	s0 =	simm.s32 @p1 $0x1  }
0x15: {  	[smem:$0x3FAD] =	sst s0;
	s0 =	simm.s32 @!p2 $0x0  }
0x16: {  	s3 =	sld [smem:$0x3FDB];
	s0 =	simm.s32 @p2 $0x1  }
0x17: {  	s4 =	simm.s32 $0x1BF5;
	[smem:$0x3FAF] =	sst s0  }
0x18: {  	s0 =	sld [smem:$0x3F92];
	_ =	swait.ge [sflag:s4], $0x0  }
0x19: {  	s7 =	sld [smem:$0x3F93]  }
0x1a: {  	s8 =	sadd.s32 $0xFFFFE003, lr  }
0x1b: {  	s9 =	sadd.s32 $0xFFFFFEF7, lr;
	s5 =	simm.s32 $0xFFFFFFFF;
	p2 =	slt.u32 s8, $0xFFFFF086  }
0x1c: {  	p1 =	slt.u32 s9, $0xF7A;
	s5 =	simm.s32 @!p2 $0x0  }
0x1d: {  	s5 =	simm.s32 @p1 $0x1;
	p0 =	seq.s32 s7, s2  }
0x1e: {  	s7 =	smul.u32 @!p0 $0xF7A, s2;
	p2 =	seq.s32 @!p0 s5, $0x0  }
0x1f: {  	s9 =	smul.u32 $0xF7A, s1;
	s8 =	simm.s32 @!p0 $0x1BF5;
	p2 =	por !p2, p0  }
0x20: {  	[sflag:s8] =	ssyncset.s32 @!p0 $0xFFFFF086;
	s6 =	sadd.s32 @!p0 s3, s7;
	s7 =	simm.s32 @!p0 $0x108  }
0x21: {  	s3 =	sadd.s32 s3, s9;
	s6 =	sadd.s32 @!p0 $0x88, s6;
	s7 =	simm.s32 @p2 $0x1082  }
0x22: {  	[simem:s7], [sflag:s8] =	dma.local @!p0 [hbm:s6], $0xF7A  }
0x23: {  	s9 =	sor.u32 $0xD0000000, s2;
	s6 =	simm.s32 $0x108;
	_ =	swait.ge @!p0 [sflag:s8], $0x0  }
0x24: {  	s3 =	sadd.s32 $0x88, s3;
	s6 =	simm.s32 @!p1 $0x1082;
	[sflag:s4] =	ssyncset.s32 $0xFFFFF086  }
0x25: {  	[simem:s6], [sflag:s4] =	dma.local [hbm:s3], $0xF7A  }
0x26: {  	[smem:$0x3F93] =	sst s1;
	(tag) =	ssettag s2;
	_ =	strace s9  }
0x27: {  	s1 =	sld [smem:$0x3FA3]  }
0x28: {  	s2 =	sld [smem:$0x3FA4]  }
0x29: {  	s4 =	sld [smem:$0x3FA6]  }
0x2a: {  	p0 =	seq.s32 s5, $0x0;
	s5 =	sld [smem:$0x3FA7]  }
0x2b: {  	s6 =	sld [smem:$0x3FA8]  }
0x2c: {  	s7 =	sld [smem:$0x3FA9]  }
0x2d: {  	s3 =	simm.s32 $0x108;
	s8 =	sld [smem:$0x3FAA]  }
0x2e: {  	s3 =	simm.s32 @!p0 $0x1082;
	s9 =	sld [smem:$0x3FAB]  }
0x2f: {  	lr =	sadd.s32 s0, s3;
	s0 =	sld [smem:$0x3FA2]  }
0x30: {  	s3 =	sld [smem:$0x3FA5]  }
0x31: {  	[smem:$0x3FAE] =	sst s10  }
0x32: {  	s10 =	sld [smem:$0x3FAC];
	_ =	sdelay $0x3  }
0x33: {  	p0 =	seq.s32 s10, $0x1;
	s10 =	sld [smem:$0x3FAE];
	_ =	sdelay $0x3  }
0x34: {  	[smem:$0x3FAE] =	sst s10  }
0x35: {  	s10 =	sld [smem:$0x3FAD];
	_ =	sdelay $0x3  }
0x36: {  	p1 =	seq.s32 s10, $0x1;
	s10 =	sld [smem:$0x3FAE];
	_ =	sdelay $0x3  }
0x37: {  	[smem:$0x3FAE] =	sst s10  }
0x38: {  	s10 =	sld [smem:$0x3FAF]  }
0x39: {  	_ = 	snop;
	(pc) =	sbr.ind lr, $3  }
0x3a: {  	_ = 	snop  }
0x3b: {  	_ = 	snop  }
0x3c: {  	p2 =	seq.s32 s10, $0x1;
	s10 =	sld [smem:$0x3FAE]  }
0x3d: {  	_ =	shalt  }
0x3e: {  	_ =	shalt  }
0x3f: {  	_ =	shalt  }
0x40: {  	_ =	shalt  }
0x41: {  	_ =	shalt  }
0x42: {  	_ =	shalt  }
0x43: {  	_ =	shalt  }
0x44: {  	_ =	shalt  }
0x45: {  	_ =	shalt  }
0x46: {  	_ =	shalt  }
0x47: {  	_ =	shalt  }
0x48: {  	_ =	shalt  }
0x49: {  	_ =	shalt  }
0x4a: {  	_ =	shalt  }
0x4b: {  	_ =	shalt  }
0x4c: {  	_ =	shalt  }
0x4d: {  	_ =	shalt  }
0x4e: {  	_ =	shalt  }
0x4f: {  	_ =	shalt  }
0x50: {  	_ =	shalt  }
0x51: {  	_ =	shalt  }
0x52: {  	_ =	shalt  }
0x53: {  	_ =	shalt  }
0x54: {  	_ =	shalt  }
0x55: {  	_ =	shalt  }
0x56: {  	_ =	shalt  }
0x57: {  	_ =	shalt  }
0x58: {  	_ =	shalt  }
0x59: {  	_ =	shalt  }
0x5a: {  	_ =	shalt  }
0x5b: {  	_ =	shalt  }
0x5c: {  	_ =	shalt  }
0x5d: {  	_ =	shalt  }
0x5e: {  	_ =	shalt  }
0x5f: {  	_ =	shalt  }
0x60: {  	_ =	shalt  }
0x61: {  	_ =	shalt  }
0x62: {  	_ =	shalt  }
0x63: {  	_ =	shalt  }
0x64: {  	_ =	shalt  }
0x65: {  	_ =	shalt  }
0x66: {  	_ =	shalt  }
0x67: {  	_ =	shalt  }
0x68: {  	_ =	shalt  }
0x69: {  	_ =	shalt  }
0x6a: {  	_ =	shalt  }
0x6b: {  	_ =	shalt  }
0x6c: {  	_ =	shalt  }
0x6d: {  	_ =	shalt  }
0x6e: {  	_ =	shalt  }
0x6f: {  	_ =	shalt  }
0x70: {  	_ =	shalt  }
0x71: {  	_ =	shalt  }
0x72: {  	_ =	shalt  }
0x73: {  	_ =	shalt  }
0x74: {  	_ =	shalt  }
0x75: {  	_ =	shalt  }
0x76: {  	_ =	shalt  }
0x77: {  	_ =	shalt  }
0x78: {  	_ =	shalt  }
0x79: {  	_ =	shalt  }
0x7a: {  	_ =	shalt  }
0x7b: {  	_ =	shalt  }
0x7c: {  	_ =	shalt  }
0x7d: {  	_ =	shalt  }
0x7e: {  	_ =	shalt  }
0x7f: {  	_ =	shalt  }
0x80: {  	_ =	shalt  }
0x81: {  	_ =	shalt  }
0x82: {  	_ =	shalt  }
0x83: {  	_ =	shalt  }
0x84: {  	_ =	shalt  }
0x85: {  	_ =	shalt  }
0x86: {  	_ =	shalt  }
0x87: {  	_ =	shalt  }
.Lfunc_end0:
.L_simem_size_0:
called_computation.1_lowered:
.L_overlay_start_0:
0x88: {  	s2 =	sld [smem:$0x3FD9]  }
0x89: {  	s3 =	sld [smem:$0x3FFE];
	_ =	sdelay $0x1  }
0x8a: {  	s1 =	srdreg.scid  }
0x8b: {  	s0 =	sand.u32 $0x1, s1  }
0x8c: {  	s17 =	sshll.u32 s0, $0xA;
	s2 =	sadd.s32 s3, s2  }
0x8d: {  	s2 =	sadd.s32 s2, s17  }
0x8e: {  	[smem:$0x3FBA] =	sst s2  }
0x8f: {  	_ = 	snop  }
0x90: {  	s18 =	sld [smem:$0x3FC9];
	(tm) =	ssettm $0x1  }
0x91: {  	s19 =	sld [smem:$0x3FFB];
	_ =	sdelay $0x3  }
0x92: {  	_ =	strace s19  }
0x93: {  	s2 =	sld [smem:$0x3FFC];
	_ =	sdelay $0x3  }
0x94: {  	_ =	strace s2  }
0x95: {  	s2 =	sld [smem:$0x3FFD];
	_ =	sdelay $0x3  }
0x96: {  	_ =	strace s2  }
0x97: {  	_ =	strace $0x8FFFFFFF  }
0x98: {  	s20 =	sld [smem:$0x3FDB];
	_ =	sdelay $0x1  }
0x99: {  	s4 =	simm.s32 $_scs_section_size  }
0x9a: {  	s5 =	simm.s32 $_size__tile_overlayer_lowered;
	s6 =	simm.s32 $_tile_overlayer_lowered  }
0x9b: {  	s7 =	simm.s32 $0x1BFF;
	s21 =	sshll.u32 s6, $0x1;
	s4 =	sadd.s32 s4, s20  }
0x9c: {  	s22 =	simm.s32 $0x0;
	s5 =	sshll.u32 s5, $0x1;
	s6 =	sadd.s32 s21, s4  }
0x9d: {  	[timem:s22], [sflag:s7] =	dma.local [hbm:s6], s5  }
0x9e: {  	_ =	swait.ge [sflag:s7], s5  }
0x9f: {  	s5 =	ssub.s32 $0x0, s5;
	[sflag:s7] =	ssyncset.done $0x0  }
0xa0: {  	[sflag:s7] =	ssyncadd.s32 s5;
	_ =	sdelay $0x1  }
0xa1: {  	s23 =	simm.s32 $0x1B8B  }
0xa2: {  	_ =	swait.ge [sflag:s23], $0x1  }
0xa3: {  	[sflag:s23] =	ssyncset.done $0x0  }
0xa4: {  	[sflag:s23] =	ssyncadd.s32 $0xFFFFFFFF  }
0xa5: {  	s5 =	sld [smem:$0x0]  }
0xa6: {  	s6 =	sand.u32 $0xFFFFFFFE, s1  }
0xa7: {  	p0 =	sne.s32 s1, s6  }
0xa8: {  	s6 =	sshll.u32 @p0 s6, $0xE  }
0xa9: {  	s6 =	sadd.s32 @p0 $0x11B8D, s6;
	s7 =	sshll.u32 @p0 s5, $0x11  }
0xaa: {  	s6 =	sor.u32 @p0 s7, s6  }
0xab: {  	[sflag:s6] =	ssyncadd.remote.s32 @p0 $0x1;
	_ =	sdelay $0x1  }
0xac: {  	s6 =	simm.s32 @p0 $0x1B8D  }
0xad: {  	_ =	swait.eq @p0 [sflag:s6], $0x1  }
0xae: {  	[sflag:s6] =	ssyncadd.s32 @p0 $0xFFFFFFFF  }
0xaf: {  	s7 =	sshll.u32 @!p0 s1, $0xE  }
0xb0: {  	s7 =	sor.u32 @!p0 $0x4000, s7;
	s6 =	simm.s32 @!p0 $0x1B8D  }
0xb1: {  	s5 =	sshll.u32 @!p0 s5, $0x11;
	s7 =	sadd.s32 @!p0 $0x11B8D, s7;
	_ =	swait.eq @!p0 [sflag:s6], $0x1  }
0xb2: {  	s5 =	sor.u32 @!p0 s5, s7;
	[sflag:s6] =	ssyncadd.s32 @!p0 $0xFFFFFFFF  }
0xb3: {  	s25 =	simm.s32 $0x1B8E;
	s24 =	sld [smem:$0x3FFE];
	[sflag:s5] =	ssyncadd.remote.s32 @!p0 $0x1  }
0xb4: {  	s26 =	simm.s32 $execute0_lowered;
	[smem:$0x3FD2] =	sst s25  }
0xb5: {  	s6 =	sshll.u32 s26, $0x1;
	_ =	strace $0x80000049;
	[dreg:$0x1] =	wrdreg $0xFFFFFFFF  }
0xb6: {  	s28 =	simm.s32 $_size_execute0_lowered;
	s4 =	sadd.s32 s4, s6;
	[dreg:$0x0] =	wrdreg $0x0  }
0xb7: {  	s6 =	sshll.u32 s28, $0x1;
	[dreg:$0x2] =	wrdreg s4  }
0xb8: {  	[dreg:$0x3] =	wrdreg s6  }
0xb9: {  	[dreg:$0x4] =	wrdreg $0xC0  }
0xba: {  	_ =	task [dreg:s22], $0x5FFFF  }
0xbb: {  	[dreg:$0x1] =	wrdreg $0xFFFFFFFF  }
0xbc: {  	[dreg:$0x0] =	wrdreg $0x60  }
0xbd: {  	[dreg:$0x2] =	wrdreg s18  }
0xbe: {  	[dreg:$0x3] =	wrdreg s24  }
0xbf: {  	[dreg:$0x4] =	wrdreg $0x82000  }
0xc0: {  	[dreg:$0x5] =	wrdreg $0xA  }
0xc1: {  	_ =	task.clear_ibuf [dreg:s22], $0x6FFFF;
	_ =	strace $0x90000049  }
0xc2: {  	s29 =	simm.s32 $0xA;
	_ =	strace $0x8000004B  }
0xc3: {  	_ =	swait.ge [sflag:s29], $0x1  }
0xc4: {  	[sflag:s29] =	ssyncadd.s32 $0xFFFFFFFF  }
0xc5: {  	_ =	strace $0x9000004B  }
0xc6: {  	_ =	sfence  }
0xc7: {  	s30 =	sld [smem:$0x0];
	_ =	sdelay $0x2  }
0xc8: {  	s31 =	sshll.u32 s1, $0xD;
	s1 =	sshrl.u32 s1, $0x2  }
0xc9: {  	s4 =	sand.u32 $0x4000, s31;
	s1 =	sadd.s32 s1, s30  }
0xca: {  	s0 =	sor.u32 s4, s0;
	s1 =	sshll.u32 s1, $0x11  }
0xcb: {  	s0 =	sor.u32 s1, s0  }
0xcc: {  	s0 =	sadd.s32 $0x8F2B, s0  }
0xcd: {  	[sflag:s0] =	ssyncadd.remote.s32 $0x1  }
0xce: {  	_ =	sfence.sel $0xFFFF  }
0xcf: {  	[dreg:$0x0] =	wrdreg $0xFFFFFFFF;
	(pc) =	sbr.abs _section_cstart, $3  }
0xd0: {  	[dreg:$0x1] =	wrdreg $0xFFFFFFFF  }
0xd1: {  	_ =	task.clear_ibuf [dreg:s22], $0x2FFFF;
	_ =	strace $0x9FFFFFFF  }
0xd2: {  	(tm) =	ssettm $0x7FFFFFFF  }
0xd3: {  	_ =	shalt  }
tec
execute0_lowered:
.L_overlay_start_1:
0x0: {  	(tag) =	ssettag $0x1  }
0x1: {  	s0 =	rddreg [dreg:$0x0]  }
0x2: {  	s6 =	rddreg [dreg:$0x1]  }
0x3: {  	s1 =	srdreg.scid;
	s3 =	rddreg [dreg:$0x2]  }
0x4: {  	s2 =	stileid.u32;
	s4 =	simm.s32 $0x0;
	s19 =	simm.s32 $0x80  }
0x5: {  	s20 =	simm.s32 $0x100;
	s21 =	simm.s32 $0x3;
	s22 =	simm.s32 $0x4200  }
0x6: {  	s23 =	simm.s32 $0x1;
	s24 =	simm.s32 $0x2;
	s7 =	smul.u32 $0x14000, s2  }
0x7: {  	s13 =	sand.u32 $0x1, s1;
	s1 =	rddreg [dreg:$0x3];
	s8 =	smul.u32 $0x50000, s2  }
0x8: {  	[smem:$0x7FF] =	sst s4;
	s15 =	sadd.s32 $0x3800, s6;
	s18 =	smul.u32 $0x13C0, s2  }
0x9: {  	s25 =	sshll.u32 s2, $0x1;
	s5 =	smul.u32 $0x140000, s13;
	_ =	strace $0x8000004A  }
0xa: {  	s26 =	ssub.s32 $0x2, s13;
	s10 =	sor.u32 s13, s25;
	s30 =	smul.u32 $0x9E0, s13  }
0xb: {  	s25 =	simm.s32 $0x180;
	s28 =	sshrl.u32 s8, $0x2;
	s11 =	smul.u32 $0x4F00, s10  }
0xc: {  	s29 =	sshrl.u32 s26, $0x1;
	s12 =	smul.u32 $0x9E0, s10;
	s31 =	sadd.s32 s18, s15  }
0xd: {  	s18 =	simm.s32 $0x4;
	s5 =	sadd.s32 s7, s5;
	s16 =	ssub.s32 s26, s29  }
0xe: {  	s26 =	simm.s32 $0x0;
	s7 =	sshrl.u32 s5, $0x3;
	s5 =	sadd.s32 $0x17400, s6  }
0xf: {  	s11 =	sshrl.u32 s11, $0x3;
	s14 =	sadd.s32 s7, s6;
	s6 =	sadd.s32 s28, s3  }
0x10: {  	s17 =	sadd.s32 s15, s11;
	s11 =	sadd.s32 s15, s12;
	s7 =	sadd.s32 $0x4000, s6  }
0x11: {  	s8 =	sadd.s32 $0x8000, s6;
	s9 =	sadd.s32 $0xC000, s6;
	s10 =	sadd.s32 $0x10000, s6  }
0x12: {  	s12 =	sadd.s32 $0x20, s17;
	s13 =	sadd.s32 $0x67C00, s14;
	s14 =	smax.u32 s16, $0x1  }
0x13: {  	s15 =	sadd.s32 $0x9C0, s11;
	s16 =	sadd.s32 s30, s31;
	s17 =	simm.s32 $0x200  }
.LBB2_1:
0x14: {  	[tilespmem:s17], [sflag:$0x4] =	stream.linear.gather [hbm4b:s5+s4], $0x4000, $0x38;
	[tilespmem:$0x1C200] =	vst v63  }
0x15: {  	_ =	swait.ge [sflag:s18], $0x4000  }
0x16: {  	[sflag:s18] =	ssyncset.done $0x0  }
0x17: {  	[sflag:s18] =	ssyncadd.s32 $0xFFFFC000  }
0x18: {  	[spmem:s6] =	stream.linear.scatter [tilespmem:s17], [sflag:$0x4], $0x4000, $0x38;
	[tilespmem:$0x1C200] =	vst v63  }
0x19: {  	_ =	swait.ge [sflag:s18], $0x4000  }
0x1a: {  	[sflag:s18] =	ssyncset.done $0x0  }
0x1b: {  	[sflag:s18] =	ssyncadd.s32 $0xFFFFC000  }
0x1c: {  	[spmem:s7] =	stream.linear.scatter [tilespmem:s17], [sflag:$0x4], $0x4000, $0x38;
	[tilespmem:$0x1C200] =	vst v63  }
0x1d: {  	_ =	swait.ge [sflag:s18], $0x4000  }
0x1e: {  	[sflag:s18] =	ssyncset.done $0x0  }
0x1f: {  	[sflag:s18] =	ssyncadd.s32 $0xFFFFC000  }
0x20: {  	[spmem:s8] =	stream.linear.scatter [tilespmem:s17], [sflag:$0x4], $0x4000, $0x38;
	[tilespmem:$0x1C200] =	vst v63  }
0x21: {  	_ =	swait.ge [sflag:s18], $0x4000  }
0x22: {  	[sflag:s18] =	ssyncset.done $0x0  }
0x23: {  	[sflag:s18] =	ssyncadd.s32 $0xFFFFC000  }
0x24: {  	[spmem:s9] =	stream.linear.scatter [tilespmem:s17], [sflag:$0x4], $0x4000, $0x38;
	[tilespmem:$0x1C200] =	vst v63  }
0x25: {  	_ =	swait.ge [sflag:s18], $0x4000  }
0x26: {  	[sflag:s18] =	ssyncset.done $0x0  }
0x27: {  	[sflag:s18] =	ssyncadd.s32 $0xFFFFC000  }
0x28: {  	[spmem:s10] =	stream.linear.scatter [tilespmem:s17], [sflag:$0x4], $0x4000, $0x38;
	[tilespmem:$0x1C200] =	vst v63  }
0x29: {  	_ =	swait.ge [sflag:s18], $0x4000  }
0x2a: {  	[sflag:s18] =	ssyncset.done $0x0  }
0x2b: {  	[sflag:s18] =	ssyncadd.s32 $0xFFFFC000  }
0x2c: {  	[tilespmem:s4], [sflag:$0x4] =	stream.linear.gather [hbm4b:s11+s4], $0x100, $0x38;
	[tilespmem:$0x1C200] =	vst v63  }
0x2d: {  	_ =	swait.ge [sflag:s18], $0x100  }
0x2e: {  	[sflag:s18] =	ssyncset.done $0x0  }
0x2f: {  	[sflag:s18] =	ssyncadd.s32 $0xFFFFFF00  }
0x30: {  	[tilespmem:s17], [sflag:$0x1] =	stream.indirect.gather [hbm4b:s0+s19], $0x80, s4, s19, $0xb8;
	[tilespmem:$0x1C200] =	vst v63  }
0x31: {  	_ = 	snop  }
0x32: {  	[tilespmem:s20], [sflag:$0x3] =	stream.linear.gather [hbm4b:s12+s4], $0x100, $0x38;
	[tilespmem:$0x1C200] =	vst v63  }
0x33: {  	[bflag:$0x0] =	sbarrier.arrive $0xFFFF  }
0x34: {  	_ =	swait.ge [sflag:s21], $0x100  }
0x35: {  	[sflag:s21] =	ssyncset.done $0x0  }
0x36: {  	[sflag:s21] =	ssyncadd.s32 $0xFFFFFF00  }
0x37: {  	[tilespmem:s22], [sflag:$0x2] =	stream.indirect.gather [hbm4b:s0+s19], $0x80, s20, s19, $0xb8;
	[tilespmem:$0x1C200] =	vst v63  }
0x38: {  	_ =	swait.ge [sflag:s23], $0x4000  }
0x39: {  	[sflag:s23] =	ssyncset.done $0x0  }
0x3a: {  	[sflag:s23] =	ssyncadd.s32 $0xFFFFC000  }
0x3b: {  	[spmem:s3] =	stream.indirect.scatter.add.f32 [tilespmem:s17], [sflag:$0x4], $0x80, s19, s19, $0xb8;
	[tilespmem:$0x1C200] =	vst v63  }
0x3c: {  	_ =	swait.ge [sflag:s18], $0x4000  }
0x3d: {  	s29 =	sadd.s32 $0xFFFFF680, s16;
	[sflag:s18] =	ssyncset.done $0x0  }
0x3e: {  	s28 =	sadd.s32 $0x9C0, s29;
	[sflag:s18] =	ssyncadd.s32 $0xFFFFC000  }
0x3f: {  	[tilespmem:s4], [sflag:$0x3] =	stream.linear.gather [hbm4b:s28+s4], $0x100, $0x38;
	[tilespmem:$0x1C200] =	vst v63  }
0x40: {  	_ =	swait.ge [sflag:s21], $0x100  }
0x41: {  	[sflag:s21] =	ssyncset.done $0x0  }
0x42: {  	[sflag:s21] =	ssyncadd.s32 $0xFFFFFF00  }
0x43: {  	[tilespmem:s17], [sflag:$0x1] =	stream.indirect.gather [hbm4b:s0+s19], $0x80, s4, s19, $0xb8;
	[tilespmem:$0x1C200] =	vst v63  }
0x44: {  	_ =	swait.ge [sflag:s24], $0x4000  }
0x45: {  	[sflag:s24] =	ssyncset.done $0x0  }
0x46: {  	[sflag:s24] =	ssyncadd.s32 $0xFFFFC000  }
0x47: {  	[spmem:s3] =	stream.indirect.scatter.add.f32 [tilespmem:s22], [sflag:$0x4], $0x80, s25, s19, $0xb8;
	[tilespmem:$0x1C200] =	vst v63  }
0x48: {  	_ =	swait.ge [sflag:s18], $0x4000  }
0x49: {  	[sflag:s18] =	ssyncset.done $0x0  }
0x4a: {  	s29 =	sadd.s32 $0x9E0, s29;
	s28 =	simm.s32 $0xFFFFF6C0;
	[sflag:s18] =	ssyncadd.s32 $0xFFFFC000  }
.LBB2_2:
0x4b: {  	[tilespmem:s20], [sflag:$0x3] =	stream.linear.gather [hbm4b:s29+s4], $0x100, $0x38;
	[tilespmem:$0x1C200] =	vst v63  }
0x4c: {  	s29 =	smov.u32 s28  }
0x4d: {  	p0 =	sne.s32 s28, $0xFFFFFFC0;
	s28 =	sadd.s32 $0x40, s28;
	_ =	swait.ge [sflag:s21], $0x100  }
0x4e: {  	[sflag:s21] =	ssyncset.done $0x0  }
0x4f: {  	[sflag:s21] =	ssyncadd.s32 $0xFFFFFF00  }
0x50: {  	[tilespmem:s22], [sflag:$0x2] =	stream.indirect.gather [hbm4b:s0+s19], $0x80, s20, s19, $0xb8;
	[tilespmem:$0x1C200] =	vst v63  }
0x51: {  	_ =	swait.ge [sflag:s23], $0x4000  }
0x52: {  	[sflag:s23] =	ssyncset.done $0x0  }
0x53: {  	[sflag:s23] =	ssyncadd.s32 $0xFFFFC000  }
0x54: {  	[spmem:s3] =	stream.indirect.scatter.add.f32 [tilespmem:s17], [sflag:$0x4], $0x80, s19, s19, $0xb8;
	[tilespmem:$0x1C200] =	vst v63  }
0x55: {  	_ =	swait.ge [sflag:s18], $0x4000  }
0x56: {  	s29 =	sadd.s32 s29, s16;
	[sflag:s18] =	ssyncset.done $0x0  }
0x57: {  	s30 =	sadd.s32 $0x9C0, s29;
	[sflag:s18] =	ssyncadd.s32 $0xFFFFC000  }
0x58: {  	[tilespmem:s4], [sflag:$0x3] =	stream.linear.gather [hbm4b:s30+s4], $0x100, $0x38;
	[tilespmem:$0x1C200] =	vst v63  }
0x59: {  	_ =	swait.ge [sflag:s21], $0x100  }
0x5a: {  	[sflag:s21] =	ssyncset.done $0x0  }
0x5b: {  	[sflag:s21] =	ssyncadd.s32 $0xFFFFFF00  }
0x5c: {  	[tilespmem:s17], [sflag:$0x1] =	stream.indirect.gather [hbm4b:s0+s19], $0x80, s4, s19, $0xb8;
	[tilespmem:$0x1C200] =	vst v63  }
0x5d: {  	_ =	swait.ge [sflag:s24], $0x4000  }
0x5e: {  	[sflag:s24] =	ssyncset.done $0x0  }
.Ltmp0:
0x5f: {  	[sflag:s24] =	ssyncadd.s32 $0xFFFFC000;
	(pc) =	sbr.rel @p0 .LBB2_2-.Ltmp0, $4  }
0x60: {  	[spmem:s3] =	stream.indirect.scatter.add.f32 [tilespmem:s22], [sflag:$0x4], $0x80, s25, s19, $0xb8;
	[tilespmem:$0x1C200] =	vst v63  }
0x61: {  	_ =	swait.ge [sflag:s18], $0x4000  }
0x62: {  	[sflag:s18] =	ssyncset.done $0x0  }
0x63: {  	s29 =	sadd.s32 $0x9E0, s29;
	[sflag:s18] =	ssyncadd.s32 $0xFFFFC000  }
0x64: {  	[tilespmem:s20], [sflag:$0x3] =	stream.linear.gather [hbm4b:s29+s4], $0x100, $0x38;
	[tilespmem:$0x1C200] =	vst v63  }
0x65: {  	_ =	swait.ge [sflag:s21], $0x100  }
0x66: {  	[sflag:s21] =	ssyncset.done $0x0  }
0x67: {  	[sflag:s21] =	ssyncadd.s32 $0xFFFFFF00  }
0x68: {  	[tilespmem:s22], [sflag:$0x2] =	stream.indirect.gather [hbm4b:s0+s19], $0x80, s20, s19, $0xb8;
	[tilespmem:$0x1C200] =	vst v63  }
0x69: {  	_ =	swait.ge [sflag:s23], $0x4000  }
0x6a: {  	[sflag:s23] =	ssyncset.done $0x0  }
0x6b: {  	[sflag:s23] =	ssyncadd.s32 $0xFFFFC000  }
0x6c: {  	[spmem:s3] =	stream.indirect.scatter.add.f32 [tilespmem:s17], [sflag:$0x4], $0x80, s19, s19, $0xb8;
	[tilespmem:$0x1C200] =	vst v63  }
0x6d: {  	_ =	swait.ge [sflag:s18], $0x4000  }
0x6e: {  	[sflag:s18] =	ssyncset.done $0x0  }
0x6f: {  	[sflag:s18] =	ssyncadd.s32 $0xFFFFC000  }
0x70: {  	[tilespmem:s4], [sflag:$0x3] =	stream.linear.gather [hbm4b:s15+s4], $0x100, $0x38;
	[tilespmem:$0x1C200] =	vst v63  }
0x71: {  	_ =	swait.ge [sflag:s21], $0x100  }
0x72: {  	[sflag:s21] =	ssyncset.done $0x0  }
0x73: {  	[sflag:s21] =	ssyncadd.s32 $0xFFFFFF00  }
0x74: {  	[tilespmem:s17], [sflag:$0x1] =	stream.indirect.gather [hbm4b:s0+s19], $0x80, s4, s19, $0xb8;
	[tilespmem:$0x1C200] =	vst v63  }
0x75: {  	_ =	swait.ge [sflag:s24], $0x4000  }
0x76: {  	[sflag:s24] =	ssyncset.done $0x0  }
0x77: {  	[sflag:s24] =	ssyncadd.s32 $0xFFFFC000  }
0x78: {  	[spmem:s3] =	stream.indirect.scatter.add.f32 [tilespmem:s22], [sflag:$0x4], $0x80, s25, s19, $0xb8;
	[tilespmem:$0x1C200] =	vst v63  }
0x79: {  	_ =	swait.ge [sflag:s18], $0x4000  }
0x7a: {  	[sflag:s18] =	ssyncset.done $0x0  }
0x7b: {  	[sflag:s18] =	ssyncadd.s32 $0xFFFFC000  }
0x7c: {  	_ =	swait.ge [sflag:s23], $0x4000  }
0x7d: {  	[sflag:s23] =	ssyncset.done $0x0  }
0x7e: {  	[sflag:s23] =	ssyncadd.s32 $0xFFFFC000  }
0x7f: {  	[spmem:s3] =	stream.indirect.scatter.add.f32 [tilespmem:s17], [sflag:$0x4], $0x80, s19, s19, $0xb8;
	[tilespmem:$0x1C200] =	vst v63  }
0x80: {  	_ =	swait.ge [sflag:s18], $0x4000  }
0x81: {  	s28 =	sshll.u32 s2, $0x6;
	s26 =	sadd.s32 $0x1, s26;
	[sflag:s18] =	ssyncset.done $0x0  }
0x82: {  	s31 =	sshrl.u32 s6, $0x3;
	p0 =	sne.s32 s26, s14;
	[sflag:s18] =	ssyncadd.s32 $0xFFFFC000  }
.Ltmp1:
0x83: {  	s28 =	sor.u32 $0x1C04, s28;
	[bflag:$0x0] =	sbarrier.arrive $0xFFFF;
	(pc) =	sbr.rel @p0 .LBB2_1-.Ltmp1, $4  }
0x84: {  	[hbm:s13], [sflag:s28] =	dma.local [spmem:s31], $0x2800  }
0x85: {  	_ =	swait.ge [sflag:s18], $0x2800  }
0x86: {  	[sflag:s18] =	ssyncset.done $0x0  }
0x87: {  	[sflag:s18] =	ssyncadd.s32 $0xFFFFD800  }
0x88: {  	_ =	sfence.sel $0x180000  }
0x89: {  	[bflag:$0x0] =	sbarrier.arrive $0xFFFF  }
0x8a: {  	p0 =	sne.s32 s2, $0x0;
	_ =	strace $0x9000004A  }
0x8b: {  	s0 =	sadd.s32 @!p0 $0x100000, s1;
	[bflag:$0x2] =	sbarrier.arrive $0xFFFF  }
0x8c: {  	[sflag:s0] =	ssyncadd.tile.s32 @!p0 $0x1;
	_ =	shalt  }
.Lfunc_end2:
_tile_overlayer_lowered:
.L_overlay_start_2:
0x8d: {  	(tag) =	ssettag $0x2  }
0x8e: {  	s0 =	rddreg [dreg:$0x0];
	s2 =	stileid.u32  }
0x8f: {  	s1 =	rddreg [dreg:$0x1];
	p0 =	sne.s32 s2, $0x0  }
0x90: {  	s3 =	rddreg [dreg:$0x2];
	[bflag:$0x3] =	sbarrier.arrive $0xFFFF;
	s2 =	simm.s32 @!p0 $0x1C04  }
0x91: {  	[timem:s3], [sflag:s2] =	dma.local @!p0 [hbm:s0], s1  }
0x92: {  	s0 =	simm.s32 @!p0 $0x4  }
0x93: {  	_ =	swait.ge @!p0 [sflag:s0], s1  }
0x94: {  	s1 =	ssub.s32 @!p0 $0x0, s1;
	[sflag:s0] =	ssyncset.done @!p0 $0x0  }
0x95: {  	[sflag:s0] =	ssyncadd.s32 @!p0 s1  }
0x96: {  	[bflag:$0x3] =	sbarrier.arrive $0xFFFF  }
0x97: {  	_ =	shalt  }

// kernel: kernel.15.cloned.1.call-start
scs
__scs_entry_jumppad:
0x0: {  	(pc) =	sbr.rel $0x88, $3  }
0x1: {  	(tag) =	ssettag $0x0;
	lr =	simm.s32 $0x1  }
0x2: {  	[smem:$0x3F93] =	sst lr;
	_ =	strace $0xD0000000  }
0x3: {  	_ = 	snop  }
0x4: {  	_ = 	snop  }
0x5: {  	_ = 	snop  }
0x6: {  	_ = 	snop  }
0x7: {  	_ = 	snop  }
__scs_overlays_trampoline_lowered:
0x8: {  	[smem:$0x3FA2] =	sst s0  }
0x9: {  	[smem:$0x3FA3] =	sst s1  }
0xa: {  	[smem:$0x3FA4] =	sst s2  }
0xb: {  	[smem:$0x3FA5] =	sst s3  }
0xc: {  	[smem:$0x3FA6] =	sst s4  }
0xd: {  	[smem:$0x3FA7] =	sst s5  }
0xe: {  	[smem:$0x3FA8] =	sst s6  }
0xf: {  	[smem:$0x3FA9] =	sst s7  }
0x10: {  	[smem:$0x3FAA] =	sst s8  }
0x11: {  	[smem:$0x3FAB] =	sst s9;
	s0 =	simm.s32 @!p0 $0x0  }
0x12: {  	s1 =	sld [smem:$0x3F91];
	s0 =	simm.s32 @p0 $0x1  }
0x13: {  	[smem:$0x3FAC] =	sst s0;
	s0 =	simm.s32 @!p1 $0x0  }
0x14: {  	s2 =	sld [smem:$0x3F90];
	s0 =	simm.s32 @p1 $0x1  }
0x15: {  	[smem:$0x3FAD] =	sst s0;
	s0 =	simm.s32 @!p2 $0x0  }
0x16: {  	s3 =	sld [smem:$0x3FDB];
	s0 =	simm.s32 @p2 $0x1  }
0x17: {  	s4 =	simm.s32 $0x1BF5;
	[smem:$0x3FAF] =	sst s0  }
0x18: {  	s0 =	sld [smem:$0x3F92];
	_ =	swait.ge [sflag:s4], $0x0  }
0x19: {  	s7 =	sld [smem:$0x3F93]  }
0x1a: {  	s8 =	sadd.s32 $0xFFFFE003, lr  }
0x1b: {  	s9 =	sadd.s32 $0xFFFFFEF7, lr;
	s5 =	simm.s32 $0xFFFFFFFF;
	p2 =	slt.u32 s8, $0xFFFFF086  }
0x1c: {  	p1 =	slt.u32 s9, $0xF7A;
	s5 =	simm.s32 @!p2 $0x0  }
0x1d: {  	s5 =	simm.s32 @p1 $0x1;
	p0 =	seq.s32 s7, s2  }
0x1e: {  	s7 =	smul.u32 @!p0 $0xF7A, s2;
	p2 =	seq.s32 @!p0 s5, $0x0  }
0x1f: {  	s9 =	smul.u32 $0xF7A, s1;
	s8 =	simm.s32 @!p0 $0x1BF5;
	p2 =	por !p2, p0  }
0x20: {  	[sflag:s8] =	ssyncset.s32 @!p0 $0xFFFFF086;
	s6 =	sadd.s32 @!p0 s3, s7;
	s7 =	simm.s32 @!p0 $0x108  }
0x21: {  	s3 =	sadd.s32 s3, s9;
	s6 =	sadd.s32 @!p0 $0x88, s6;
	s7 =	simm.s32 @p2 $0x1082  }
0x22: {  	[simem:s7], [sflag:s8] =	dma.local @!p0 [hbm:s6], $0xF7A  }
0x23: {  	s9 =	sor.u32 $0xD0000000, s2;
	s6 =	simm.s32 $0x108;
	_ =	swait.ge @!p0 [sflag:s8], $0x0  }
0x24: {  	s3 =	sadd.s32 $0x88, s3;
	s6 =	simm.s32 @!p1 $0x1082;
	[sflag:s4] =	ssyncset.s32 $0xFFFFF086  }
0x25: {  	[simem:s6], [sflag:s4] =	dma.local [hbm:s3], $0xF7A  }
0x26: {  	[smem:$0x3F93] =	sst s1;
	(tag) =	ssettag s2;
	_ =	strace s9  }
0x27: {  	s1 =	sld [smem:$0x3FA3]  }
0x28: {  	s2 =	sld [smem:$0x3FA4]  }
0x29: {  	s4 =	sld [smem:$0x3FA6]  }
0x2a: {  	p0 =	seq.s32 s5, $0x0;
	s5 =	sld [smem:$0x3FA7]  }
0x2b: {  	s6 =	sld [smem:$0x3FA8]  }
0x2c: {  	s7 =	sld [smem:$0x3FA9]  }
0x2d: {  	s3 =	simm.s32 $0x108;
	s8 =	sld [smem:$0x3FAA]  }
0x2e: {  	s3 =	simm.s32 @!p0 $0x1082;
	s9 =	sld [smem:$0x3FAB]  }
0x2f: {  	lr =	sadd.s32 s0, s3;
	s0 =	sld [smem:$0x3FA2]  }
0x30: {  	s3 =	sld [smem:$0x3FA5]  }
0x31: {  	[smem:$0x3FAE] =	sst s10  }
0x32: {  	s10 =	sld [smem:$0x3FAC];
	_ =	sdelay $0x3  }
0x33: {  	p0 =	seq.s32 s10, $0x1;
	s10 =	sld [smem:$0x3FAE];
	_ =	sdelay $0x3  }
0x34: {  	[smem:$0x3FAE] =	sst s10  }
0x35: {  	s10 =	sld [smem:$0x3FAD];
	_ =	sdelay $0x3  }
0x36: {  	p1 =	seq.s32 s10, $0x1;
	s10 =	sld [smem:$0x3FAE];
	_ =	sdelay $0x3  }
0x37: {  	[smem:$0x3FAE] =	sst s10  }
0x38: {  	s10 =	sld [smem:$0x3FAF]  }
0x39: {  	_ = 	snop;
	(pc) =	sbr.ind lr, $3  }
0x3a: {  	_ = 	snop  }
0x3b: {  	_ = 	snop  }
0x3c: {  	p2 =	seq.s32 s10, $0x1;
	s10 =	sld [smem:$0x3FAE]  }
0x3d: {  	_ =	shalt  }
0x3e: {  	_ =	shalt  }
0x3f: {  	_ =	shalt  }
0x40: {  	_ =	shalt  }
0x41: {  	_ =	shalt  }
0x42: {  	_ =	shalt  }
0x43: {  	_ =	shalt  }
0x44: {  	_ =	shalt  }
0x45: {  	_ =	shalt  }
0x46: {  	_ =	shalt  }
0x47: {  	_ =	shalt  }
0x48: {  	_ =	shalt  }
0x49: {  	_ =	shalt  }
0x4a: {  	_ =	shalt  }
0x4b: {  	_ =	shalt  }
0x4c: {  	_ =	shalt  }
0x4d: {  	_ =	shalt  }
0x4e: {  	_ =	shalt  }
0x4f: {  	_ =	shalt  }
0x50: {  	_ =	shalt  }
0x51: {  	_ =	shalt  }
0x52: {  	_ =	shalt  }
0x53: {  	_ =	shalt  }
0x54: {  	_ =	shalt  }
0x55: {  	_ =	shalt  }
0x56: {  	_ =	shalt  }
0x57: {  	_ =	shalt  }
0x58: {  	_ =	shalt  }
0x59: {  	_ =	shalt  }
0x5a: {  	_ =	shalt  }
0x5b: {  	_ =	shalt  }
0x5c: {  	_ =	shalt  }
0x5d: {  	_ =	shalt  }
0x5e: {  	_ =	shalt  }
0x5f: {  	_ =	shalt  }
0x60: {  	_ =	shalt  }
0x61: {  	_ =	shalt  }
0x62: {  	_ =	shalt  }
0x63: {  	_ =	shalt  }
0x64: {  	_ =	shalt  }
0x65: {  	_ =	shalt  }
0x66: {  	_ =	shalt  }
0x67: {  	_ =	shalt  }
0x68: {  	_ =	shalt  }
0x69: {  	_ =	shalt  }
0x6a: {  	_ =	shalt  }
0x6b: {  	_ =	shalt  }
0x6c: {  	_ =	shalt  }
0x6d: {  	_ =	shalt  }
0x6e: {  	_ =	shalt  }
0x6f: {  	_ =	shalt  }
0x70: {  	_ =	shalt  }
0x71: {  	_ =	shalt  }
0x72: {  	_ =	shalt  }
0x73: {  	_ =	shalt  }
0x74: {  	_ =	shalt  }
0x75: {  	_ =	shalt  }
0x76: {  	_ =	shalt  }
0x77: {  	_ =	shalt  }
0x78: {  	_ =	shalt  }
0x79: {  	_ =	shalt  }
0x7a: {  	_ =	shalt  }
0x7b: {  	_ =	shalt  }
0x7c: {  	_ =	shalt  }
0x7d: {  	_ =	shalt  }
0x7e: {  	_ =	shalt  }
0x7f: {  	_ =	shalt  }
0x80: {  	_ =	shalt  }
0x81: {  	_ =	shalt  }
0x82: {  	_ =	shalt  }
0x83: {  	_ =	shalt  }
0x84: {  	_ =	shalt  }
0x85: {  	_ =	shalt  }
0x86: {  	_ =	shalt  }
0x87: {  	_ =	shalt  }
.Lfunc_end0:
.L_simem_size_0:
called_computation.2_lowered:
.L_overlay_start_0:
0x88: {  	s2 =	sld [smem:$0x3FD9]  }
0x89: {  	s3 =	sld [smem:$0x3FFE];
	_ =	sdelay $0x1  }
0x8a: {  	s1 =	srdreg.scid  }
0x8b: {  	s0 =	sand.u32 $0x1, s1  }
0x8c: {  	s17 =	sshll.u32 s0, $0xA;
	s2 =	sadd.s32 s3, s2  }
0x8d: {  	s2 =	sadd.s32 s2, s17  }
0x8e: {  	[smem:$0x3FBA] =	sst s2  }
0x8f: {  	_ = 	snop  }
0x90: {  	s2 =	sld [smem:$0x3FD0];
	(tm) =	ssettm $0x1  }
0x91: {  	s18 =	sld [smem:$0x3FFB];
	_ =	sdelay $0x3  }
0x92: {  	_ =	strace s18  }
0x93: {  	s3 =	sld [smem:$0x3FFC];
	_ =	sdelay $0x3  }
0x94: {  	_ =	strace s3  }
0x95: {  	s3 =	sld [smem:$0x3FFD];
	_ =	sdelay $0x3  }
0x96: {  	_ =	strace s3  }
0x97: {  	_ =	strace $0x8FFFFFFF  }
0x98: {  	s19 =	sld [smem:$0x3FDB];
	_ =	sdelay $0x1  }
0x99: {  	s4 =	simm.s32 $_scs_section_size  }
0x9a: {  	s5 =	simm.s32 $_size__tile_overlayer_lowered;
	s6 =	simm.s32 $_tile_overlayer_lowered  }
0x9b: {  	s22 =	simm.s32 $0x1BFF;
	s21 =	sshll.u32 s6, $0x1;
	s3 =	sadd.s32 s4, s19  }
0x9c: {  	s7 =	simm.s32 $0x0;
	s20 =	sshll.u32 s5, $0x1;
	s5 =	sadd.s32 s21, s3  }
0x9d: {  	[timem:s7], [sflag:s22] =	dma.local [hbm:s5], s20  }
0x9e: {  	_ =	swait.ge [sflag:s22], s20  }
0x9f: {  	s4 =	ssub.s32 $0x0, s20;
	[sflag:s22] =	ssyncset.done $0x0  }
0xa0: {  	[sflag:s22] =	ssyncadd.s32 s4;
	_ =	sdelay $0x1  }
0xa1: {  	s23 =	simm.s32 $0x1B8B  }
0xa2: {  	_ =	swait.ge [sflag:s23], $0x1  }
0xa3: {  	[sflag:s23] =	ssyncset.done $0x0  }
0xa4: {  	s25 =	simm.s32 $0x1B8E;
	s24 =	sld [smem:$0x3FFE];
	[sflag:s23] =	ssyncadd.s32 $0xFFFFFFFF  }
0xa5: {  	s26 =	simm.s32 $execute0_lowered;
	[smem:$0x3FD2] =	sst s25  }
0xa6: {  	s5 =	sshll.u32 s26, $0x1;
	_ =	strace $0x8000004C;
	[dreg:$0x1] =	wrdreg $0xFFFFFFFF  }
0xa7: {  	s28 =	simm.s32 $_size_execute0_lowered;
	s3 =	sadd.s32 s3, s5;
	[dreg:$0x0] =	wrdreg $0x0  }
0xa8: {  	s5 =	sshll.u32 s28, $0x1;
	[dreg:$0x2] =	wrdreg s3  }
0xa9: {  	[dreg:$0x3] =	wrdreg s5  }
0xaa: {  	[dreg:$0x4] =	wrdreg $0xC0  }
0xab: {  	_ =	task [dreg:s7], $0x5FFFF  }
0xac: {  	[dreg:$0x1] =	wrdreg $0xFFFFFFFF  }
0xad: {  	[dreg:$0x0] =	wrdreg $0x60  }
0xae: {  	[dreg:$0x2] =	wrdreg s2  }
0xaf: {  	[dreg:$0x3] =	wrdreg s24  }
0xb0: {  	[dreg:$0x4] =	wrdreg $0x82000  }
0xb1: {  	[dreg:$0x5] =	wrdreg $0x9  }
0xb2: {  	_ =	task.clear_ibuf [dreg:s7], $0x6FFFF;
	_ =	strace $0x9000004C  }
0xb3: {  	s29 =	simm.s32 $0x9;
	_ =	strace $0x8000004E  }
0xb4: {  	_ =	swait.ge [sflag:s29], $0x1  }
0xb5: {  	[sflag:s29] =	ssyncadd.s32 $0xFFFFFFFF  }
0xb6: {  	_ =	strace $0x9000004E  }
0xb7: {  	_ =	sfence  }
0xb8: {  	s30 =	sld [smem:$0x0];
	_ =	sdelay $0x2  }
0xb9: {  	s31 =	sshll.u32 s1, $0xD;
	s1 =	sshrl.u32 s1, $0x2  }
0xba: {  	s3 =	sand.u32 $0x4000, s31;
	s1 =	sadd.s32 s1, s30  }
0xbb: {  	s0 =	sor.u32 s3, s0;
	s1 =	sshll.u32 s1, $0x11  }
0xbc: {  	s0 =	sor.u32 s1, s0  }
0xbd: {  	s0 =	sadd.s32 $0x8F2B, s0  }
0xbe: {  	[sflag:s0] =	ssyncadd.remote.s32 $0x1  }
0xbf: {  	_ =	sfence.sel $0xFFFF  }
0xc0: {  	[dreg:$0x0] =	wrdreg $0xFFFFFFFF;
	(pc) =	sbr.abs _section_cstart, $3  }
0xc1: {  	[dreg:$0x1] =	wrdreg $0xFFFFFFFF  }
0xc2: {  	_ =	task.clear_ibuf [dreg:s7], $0x2FFFF;
	_ =	strace $0x9FFFFFFF  }
0xc3: {  	(tm) =	ssettm $0x7FFFFFFF  }
tec
execute0_lowered:
.L_overlay_start_1:
0x0: {  	(tag) =	ssettag $0x1  }
0x1: {  	s0 =	rddreg [dreg:$0x0]  }
0x2: {  	s6 =	rddreg [dreg:$0x1]  }
0x3: {  	s1 =	srdreg.scid;
	s3 =	rddreg [dreg:$0x2]  }
0x4: {  	s2 =	stileid.u32;
	s4 =	simm.s32 $0x0;
	s19 =	simm.s32 $0x80  }
0x5: {  	s20 =	simm.s32 $0x100;
	s21 =	simm.s32 $0x3;
	s22 =	simm.s32 $0x4200  }
0x6: {  	s23 =	simm.s32 $0x1;
	s24 =	simm.s32 $0x2;
	s7 =	smul.u32 $0x14000, s2  }
0x7: {  	s13 =	sand.u32 $0x1, s1;
	s1 =	rddreg [dreg:$0x3];
	s8 =	smul.u32 $0x50000, s2  }
0x8: {  	[smem:$0x7FF] =	sst s4;
	s15 =	sadd.s32 $0x3800, s6;
	s18 =	smul.u32 $0x13C0, s2  }
0x9: {  	s25 =	sshll.u32 s2, $0x1;
	s5 =	smul.u32 $0x140000, s13;
	_ =	strace $0x8000004D  }
0xa: {  	s26 =	ssub.s32 $0x2, s13;
	s10 =	sor.u32 s13, s25;
	s30 =	smul.u32 $0x9E0, s13  }
0xb: {  	s25 =	simm.s32 $0x180;
	s28 =	sshrl.u32 s8, $0x2;
	s11 =	smul.u32 $0x4F00, s10  }
0xc: {  	s29 =	sshrl.u32 s26, $0x1;
	s12 =	smul.u32 $0x9E0, s10;
	s31 =	sadd.s32 s18, s15  }
0xd: {  	s18 =	simm.s32 $0x4;
	s5 =	sadd.s32 s7, s5;
	s16 =	ssub.s32 s26, s29  }
0xe: {  	s26 =	simm.s32 $0x0;
	s7 =	sshrl.u32 s5, $0x3;
	s5 =	sadd.s32 $0x17400, s6  }
0xf: {  	s11 =	sshrl.u32 s11, $0x3;
	s14 =	sadd.s32 s7, s6;
	s6 =	sadd.s32 s28, s3  }
0x10: {  	s17 =	sadd.s32 s15, s11;
	s11 =	sadd.s32 s15, s12;
	s7 =	sadd.s32 $0x4000, s6  }
0x11: {  	s8 =	sadd.s32 $0x8000, s6;
	s9 =	sadd.s32 $0xC000, s6;
	s10 =	sadd.s32 $0x10000, s6  }
0x12: {  	s12 =	sadd.s32 $0x20, s17;
	s13 =	sadd.s32 $0x67C00, s14;
	s14 =	smax.u32 s16, $0x1  }
0x13: {  	s15 =	sadd.s32 $0x9C0, s11;
	s16 =	sadd.s32 s30, s31;
	s17 =	simm.s32 $0x200  }
.LBB2_1:
0x14: {  	[tilespmem:s17], [sflag:$0x4] =	stream.linear.gather [hbm4b:s5+s4], $0x4000, $0x38;
	[tilespmem:$0x1C200] =	vst v63  }
0x15: {  	_ =	swait.ge [sflag:s18], $0x4000  }
0x16: {  	[sflag:s18] =	ssyncset.done $0x0  }
0x17: {  	[sflag:s18] =	ssyncadd.s32 $0xFFFFC000  }
0x18: {  	[spmem:s6] =	stream.linear.scatter [tilespmem:s17], [sflag:$0x4], $0x4000, $0x38;
	[tilespmem:$0x1C200] =	vst v63  }
0x19: {  	_ =	swait.ge [sflag:s18], $0x4000  }
0x1a: {  	[sflag:s18] =	ssyncset.done $0x0  }
0x1b: {  	[sflag:s18] =	ssyncadd.s32 $0xFFFFC000  }
0x1c: {  	[spmem:s7] =	stream.linear.scatter [tilespmem:s17], [sflag:$0x4], $0x4000, $0x38;
	[tilespmem:$0x1C200] =	vst v63  }
0x1d: {  	_ =	swait.ge [sflag:s18], $0x4000  }
0x1e: {  	[sflag:s18] =	ssyncset.done $0x0  }
0x1f: {  	[sflag:s18] =	ssyncadd.s32 $0xFFFFC000  }
0x20: {  	[spmem:s8] =	stream.linear.scatter [tilespmem:s17], [sflag:$0x4], $0x4000, $0x38;
	[tilespmem:$0x1C200] =	vst v63  }
0x21: {  	_ =	swait.ge [sflag:s18], $0x4000  }
0x22: {  	[sflag:s18] =	ssyncset.done $0x0  }
0x23: {  	[sflag:s18] =	ssyncadd.s32 $0xFFFFC000  }
0x24: {  	[spmem:s9] =	stream.linear.scatter [tilespmem:s17], [sflag:$0x4], $0x4000, $0x38;
	[tilespmem:$0x1C200] =	vst v63  }
0x25: {  	_ =	swait.ge [sflag:s18], $0x4000  }
0x26: {  	[sflag:s18] =	ssyncset.done $0x0  }
0x27: {  	[sflag:s18] =	ssyncadd.s32 $0xFFFFC000  }
0x28: {  	[spmem:s10] =	stream.linear.scatter [tilespmem:s17], [sflag:$0x4], $0x4000, $0x38;
	[tilespmem:$0x1C200] =	vst v63  }
0x29: {  	_ =	swait.ge [sflag:s18], $0x4000  }
0x2a: {  	[sflag:s18] =	ssyncset.done $0x0  }
0x2b: {  	[sflag:s18] =	ssyncadd.s32 $0xFFFFC000  }
0x2c: {  	[tilespmem:s4], [sflag:$0x4] =	stream.linear.gather [hbm4b:s11+s4], $0x100, $0x38;
	[tilespmem:$0x1C200] =	vst v63  }
0x2d: {  	_ =	swait.ge [sflag:s18], $0x100  }
0x2e: {  	[sflag:s18] =	ssyncset.done $0x0  }
0x2f: {  	[sflag:s18] =	ssyncadd.s32 $0xFFFFFF00  }
0x30: {  	[tilespmem:s17], [sflag:$0x1] =	stream.indirect.gather [hbm4b:s0+s19], $0x80, s4, s19, $0xb8;
	[tilespmem:$0x1C200] =	vst v63  }
0x31: {  	_ = 	snop  }
0x32: {  	[tilespmem:s20], [sflag:$0x3] =	stream.linear.gather [hbm4b:s12+s4], $0x100, $0x38;
	[tilespmem:$0x1C200] =	vst v63  }
0x33: {  	[bflag:$0x0] =	sbarrier.arrive $0xFFFF  }
0x34: {  	_ =	swait.ge [sflag:s21], $0x100  }
0x35: {  	[sflag:s21] =	ssyncset.done $0x0  }
0x36: {  	[sflag:s21] =	ssyncadd.s32 $0xFFFFFF00  }
0x37: {  	[tilespmem:s22], [sflag:$0x2] =	stream.indirect.gather [hbm4b:s0+s19], $0x80, s20, s19, $0xb8;
	[tilespmem:$0x1C200] =	vst v63  }
0x38: {  	_ =	swait.ge [sflag:s23], $0x4000  }
0x39: {  	[sflag:s23] =	ssyncset.done $0x0  }
0x3a: {  	[sflag:s23] =	ssyncadd.s32 $0xFFFFC000  }
0x3b: {  	[spmem:s3] =	stream.indirect.scatter.add.f32 [tilespmem:s17], [sflag:$0x4], $0x80, s19, s19, $0xb8;
	[tilespmem:$0x1C200] =	vst v63  }
0x3c: {  	_ =	swait.ge [sflag:s18], $0x4000  }
0x3d: {  	s29 =	sadd.s32 $0xFFFFF680, s16;
	[sflag:s18] =	ssyncset.done $0x0  }
0x3e: {  	s28 =	sadd.s32 $0x9C0, s29;
	[sflag:s18] =	ssyncadd.s32 $0xFFFFC000  }
0x3f: {  	[tilespmem:s4], [sflag:$0x3] =	stream.linear.gather [hbm4b:s28+s4], $0x100, $0x38;
	[tilespmem:$0x1C200] =	vst v63  }
0x40: {  	_ =	swait.ge [sflag:s21], $0x100  }
0x41: {  	[sflag:s21] =	ssyncset.done $0x0  }
0x42: {  	[sflag:s21] =	ssyncadd.s32 $0xFFFFFF00  }
0x43: {  	[tilespmem:s17], [sflag:$0x1] =	stream.indirect.gather [hbm4b:s0+s19], $0x80, s4, s19, $0xb8;
	[tilespmem:$0x1C200] =	vst v63  }
0x44: {  	_ =	swait.ge [sflag:s24], $0x4000  }
0x45: {  	[sflag:s24] =	ssyncset.done $0x0  }
0x46: {  	[sflag:s24] =	ssyncadd.s32 $0xFFFFC000  }
0x47: {  	[spmem:s3] =	stream.indirect.scatter.add.f32 [tilespmem:s22], [sflag:$0x4], $0x80, s25, s19, $0xb8;
	[tilespmem:$0x1C200] =	vst v63  }
0x48: {  	_ =	swait.ge [sflag:s18], $0x4000  }
0x49: {  	[sflag:s18] =	ssyncset.done $0x0  }
0x4a: {  	s29 =	sadd.s32 $0x9E0, s29;
	s28 =	simm.s32 $0xFFFFF6C0;
	[sflag:s18] =	ssyncadd.s32 $0xFFFFC000  }
.LBB2_2:
0x4b: {  	[tilespmem:s20], [sflag:$0x3] =	stream.linear.gather [hbm4b:s29+s4], $0x100, $0x38;
	[tilespmem:$0x1C200] =	vst v63  }
0x4c: {  	s29 =	smov.u32 s28  }
0x4d: {  	p0 =	sne.s32 s28, $0xFFFFFFC0;
	s28 =	sadd.s32 $0x40, s28;
	_ =	swait.ge [sflag:s21], $0x100  }
0x4e: {  	[sflag:s21] =	ssyncset.done $0x0  }
0x4f: {  	[sflag:s21] =	ssyncadd.s32 $0xFFFFFF00  }
0x50: {  	[tilespmem:s22], [sflag:$0x2] =	stream.indirect.gather [hbm4b:s0+s19], $0x80, s20, s19, $0xb8;
	[tilespmem:$0x1C200] =	vst v63  }
0x51: {  	_ =	swait.ge [sflag:s23], $0x4000  }
0x52: {  	[sflag:s23] =	ssyncset.done $0x0  }
0x53: {  	[sflag:s23] =	ssyncadd.s32 $0xFFFFC000  }
0x54: {  	[spmem:s3] =	stream.indirect.scatter.add.f32 [tilespmem:s17], [sflag:$0x4], $0x80, s19, s19, $0xb8;
	[tilespmem:$0x1C200] =	vst v63  }
0x55: {  	_ =	swait.ge [sflag:s18], $0x4000  }
0x56: {  	s29 =	sadd.s32 s29, s16;
	[sflag:s18] =	ssyncset.done $0x0  }
0x57: {  	s30 =	sadd.s32 $0x9C0, s29;
	[sflag:s18] =	ssyncadd.s32 $0xFFFFC000  }
0x58: {  	[tilespmem:s4], [sflag:$0x3] =	stream.linear.gather [hbm4b:s30+s4], $0x100, $0x38;
	[tilespmem:$0x1C200] =	vst v63  }
0x59: {  	_ =	swait.ge [sflag:s21], $0x100  }
0x5a: {  	[sflag:s21] =	ssyncset.done $0x0  }
0x5b: {  	[sflag:s21] =	ssyncadd.s32 $0xFFFFFF00  }
0x5c: {  	[tilespmem:s17], [sflag:$0x1] =	stream.indirect.gather [hbm4b:s0+s19], $0x80, s4, s19, $0xb8;
	[tilespmem:$0x1C200] =	vst v63  }
0x5d: {  	_ =	swait.ge [sflag:s24], $0x4000  }
0x5e: {  	[sflag:s24] =	ssyncset.done $0x0  }
.Ltmp0:
0x5f: {  	[sflag:s24] =	ssyncadd.s32 $0xFFFFC000;
	(pc) =	sbr.rel @p0 .LBB2_2-.Ltmp0, $4  }
0x60: {  	[spmem:s3] =	stream.indirect.scatter.add.f32 [tilespmem:s22], [sflag:$0x4], $0x80, s25, s19, $0xb8;
	[tilespmem:$0x1C200] =	vst v63  }
0x61: {  	_ =	swait.ge [sflag:s18], $0x4000  }
0x62: {  	[sflag:s18] =	ssyncset.done $0x0  }
0x63: {  	s29 =	sadd.s32 $0x9E0, s29;
	[sflag:s18] =	ssyncadd.s32 $0xFFFFC000  }
0x64: {  	[tilespmem:s20], [sflag:$0x3] =	stream.linear.gather [hbm4b:s29+s4], $0x100, $0x38;
	[tilespmem:$0x1C200] =	vst v63  }
0x65: {  	_ =	swait.ge [sflag:s21], $0x100  }
0x66: {  	[sflag:s21] =	ssyncset.done $0x0  }
0x67: {  	[sflag:s21] =	ssyncadd.s32 $0xFFFFFF00  }
0x68: {  	[tilespmem:s22], [sflag:$0x2] =	stream.indirect.gather [hbm4b:s0+s19], $0x80, s20, s19, $0xb8;
	[tilespmem:$0x1C200] =	vst v63  }
0x69: {  	_ =	swait.ge [sflag:s23], $0x4000  }
0x6a: {  	[sflag:s23] =	ssyncset.done $0x0  }
0x6b: {  	[sflag:s23] =	ssyncadd.s32 $0xFFFFC000  }
0x6c: {  	[spmem:s3] =	stream.indirect.scatter.add.f32 [tilespmem:s17], [sflag:$0x4], $0x80, s19, s19, $0xb8;
	[tilespmem:$0x1C200] =	vst v63  }
0x6d: {  	_ =	swait.ge [sflag:s18], $0x4000  }
0x6e: {  	[sflag:s18] =	ssyncset.done $0x0  }
0x6f: {  	[sflag:s18] =	ssyncadd.s32 $0xFFFFC000  }
0x70: {  	[tilespmem:s4], [sflag:$0x3] =	stream.linear.gather [hbm4b:s15+s4], $0x100, $0x38;
	[tilespmem:$0x1C200] =	vst v63  }
0x71: {  	_ =	swait.ge [sflag:s21], $0x100  }
0x72: {  	[sflag:s21] =	ssyncset.done $0x0  }
0x73: {  	[sflag:s21] =	ssyncadd.s32 $0xFFFFFF00  }
0x74: {  	[tilespmem:s17], [sflag:$0x1] =	stream.indirect.gather [hbm4b:s0+s19], $0x80, s4, s19, $0xb8;
	[tilespmem:$0x1C200] =	vst v63  }
0x75: {  	_ =	swait.ge [sflag:s24], $0x4000  }
0x76: {  	[sflag:s24] =	ssyncset.done $0x0  }
0x77: {  	[sflag:s24] =	ssyncadd.s32 $0xFFFFC000  }
0x78: {  	[spmem:s3] =	stream.indirect.scatter.add.f32 [tilespmem:s22], [sflag:$0x4], $0x80, s25, s19, $0xb8;
	[tilespmem:$0x1C200] =	vst v63  }
0x79: {  	_ =	swait.ge [sflag:s18], $0x4000  }
0x7a: {  	[sflag:s18] =	ssyncset.done $0x0  }
0x7b: {  	[sflag:s18] =	ssyncadd.s32 $0xFFFFC000  }
0x7c: {  	_ =	swait.ge [sflag:s23], $0x4000  }
0x7d: {  	[sflag:s23] =	ssyncset.done $0x0  }
0x7e: {  	[sflag:s23] =	ssyncadd.s32 $0xFFFFC000  }
0x7f: {  	[spmem:s3] =	stream.indirect.scatter.add.f32 [tilespmem:s17], [sflag:$0x4], $0x80, s19, s19, $0xb8;
	[tilespmem:$0x1C200] =	vst v63  }
0x80: {  	_ =	swait.ge [sflag:s18], $0x4000  }
0x81: {  	s28 =	sshll.u32 s2, $0x6;
	s26 =	sadd.s32 $0x1, s26;
	[sflag:s18] =	ssyncset.done $0x0  }
0x82: {  	s31 =	sshrl.u32 s6, $0x3;
	p0 =	sne.s32 s26, s14;
	[sflag:s18] =	ssyncadd.s32 $0xFFFFC000  }
.Ltmp1:
0x83: {  	s28 =	sor.u32 $0x1C04, s28;
	[bflag:$0x0] =	sbarrier.arrive $0xFFFF;
	(pc) =	sbr.rel @p0 .LBB2_1-.Ltmp1, $4  }
0x84: {  	[hbm:s13], [sflag:s28] =	dma.local [spmem:s31], $0x2800  }
0x85: {  	_ =	swait.ge [sflag:s18], $0x2800  }
0x86: {  	[sflag:s18] =	ssyncset.done $0x0  }
0x87: {  	[sflag:s18] =	ssyncadd.s32 $0xFFFFD800  }
0x88: {  	_ =	sfence.sel $0x180000  }
0x89: {  	[bflag:$0x0] =	sbarrier.arrive $0xFFFF  }
0x8a: {  	p0 =	sne.s32 s2, $0x0;
	_ =	strace $0x9000004D  }
0x8b: {  	s0 =	sadd.s32 @!p0 $0x100000, s1;
	[bflag:$0x2] =	sbarrier.arrive $0xFFFF  }
0x8c: {  	[sflag:s0] =	ssyncadd.tile.s32 @!p0 $0x1;
	_ =	shalt  }
.Lfunc_end2:
_tile_overlayer_lowered:
.L_overlay_start_2:
0x8d: {  	(tag) =	ssettag $0x2  }
0x8e: {  	s0 =	rddreg [dreg:$0x0];
	s2 =	stileid.u32  }
0x8f: {  	s1 =	rddreg [dreg:$0x1];
	p0 =	sne.s32 s2, $0x0  }
0x90: {  	s3 =	rddreg [dreg:$0x2];
	[bflag:$0x3] =	sbarrier.arrive $0xFFFF;
	s2 =	simm.s32 @!p0 $0x1C04  }
0x91: {  	[timem:s3], [sflag:s2] =	dma.local @!p0 [hbm:s0], s1  }
0x92: {  	s0 =	simm.s32 @!p0 $0x4  }
0x93: {  	_ =	swait.ge @!p0 [sflag:s0], s1  }
0x94: {  	s1 =	ssub.s32 @!p0 $0x0, s1;
	[sflag:s0] =	ssyncset.done @!p0 $0x0  }
0x95: {  	[sflag:s0] =	ssyncadd.s32 @!p0 s1  }
0x96: {  	[bflag:$0x3] =	sbarrier.arrive $0xFFFF  }
0x97: {  	_ =	shalt  }

// kernel: kernel.18.cloned.1.call-start
scs
__scs_entry_jumppad:
0x0: {  	(pc) =	sbr.rel $0x88, $3  }
0x1: {  	(tag) =	ssettag $0x0;
	lr =	simm.s32 $0x1  }
0x2: {  	[smem:$0x3F93] =	sst lr;
	_ =	strace $0xD0000000  }
0x3: {  	_ = 	snop  }
0x4: {  	_ = 	snop  }
0x5: {  	_ = 	snop  }
0x6: {  	_ = 	snop  }
0x7: {  	_ = 	snop  }
__scs_overlays_trampoline_lowered:
0x8: {  	[smem:$0x3FA2] =	sst s0  }
0x9: {  	[smem:$0x3FA3] =	sst s1  }
0xa: {  	[smem:$0x3FA4] =	sst s2  }
0xb: {  	[smem:$0x3FA5] =	sst s3  }
0xc: {  	[smem:$0x3FA6] =	sst s4  }
0xd: {  	[smem:$0x3FA7] =	sst s5  }
0xe: {  	[smem:$0x3FA8] =	sst s6  }
0xf: {  	[smem:$0x3FA9] =	sst s7  }
0x10: {  	[smem:$0x3FAA] =	sst s8  }
0x11: {  	[smem:$0x3FAB] =	sst s9;
	s0 =	simm.s32 @!p0 $0x0  }
0x12: {  	s1 =	sld [smem:$0x3F91];
	s0 =	simm.s32 @p0 $0x1  }
0x13: {  	[smem:$0x3FAC] =	sst s0;
	s0 =	simm.s32 @!p1 $0x0  }
0x14: {  	s2 =	sld [smem:$0x3F90];
	s0 =	simm.s32 @p1 $0x1  }
0x15: {  	[smem:$0x3FAD] =	sst s0;
	s0 =	simm.s32 @!p2 $0x0  }
0x16: {  	s3 =	sld [smem:$0x3FDB];
	s0 =	simm.s32 @p2 $0x1  }
0x17: {  	s4 =	simm.s32 $0x1BF5;
	[smem:$0x3FAF] =	sst s0  }
0x18: {  	s0 =	sld [smem:$0x3F92];
	_ =	swait.ge [sflag:s4], $0x0  }
0x19: {  	s7 =	sld [smem:$0x3F93]  }
0x1a: {  	s8 =	sadd.s32 $0xFFFFE003, lr  }
0x1b: {  	s9 =	sadd.s32 $0xFFFFFEF7, lr;
	s5 =	simm.s32 $0xFFFFFFFF;
	p2 =	slt.u32 s8, $0xFFFFF086  }
0x1c: {  	p1 =	slt.u32 s9, $0xF7A;
	s5 =	simm.s32 @!p2 $0x0  }
0x1d: {  	s5 =	simm.s32 @p1 $0x1;
	p0 =	seq.s32 s7, s2  }
0x1e: {  	s7 =	smul.u32 @!p0 $0xF7A, s2;
	p2 =	seq.s32 @!p0 s5, $0x0  }
0x1f: {  	s9 =	smul.u32 $0xF7A, s1;
	s8 =	simm.s32 @!p0 $0x1BF5;
	p2 =	por !p2, p0  }
0x20: {  	[sflag:s8] =	ssyncset.s32 @!p0 $0xFFFFF086;
	s6 =	sadd.s32 @!p0 s3, s7;
	s7 =	simm.s32 @!p0 $0x108  }
0x21: {  	s3 =	sadd.s32 s3, s9;
	s6 =	sadd.s32 @!p0 $0x88, s6;
	s7 =	simm.s32 @p2 $0x1082  }
0x22: {  	[simem:s7], [sflag:s8] =	dma.local @!p0 [hbm:s6], $0xF7A  }
0x23: {  	s9 =	sor.u32 $0xD0000000, s2;
	s6 =	simm.s32 $0x108;
	_ =	swait.ge @!p0 [sflag:s8], $0x0  }
0x24: {  	s3 =	sadd.s32 $0x88, s3;
	s6 =	simm.s32 @!p1 $0x1082;
	[sflag:s4] =	ssyncset.s32 $0xFFFFF086  }
0x25: {  	[simem:s6], [sflag:s4] =	dma.local [hbm:s3], $0xF7A  }
0x26: {  	[smem:$0x3F93] =	sst s1;
	(tag) =	ssettag s2;
	_ =	strace s9  }
0x27: {  	s1 =	sld [smem:$0x3FA3]  }
0x28: {  	s2 =	sld [smem:$0x3FA4]  }
0x29: {  	s4 =	sld [smem:$0x3FA6]  }
0x2a: {  	p0 =	seq.s32 s5, $0x0;
	s5 =	sld [smem:$0x3FA7]  }
0x2b: {  	s6 =	sld [smem:$0x3FA8]  }
0x2c: {  	s7 =	sld [smem:$0x3FA9]  }
0x2d: {  	s3 =	simm.s32 $0x108;
	s8 =	sld [smem:$0x3FAA]  }
0x2e: {  	s3 =	simm.s32 @!p0 $0x1082;
	s9 =	sld [smem:$0x3FAB]  }
0x2f: {  	lr =	sadd.s32 s0, s3;
	s0 =	sld [smem:$0x3FA2]  }
0x30: {  	s3 =	sld [smem:$0x3FA5]  }
0x31: {  	[smem:$0x3FAE] =	sst s10  }
0x32: {  	s10 =	sld [smem:$0x3FAC];
	_ =	sdelay $0x3  }
0x33: {  	p0 =	seq.s32 s10, $0x1;
	s10 =	sld [smem:$0x3FAE];
	_ =	sdelay $0x3  }
0x34: {  	[smem:$0x3FAE] =	sst s10  }
0x35: {  	s10 =	sld [smem:$0x3FAD];
	_ =	sdelay $0x3  }
0x36: {  	p1 =	seq.s32 s10, $0x1;
	s10 =	sld [smem:$0x3FAE];
	_ =	sdelay $0x3  }
0x37: {  	[smem:$0x3FAE] =	sst s10  }
0x38: {  	s10 =	sld [smem:$0x3FAF]  }
0x39: {  	_ = 	snop;
	(pc) =	sbr.ind lr, $3  }
0x3a: {  	_ = 	snop  }
0x3b: {  	_ = 	snop  }
0x3c: {  	p2 =	seq.s32 s10, $0x1;
	s10 =	sld [smem:$0x3FAE]  }
0x3d: {  	_ =	shalt  }
0x3e: {  	_ =	shalt  }
0x3f: {  	_ =	shalt  }
0x40: {  	_ =	shalt  }
0x41: {  	_ =	shalt  }
0x42: {  	_ =	shalt  }
0x43: {  	_ =	shalt  }
0x44: {  	_ =	shalt  }
0x45: {  	_ =	shalt  }
0x46: {  	_ =	shalt  }
0x47: {  	_ =	shalt  }
0x48: {  	_ =	shalt  }
0x49: {  	_ =	shalt  }
0x4a: {  	_ =	shalt  }
0x4b: {  	_ =	shalt  }
0x4c: {  	_ =	shalt  }
0x4d: {  	_ =	shalt  }
0x4e: {  	_ =	shalt  }
0x4f: {  	_ =	shalt  }
0x50: {  	_ =	shalt  }
0x51: {  	_ =	shalt  }
0x52: {  	_ =	shalt  }
0x53: {  	_ =	shalt  }
0x54: {  	_ =	shalt  }
0x55: {  	_ =	shalt  }
0x56: {  	_ =	shalt  }
0x57: {  	_ =	shalt  }
0x58: {  	_ =	shalt  }
0x59: {  	_ =	shalt  }
0x5a: {  	_ =	shalt  }
0x5b: {  	_ =	shalt  }
0x5c: {  	_ =	shalt  }
0x5d: {  	_ =	shalt  }
0x5e: {  	_ =	shalt  }
0x5f: {  	_ =	shalt  }
0x60: {  	_ =	shalt  }
0x61: {  	_ =	shalt  }
0x62: {  	_ =	shalt  }
0x63: {  	_ =	shalt  }
0x64: {  	_ =	shalt  }
0x65: {  	_ =	shalt  }
0x66: {  	_ =	shalt  }
0x67: {  	_ =	shalt  }
0x68: {  	_ =	shalt  }
0x69: {  	_ =	shalt  }
0x6a: {  	_ =	shalt  }
0x6b: {  	_ =	shalt  }
0x6c: {  	_ =	shalt  }
0x6d: {  	_ =	shalt  }
0x6e: {  	_ =	shalt  }
0x6f: {  	_ =	shalt  }
0x70: {  	_ =	shalt  }
0x71: {  	_ =	shalt  }
0x72: {  	_ =	shalt  }
0x73: {  	_ =	shalt  }
0x74: {  	_ =	shalt  }
0x75: {  	_ =	shalt  }
0x76: {  	_ =	shalt  }
0x77: {  	_ =	shalt  }
0x78: {  	_ =	shalt  }
0x79: {  	_ =	shalt  }
0x7a: {  	_ =	shalt  }
0x7b: {  	_ =	shalt  }
0x7c: {  	_ =	shalt  }
0x7d: {  	_ =	shalt  }
0x7e: {  	_ =	shalt  }
0x7f: {  	_ =	shalt  }
0x80: {  	_ =	shalt  }
0x81: {  	_ =	shalt  }
0x82: {  	_ =	shalt  }
0x83: {  	_ =	shalt  }
0x84: {  	_ =	shalt  }
0x85: {  	_ =	shalt  }
0x86: {  	_ =	shalt  }
0x87: {  	_ =	shalt  }
.Lfunc_end0:
.L_simem_size_0:
called_computation.3_lowered:
.L_overlay_start_0:
0x88: {  	s2 =	sld [smem:$0x3FD9]  }
0x89: {  	s3 =	sld [smem:$0x3FFE];
	_ =	sdelay $0x1  }
0x8a: {  	s1 =	srdreg.scid  }
0x8b: {  	s0 =	sand.u32 $0x1, s1  }
0x8c: {  	s17 =	sshll.u32 s0, $0xA;
	s2 =	sadd.s32 s3, s2  }
0x8d: {  	s2 =	sadd.s32 s2, s17  }
0x8e: {  	[smem:$0x3FBA] =	sst s2  }
0x8f: {  	_ = 	snop  }
0x90: {  	s2 =	sld [smem:$0x3FD0];
	(tm) =	ssettm $0x1  }
0x91: {  	s18 =	sld [smem:$0x3FFB];
	_ =	sdelay $0x3  }
0x92: {  	_ =	strace s18  }
0x93: {  	s3 =	sld [smem:$0x3FFC];
	_ =	sdelay $0x3  }
0x94: {  	_ =	strace s3  }
0x95: {  	s3 =	sld [smem:$0x3FFD];
	_ =	sdelay $0x3  }
0x96: {  	_ =	strace s3  }
0x97: {  	_ =	strace $0x8FFFFFFF  }
0x98: {  	s19 =	sld [smem:$0x3FDB];
	_ =	sdelay $0x1  }
0x99: {  	s4 =	simm.s32 $_scs_section_size  }
0x9a: {  	s5 =	simm.s32 $_size__tile_overlayer_lowered;
	s6 =	simm.s32 $_tile_overlayer_lowered  }
0x9b: {  	s22 =	simm.s32 $0x1BFF;
	s21 =	sshll.u32 s6, $0x1;
	s3 =	sadd.s32 s4, s19  }
0x9c: {  	s7 =	simm.s32 $0x0;
	s20 =	sshll.u32 s5, $0x1;
	s5 =	sadd.s32 s21, s3  }
0x9d: {  	[timem:s7], [sflag:s22] =	dma.local [hbm:s5], s20  }
0x9e: {  	_ =	swait.ge [sflag:s22], s20  }
0x9f: {  	s4 =	ssub.s32 $0x0, s20;
	[sflag:s22] =	ssyncset.done $0x0  }
0xa0: {  	[sflag:s22] =	ssyncadd.s32 s4;
	_ =	sdelay $0x1  }
0xa1: {  	s23 =	simm.s32 $0x1B8B  }
0xa2: {  	_ =	swait.ge [sflag:s23], $0x1  }
0xa3: {  	[sflag:s23] =	ssyncset.done $0x0  }
0xa4: {  	s25 =	simm.s32 $0x1B8E;
	s24 =	sld [smem:$0x3FFE];
	[sflag:s23] =	ssyncadd.s32 $0xFFFFFFFF  }
0xa5: {  	s26 =	simm.s32 $execute0_lowered;
	[smem:$0x3FD2] =	sst s25  }
0xa6: {  	s5 =	sshll.u32 s26, $0x1;
	_ =	strace $0x8000004F;
	[dreg:$0x1] =	wrdreg $0xFFFFFFFF  }
0xa7: {  	s28 =	simm.s32 $_size_execute0_lowered;
	s3 =	sadd.s32 s3, s5;
	[dreg:$0x0] =	wrdreg $0x0  }
0xa8: {  	s5 =	sshll.u32 s28, $0x1;
	[dreg:$0x2] =	wrdreg s3  }
0xa9: {  	[dreg:$0x3] =	wrdreg s5  }
0xaa: {  	[dreg:$0x4] =	wrdreg $0xC0  }
0xab: {  	_ =	task [dreg:s7], $0x5FFFF  }
0xac: {  	[dreg:$0x1] =	wrdreg $0xFFFFFFFF  }
0xad: {  	[dreg:$0x0] =	wrdreg $0x60  }
0xae: {  	[dreg:$0x2] =	wrdreg s2  }
0xaf: {  	[dreg:$0x3] =	wrdreg s24  }
0xb0: {  	[dreg:$0x4] =	wrdreg $0x82000  }
0xb1: {  	[dreg:$0x5] =	wrdreg $0x9  }
0xb2: {  	_ =	task.clear_ibuf [dreg:s7], $0x6FFFF;
	_ =	strace $0x9000004F  }
0xb3: {  	s29 =	simm.s32 $0x9;
	_ =	strace $0x80000051  }
0xb4: {  	_ =	swait.ge [sflag:s29], $0x1  }
0xb5: {  	[sflag:s29] =	ssyncadd.s32 $0xFFFFFFFF  }
0xb6: {  	_ =	strace $0x90000051  }
0xb7: {  	_ =	sfence  }
0xb8: {  	s30 =	sld [smem:$0x0];
	_ =	sdelay $0x2  }
0xb9: {  	s31 =	sshll.u32 s1, $0xD;
	s1 =	sshrl.u32 s1, $0x2  }
0xba: {  	s3 =	sand.u32 $0x4000, s31;
	s1 =	sadd.s32 s1, s30  }
0xbb: {  	s0 =	sor.u32 s3, s0;
	s1 =	sshll.u32 s1, $0x11  }
0xbc: {  	s0 =	sor.u32 s1, s0  }
0xbd: {  	s0 =	sadd.s32 $0x8F2B, s0  }
0xbe: {  	[sflag:s0] =	ssyncadd.remote.s32 $0x1  }
0xbf: {  	_ =	sfence.sel $0xFFFF  }
0xc0: {  	[dreg:$0x0] =	wrdreg $0xFFFFFFFF;
	(pc) =	sbr.abs _section_cstart, $3  }
0xc1: {  	[dreg:$0x1] =	wrdreg $0xFFFFFFFF  }
0xc2: {  	_ =	task.clear_ibuf [dreg:s7], $0x2FFFF;
	_ =	strace $0x9FFFFFFF  }
0xc3: {  	(tm) =	ssettm $0x7FFFFFFF  }
tec
execute0_lowered:
.L_overlay_start_1:
0x0: {  	(tag) =	ssettag $0x1  }
0x1: {  	s0 =	rddreg [dreg:$0x0]  }
0x2: {  	s6 =	rddreg [dreg:$0x1]  }
0x3: {  	s1 =	srdreg.scid;
	s3 =	rddreg [dreg:$0x2]  }
0x4: {  	s2 =	stileid.u32;
	s4 =	simm.s32 $0x0;
	s19 =	simm.s32 $0x80  }
0x5: {  	s20 =	simm.s32 $0x100;
	s21 =	simm.s32 $0x3;
	s22 =	simm.s32 $0x4200  }
0x6: {  	s23 =	simm.s32 $0x1;
	s24 =	simm.s32 $0x2;
	s7 =	smul.u32 $0x14000, s2  }
0x7: {  	s13 =	sand.u32 $0x1, s1;
	s1 =	rddreg [dreg:$0x3];
	s8 =	smul.u32 $0x50000, s2  }
0x8: {  	[smem:$0x7FF] =	sst s4;
	s15 =	sadd.s32 $0x3800, s6;
	s18 =	smul.u32 $0x13C0, s2  }
0x9: {  	s25 =	sshll.u32 s2, $0x1;
	s5 =	smul.u32 $0x140000, s13;
	_ =	strace $0x80000050  }
0xa: {  	s26 =	ssub.s32 $0x2, s13;
	s10 =	sor.u32 s13, s25;
	s30 =	smul.u32 $0x9E0, s13  }
0xb: {  	s25 =	simm.s32 $0x180;
	s28 =	sshrl.u32 s8, $0x2;
	s11 =	smul.u32 $0x4F00, s10  }
0xc: {  	s29 =	sshrl.u32 s26, $0x1;
	s12 =	smul.u32 $0x9E0, s10;
	s31 =	sadd.s32 s18, s15  }
0xd: {  	s18 =	simm.s32 $0x4;
	s5 =	sadd.s32 s7, s5;
	s16 =	ssub.s32 s26, s29  }
0xe: {  	s26 =	simm.s32 $0x0;
	s7 =	sshrl.u32 s5, $0x3;
	s5 =	sadd.s32 $0x17400, s6  }
0xf: {  	s11 =	sshrl.u32 s11, $0x3;
	s14 =	sadd.s32 s7, s6;
	s6 =	sadd.s32 s28, s3  }
0x10: {  	s17 =	sadd.s32 s15, s11;
	s11 =	sadd.s32 s15, s12;
	s7 =	sadd.s32 $0x4000, s6  }
0x11: {  	s8 =	sadd.s32 $0x8000, s6;
	s9 =	sadd.s32 $0xC000, s6;
	s10 =	sadd.s32 $0x10000, s6  }
0x12: {  	s12 =	sadd.s32 $0x20, s17;
	s13 =	sadd.s32 $0x67C00, s14;
	s14 =	smax.u32 s16, $0x1  }
0x13: {  	s15 =	sadd.s32 $0x9C0, s11;
	s16 =	sadd.s32 s30, s31;
	s17 =	simm.s32 $0x200  }
.LBB2_1:
0x14: {  	[tilespmem:s17], [sflag:$0x4] =	stream.linear.gather [hbm4b:s5+s4], $0x4000, $0x38;
	[tilespmem:$0x1C200] =	vst v63  }
0x15: {  	_ =	swait.ge [sflag:s18], $0x4000  }
0x16: {  	[sflag:s18] =	ssyncset.done $0x0  }
0x17: {  	[sflag:s18] =	ssyncadd.s32 $0xFFFFC000  }
0x18: {  	[spmem:s6] =	stream.linear.scatter [tilespmem:s17], [sflag:$0x4], $0x4000, $0x38;
	[tilespmem:$0x1C200] =	vst v63  }
0x19: {  	_ =	swait.ge [sflag:s18], $0x4000  }
0x1a: {  	[sflag:s18] =	ssyncset.done $0x0  }
0x1b: {  	[sflag:s18] =	ssyncadd.s32 $0xFFFFC000  }
0x1c: {  	[spmem:s7] =	stream.linear.scatter [tilespmem:s17], [sflag:$0x4], $0x4000, $0x38;
	[tilespmem:$0x1C200] =	vst v63  }
0x1d: {  	_ =	swait.ge [sflag:s18], $0x4000  }
0x1e: {  	[sflag:s18] =	ssyncset.done $0x0  }
0x1f: {  	[sflag:s18] =	ssyncadd.s32 $0xFFFFC000  }
0x20: {  	[spmem:s8] =	stream.linear.scatter [tilespmem:s17], [sflag:$0x4], $0x4000, $0x38;
	[tilespmem:$0x1C200] =	vst v63  }
0x21: {  	_ =	swait.ge [sflag:s18], $0x4000  }
0x22: {  	[sflag:s18] =	ssyncset.done $0x0  }
0x23: {  	[sflag:s18] =	ssyncadd.s32 $0xFFFFC000  }
0x24: {  	[spmem:s9] =	stream.linear.scatter [tilespmem:s17], [sflag:$0x4], $0x4000, $0x38;
	[tilespmem:$0x1C200] =	vst v63  }
0x25: {  	_ =	swait.ge [sflag:s18], $0x4000  }
0x26: {  	[sflag:s18] =	ssyncset.done $0x0  }
0x27: {  	[sflag:s18] =	ssyncadd.s32 $0xFFFFC000  }
0x28: {  	[spmem:s10] =	stream.linear.scatter [tilespmem:s17], [sflag:$0x4], $0x4000, $0x38;
	[tilespmem:$0x1C200] =	vst v63  }
0x29: {  	_ =	swait.ge [sflag:s18], $0x4000  }
0x2a: {  	[sflag:s18] =	ssyncset.done $0x0  }
0x2b: {  	[sflag:s18] =	ssyncadd.s32 $0xFFFFC000  }
0x2c: {  	[tilespmem:s4], [sflag:$0x4] =	stream.linear.gather [hbm4b:s11+s4], $0x100, $0x38;
	[tilespmem:$0x1C200] =	vst v63  }
0x2d: {  	_ =	swait.ge [sflag:s18], $0x100  }
0x2e: {  	[sflag:s18] =	ssyncset.done $0x0  }
0x2f: {  	[sflag:s18] =	ssyncadd.s32 $0xFFFFFF00  }
0x30: {  	[tilespmem:s17], [sflag:$0x1] =	stream.indirect.gather [hbm4b:s0+s19], $0x80, s4, s19, $0xb8;
	[tilespmem:$0x1C200] =	vst v63  }
0x31: {  	_ = 	snop  }
0x32: {  	[tilespmem:s20], [sflag:$0x3] =	stream.linear.gather [hbm4b:s12+s4], $0x100, $0x38;
	[tilespmem:$0x1C200] =	vst v63  }
0x33: {  	[bflag:$0x0] =	sbarrier.arrive $0xFFFF  }
0x34: {  	_ =	swait.ge [sflag:s21], $0x100  }
0x35: {  	[sflag:s21] =	ssyncset.done $0x0  }
0x36: {  	[sflag:s21] =	ssyncadd.s32 $0xFFFFFF00  }
0x37: {  	[tilespmem:s22], [sflag:$0x2] =	stream.indirect.gather [hbm4b:s0+s19], $0x80, s20, s19, $0xb8;
	[tilespmem:$0x1C200] =	vst v63  }
0x38: {  	_ =	swait.ge [sflag:s23], $0x4000  }
0x39: {  	[sflag:s23] =	ssyncset.done $0x0  }
0x3a: {  	[sflag:s23] =	ssyncadd.s32 $0xFFFFC000  }
0x3b: {  	[spmem:s3] =	stream.indirect.scatter.add.f32 [tilespmem:s17], [sflag:$0x4], $0x80, s19, s19, $0xb8;
	[tilespmem:$0x1C200] =	vst v63  }
0x3c: {  	_ =	swait.ge [sflag:s18], $0x4000  }
0x3d: {  	s29 =	sadd.s32 $0xFFFFF680, s16;
	[sflag:s18] =	ssyncset.done $0x0  }
0x3e: {  	s28 =	sadd.s32 $0x9C0, s29;
	[sflag:s18] =	ssyncadd.s32 $0xFFFFC000  }
0x3f: {  	[tilespmem:s4], [sflag:$0x3] =	stream.linear.gather [hbm4b:s28+s4], $0x100, $0x38;
	[tilespmem:$0x1C200] =	vst v63  }
0x40: {  	_ =	swait.ge [sflag:s21], $0x100  }
0x41: {  	[sflag:s21] =	ssyncset.done $0x0  }
0x42: {  	[sflag:s21] =	ssyncadd.s32 $0xFFFFFF00  }
0x43: {  	[tilespmem:s17], [sflag:$0x1] =	stream.indirect.gather [hbm4b:s0+s19], $0x80, s4, s19, $0xb8;
	[tilespmem:$0x1C200] =	vst v63  }
0x44: {  	_ =	swait.ge [sflag:s24], $0x4000  }
0x45: {  	[sflag:s24] =	ssyncset.done $0x0  }
0x46: {  	[sflag:s24] =	ssyncadd.s32 $0xFFFFC000  }
0x47: {  	[spmem:s3] =	stream.indirect.scatter.add.f32 [tilespmem:s22], [sflag:$0x4], $0x80, s25, s19, $0xb8;
	[tilespmem:$0x1C200] =	vst v63  }
0x48: {  	_ =	swait.ge [sflag:s18], $0x4000  }
0x49: {  	[sflag:s18] =	ssyncset.done $0x0  }
0x4a: {  	s29 =	sadd.s32 $0x9E0, s29;
	s28 =	simm.s32 $0xFFFFF6C0;
	[sflag:s18] =	ssyncadd.s32 $0xFFFFC000  }
.LBB2_2:
0x4b: {  	[tilespmem:s20], [sflag:$0x3] =	stream.linear.gather [hbm4b:s29+s4], $0x100, $0x38;
	[tilespmem:$0x1C200] =	vst v63  }
0x4c: {  	s29 =	smov.u32 s28  }
0x4d: {  	p0 =	sne.s32 s28, $0xFFFFFFC0;
	s28 =	sadd.s32 $0x40, s28;
	_ =	swait.ge [sflag:s21], $0x100  }
0x4e: {  	[sflag:s21] =	ssyncset.done $0x0  }
0x4f: {  	[sflag:s21] =	ssyncadd.s32 $0xFFFFFF00  }
0x50: {  	[tilespmem:s22], [sflag:$0x2] =	stream.indirect.gather [hbm4b:s0+s19], $0x80, s20, s19, $0xb8;
	[tilespmem:$0x1C200] =	vst v63  }
0x51: {  	_ =	swait.ge [sflag:s23], $0x4000  }
0x52: {  	[sflag:s23] =	ssyncset.done $0x0  }
0x53: {  	[sflag:s23] =	ssyncadd.s32 $0xFFFFC000  }
0x54: {  	[spmem:s3] =	stream.indirect.scatter.add.f32 [tilespmem:s17], [sflag:$0x4], $0x80, s19, s19, $0xb8;
	[tilespmem:$0x1C200] =	vst v63  }
0x55: {  	_ =	swait.ge [sflag:s18], $0x4000  }
0x56: {  	s29 =	sadd.s32 s29, s16;
	[sflag:s18] =	ssyncset.done $0x0  }
0x57: {  	s30 =	sadd.s32 $0x9C0, s29;
	[sflag:s18] =	ssyncadd.s32 $0xFFFFC000  }
0x58: {  	[tilespmem:s4], [sflag:$0x3] =	stream.linear.gather [hbm4b:s30+s4], $0x100, $0x38;
	[tilespmem:$0x1C200] =	vst v63  }
0x59: {  	_ =	swait.ge [sflag:s21], $0x100  }
0x5a: {  	[sflag:s21] =	ssyncset.done $0x0  }
0x5b: {  	[sflag:s21] =	ssyncadd.s32 $0xFFFFFF00  }
0x5c: {  	[tilespmem:s17], [sflag:$0x1] =	stream.indirect.gather [hbm4b:s0+s19], $0x80, s4, s19, $0xb8;
	[tilespmem:$0x1C200] =	vst v63  }
0x5d: {  	_ =	swait.ge [sflag:s24], $0x4000  }
0x5e: {  	[sflag:s24] =	ssyncset.done $0x0  }
.Ltmp0:
0x5f: {  	[sflag:s24] =	ssyncadd.s32 $0xFFFFC000;
	(pc) =	sbr.rel @p0 .LBB2_2-.Ltmp0, $4  }
0x60: {  	[spmem:s3] =	stream.indirect.scatter.add.f32 [tilespmem:s22], [sflag:$0x4], $0x80, s25, s19, $0xb8;
	[tilespmem:$0x1C200] =	vst v63  }
0x61: {  	_ =	swait.ge [sflag:s18], $0x4000  }
0x62: {  	[sflag:s18] =	ssyncset.done $0x0  }
0x63: {  	s29 =	sadd.s32 $0x9E0, s29;
	[sflag:s18] =	ssyncadd.s32 $0xFFFFC000  }
0x64: {  	[tilespmem:s20], [sflag:$0x3] =	stream.linear.gather [hbm4b:s29+s4], $0x100, $0x38;
	[tilespmem:$0x1C200] =	vst v63  }
0x65: {  	_ =	swait.ge [sflag:s21], $0x100  }
0x66: {  	[sflag:s21] =	ssyncset.done $0x0  }
0x67: {  	[sflag:s21] =	ssyncadd.s32 $0xFFFFFF00  }
0x68: {  	[tilespmem:s22], [sflag:$0x2] =	stream.indirect.gather [hbm4b:s0+s19], $0x80, s20, s19, $0xb8;
	[tilespmem:$0x1C200] =	vst v63  }
0x69: {  	_ =	swait.ge [sflag:s23], $0x4000  }
0x6a: {  	[sflag:s23] =	ssyncset.done $0x0  }
0x6b: {  	[sflag:s23] =	ssyncadd.s32 $0xFFFFC000  }
0x6c: {  	[spmem:s3] =	stream.indirect.scatter.add.f32 [tilespmem:s17], [sflag:$0x4], $0x80, s19, s19, $0xb8;
	[tilespmem:$0x1C200] =	vst v63  }
0x6d: {  	_ =	swait.ge [sflag:s18], $0x4000  }
0x6e: {  	[sflag:s18] =	ssyncset.done $0x0  }
0x6f: {  	[sflag:s18] =	ssyncadd.s32 $0xFFFFC000  }
0x70: {  	[tilespmem:s4], [sflag:$0x3] =	stream.linear.gather [hbm4b:s15+s4], $0x100, $0x38;
	[tilespmem:$0x1C200] =	vst v63  }
0x71: {  	_ =	swait.ge [sflag:s21], $0x100  }
0x72: {  	[sflag:s21] =	ssyncset.done $0x0  }
0x73: {  	[sflag:s21] =	ssyncadd.s32 $0xFFFFFF00  }
0x74: {  	[tilespmem:s17], [sflag:$0x1] =	stream.indirect.gather [hbm4b:s0+s19], $0x80, s4, s19, $0xb8;
	[tilespmem:$0x1C200] =	vst v63  }
0x75: {  	_ =	swait.ge [sflag:s24], $0x4000  }
0x76: {  	[sflag:s24] =	ssyncset.done $0x0  }
0x77: {  	[sflag:s24] =	ssyncadd.s32 $0xFFFFC000  }
0x78: {  	[spmem:s3] =	stream.indirect.scatter.add.f32 [tilespmem:s22], [sflag:$0x4], $0x80, s25, s19, $0xb8;
	[tilespmem:$0x1C200] =	vst v63  }
0x79: {  	_ =	swait.ge [sflag:s18], $0x4000  }
0x7a: {  	[sflag:s18] =	ssyncset.done $0x0  }
0x7b: {  	[sflag:s18] =	ssyncadd.s32 $0xFFFFC000  }
0x7c: {  	_ =	swait.ge [sflag:s23], $0x4000  }
0x7d: {  	[sflag:s23] =	ssyncset.done $0x0  }
0x7e: {  	[sflag:s23] =	ssyncadd.s32 $0xFFFFC000  }
0x7f: {  	[spmem:s3] =	stream.indirect.scatter.add.f32 [tilespmem:s17], [sflag:$0x4], $0x80, s19, s19, $0xb8;
	[tilespmem:$0x1C200] =	vst v63  }
0x80: {  	_ =	swait.ge [sflag:s18], $0x4000  }
0x81: {  	s28 =	sshll.u32 s2, $0x6;
	s26 =	sadd.s32 $0x1, s26;
	[sflag:s18] =	ssyncset.done $0x0  }
0x82: {  	s31 =	sshrl.u32 s6, $0x3;
	p0 =	sne.s32 s26, s14;
	[sflag:s18] =	ssyncadd.s32 $0xFFFFC000  }
.Ltmp1:
0x83: {  	s28 =	sor.u32 $0x1C04, s28;
	[bflag:$0x0] =	sbarrier.arrive $0xFFFF;
	(pc) =	sbr.rel @p0 .LBB2_1-.Ltmp1, $4  }
0x84: {  	[hbm:s13], [sflag:s28] =	dma.local [spmem:s31], $0x2800  }
0x85: {  	_ =	swait.ge [sflag:s18], $0x2800  }
0x86: {  	[sflag:s18] =	ssyncset.done $0x0  }
0x87: {  	[sflag:s18] =	ssyncadd.s32 $0xFFFFD800  }
0x88: {  	_ =	sfence.sel $0x180000  }
0x89: {  	[bflag:$0x0] =	sbarrier.arrive $0xFFFF  }
0x8a: {  	p0 =	sne.s32 s2, $0x0;
	_ =	strace $0x90000050  }
0x8b: {  	s0 =	sadd.s32 @!p0 $0x100000, s1;
	[bflag:$0x2] =	sbarrier.arrive $0xFFFF  }
0x8c: {  	[sflag:s0] =	ssyncadd.tile.s32 @!p0 $0x1;
	_ =	shalt  }
.Lfunc_end2:
_tile_overlayer_lowered:
.L_overlay_start_2:
0x8d: {  	(tag) =	ssettag $0x2  }
0x8e: {  	s0 =	rddreg [dreg:$0x0];
	s2 =	stileid.u32  }
0x8f: {  	s1 =	rddreg [dreg:$0x1];
	p0 =	sne.s32 s2, $0x0  }
0x90: {  	s3 =	rddreg [dreg:$0x2];
	[bflag:$0x3] =	sbarrier.arrive $0xFFFF;
	s2 =	simm.s32 @!p0 $0x1C04  }
0x91: {  	[timem:s3], [sflag:s2] =	dma.local @!p0 [hbm:s0], s1  }
0x92: {  	s0 =	simm.s32 @!p0 $0x4  }
0x93: {  	_ =	swait.ge @!p0 [sflag:s0], s1  }
0x94: {  	s1 =	ssub.s32 @!p0 $0x0, s1;
	[sflag:s0] =	ssyncset.done @!p0 $0x0  }
0x95: {  	[sflag:s0] =	ssyncadd.s32 @!p0 s1  }
0x96: {  	[bflag:$0x3] =	sbarrier.arrive $0xFFFF  }
0x97: {  	_ =	shalt  }

// kernel: kernel.9.cloned.1.call-start
scs
__scs_entry_jumppad:
0x0: {  	(pc) =	sbr.rel $0x88, $3  }
0x1: {  	(tag) =	ssettag $0x0;
	lr =	simm.s32 $0x1  }
0x2: {  	[smem:$0x3F93] =	sst lr;
	_ =	strace $0xD0000000  }
0x3: {  	_ = 	snop  }
0x4: {  	_ = 	snop  }
0x5: {  	_ = 	snop  }
0x6: {  	_ = 	snop  }
0x7: {  	_ = 	snop  }
__scs_overlays_trampoline_lowered:
0x8: {  	[smem:$0x3FA2] =	sst s0  }
0x9: {  	[smem:$0x3FA3] =	sst s1  }
0xa: {  	[smem:$0x3FA4] =	sst s2  }
0xb: {  	[smem:$0x3FA5] =	sst s3  }
0xc: {  	[smem:$0x3FA6] =	sst s4  }
0xd: {  	[smem:$0x3FA7] =	sst s5  }
0xe: {  	[smem:$0x3FA8] =	sst s6  }
0xf: {  	[smem:$0x3FA9] =	sst s7  }
0x10: {  	[smem:$0x3FAA] =	sst s8  }
0x11: {  	[smem:$0x3FAB] =	sst s9;
	s0 =	simm.s32 @!p0 $0x0  }
0x12: {  	s1 =	sld [smem:$0x3F91];
	s0 =	simm.s32 @p0 $0x1  }
0x13: {  	[smem:$0x3FAC] =	sst s0;
	s0 =	simm.s32 @!p1 $0x0  }
0x14: {  	s2 =	sld [smem:$0x3F90];
	s0 =	simm.s32 @p1 $0x1  }
0x15: {  	[smem:$0x3FAD] =	sst s0;
	s0 =	simm.s32 @!p2 $0x0  }
0x16: {  	s3 =	sld [smem:$0x3FDB];
	s0 =	simm.s32 @p2 $0x1  }
0x17: {  	s4 =	simm.s32 $0x1BF5;
	[smem:$0x3FAF] =	sst s0  }
0x18: {  	s0 =	sld [smem:$0x3F92];
	_ =	swait.ge [sflag:s4], $0x0  }
0x19: {  	s7 =	sld [smem:$0x3F93]  }
0x1a: {  	s8 =	sadd.s32 $0xFFFFE003, lr  }
0x1b: {  	s9 =	sadd.s32 $0xFFFFFEF7, lr;
	s5 =	simm.s32 $0xFFFFFFFF;
	p2 =	slt.u32 s8, $0xFFFFF086  }
0x1c: {  	p1 =	slt.u32 s9, $0xF7A;
	s5 =	simm.s32 @!p2 $0x0  }
0x1d: {  	s5 =	simm.s32 @p1 $0x1;
	p0 =	seq.s32 s7, s2  }
0x1e: {  	s7 =	smul.u32 @!p0 $0xF7A, s2;
	p2 =	seq.s32 @!p0 s5, $0x0  }
0x1f: {  	s9 =	smul.u32 $0xF7A, s1;
	s8 =	simm.s32 @!p0 $0x1BF5;
	p2 =	por !p2, p0  }
0x20: {  	[sflag:s8] =	ssyncset.s32 @!p0 $0xFFFFF086;
	s6 =	sadd.s32 @!p0 s3, s7;
	s7 =	simm.s32 @!p0 $0x108  }
0x21: {  	s3 =	sadd.s32 s3, s9;
	s6 =	sadd.s32 @!p0 $0x88, s6;
	s7 =	simm.s32 @p2 $0x1082  }
0x22: {  	[simem:s7], [sflag:s8] =	dma.local @!p0 [hbm:s6], $0xF7A  }
0x23: {  	s9 =	sor.u32 $0xD0000000, s2;
	s6 =	simm.s32 $0x108;
	_ =	swait.ge @!p0 [sflag:s8], $0x0  }
0x24: {  	s3 =	sadd.s32 $0x88, s3;
	s6 =	simm.s32 @!p1 $0x1082;
	[sflag:s4] =	ssyncset.s32 $0xFFFFF086  }
0x25: {  	[simem:s6], [sflag:s4] =	dma.local [hbm:s3], $0xF7A  }
0x26: {  	[smem:$0x3F93] =	sst s1;
	(tag) =	ssettag s2;
	_ =	strace s9  }
0x27: {  	s1 =	sld [smem:$0x3FA3]  }
0x28: {  	s2 =	sld [smem:$0x3FA4]  }
0x29: {  	s4 =	sld [smem:$0x3FA6]  }
0x2a: {  	p0 =	seq.s32 s5, $0x0;
	s5 =	sld [smem:$0x3FA7]  }
0x2b: {  	s6 =	sld [smem:$0x3FA8]  }
0x2c: {  	s7 =	sld [smem:$0x3FA9]  }
0x2d: {  	s3 =	simm.s32 $0x108;
	s8 =	sld [smem:$0x3FAA]  }
0x2e: {  	s3 =	simm.s32 @!p0 $0x1082;
	s9 =	sld [smem:$0x3FAB]  }
0x2f: {  	lr =	sadd.s32 s0, s3;
	s0 =	sld [smem:$0x3FA2]  }
0x30: {  	s3 =	sld [smem:$0x3FA5]  }
0x31: {  	[smem:$0x3FAE] =	sst s10  }
0x32: {  	s10 =	sld [smem:$0x3FAC];
	_ =	sdelay $0x3  }
0x33: {  	p0 =	seq.s32 s10, $0x1;
	s10 =	sld [smem:$0x3FAE];
	_ =	sdelay $0x3  }
0x34: {  	[smem:$0x3FAE] =	sst s10  }
0x35: {  	s10 =	sld [smem:$0x3FAD];
	_ =	sdelay $0x3  }
0x36: {  	p1 =	seq.s32 s10, $0x1;
	s10 =	sld [smem:$0x3FAE];
	_ =	sdelay $0x3  }
0x37: {  	[smem:$0x3FAE] =	sst s10  }
0x38: {  	s10 =	sld [smem:$0x3FAF]  }
0x39: {  	_ = 	snop;
	(pc) =	sbr.ind lr, $3  }
0x3a: {  	_ = 	snop  }
0x3b: {  	_ = 	snop  }
0x3c: {  	p2 =	seq.s32 s10, $0x1;
	s10 =	sld [smem:$0x3FAE]  }
0x3d: {  	_ =	shalt  }
0x3e: {  	_ =	shalt  }
0x3f: {  	_ =	shalt  }
0x40: {  	_ =	shalt  }
0x41: {  	_ =	shalt  }
0x42: {  	_ =	shalt  }
0x43: {  	_ =	shalt  }
0x44: {  	_ =	shalt  }
0x45: {  	_ =	shalt  }
0x46: {  	_ =	shalt  }
0x47: {  	_ =	shalt  }
0x48: {  	_ =	shalt  }
0x49: {  	_ =	shalt  }
0x4a: {  	_ =	shalt  }
0x4b: {  	_ =	shalt  }
0x4c: {  	_ =	shalt  }
0x4d: {  	_ =	shalt  }
0x4e: {  	_ =	shalt  }
0x4f: {  	_ =	shalt  }
0x50: {  	_ =	shalt  }
0x51: {  	_ =	shalt  }
0x52: {  	_ =	shalt  }
0x53: {  	_ =	shalt  }
0x54: {  	_ =	shalt  }
0x55: {  	_ =	shalt  }
0x56: {  	_ =	shalt  }
0x57: {  	_ =	shalt  }
0x58: {  	_ =	shalt  }
0x59: {  	_ =	shalt  }
0x5a: {  	_ =	shalt  }
0x5b: {  	_ =	shalt  }
0x5c: {  	_ =	shalt  }
0x5d: {  	_ =	shalt  }
0x5e: {  	_ =	shalt  }
0x5f: {  	_ =	shalt  }
0x60: {  	_ =	shalt  }
0x61: {  	_ =	shalt  }
0x62: {  	_ =	shalt  }
0x63: {  	_ =	shalt  }
0x64: {  	_ =	shalt  }
0x65: {  	_ =	shalt  }
0x66: {  	_ =	shalt  }
0x67: {  	_ =	shalt  }
0x68: {  	_ =	shalt  }
0x69: {  	_ =	shalt  }
0x6a: {  	_ =	shalt  }
0x6b: {  	_ =	shalt  }
0x6c: {  	_ =	shalt  }
0x6d: {  	_ =	shalt  }
0x6e: {  	_ =	shalt  }
0x6f: {  	_ =	shalt  }
0x70: {  	_ =	shalt  }
0x71: {  	_ =	shalt  }
0x72: {  	_ =	shalt  }
0x73: {  	_ =	shalt  }
0x74: {  	_ =	shalt  }
0x75: {  	_ =	shalt  }
0x76: {  	_ =	shalt  }
0x77: {  	_ =	shalt  }
0x78: {  	_ =	shalt  }
0x79: {  	_ =	shalt  }
0x7a: {  	_ =	shalt  }
0x7b: {  	_ =	shalt  }
0x7c: {  	_ =	shalt  }
0x7d: {  	_ =	shalt  }
0x7e: {  	_ =	shalt  }
0x7f: {  	_ =	shalt  }
0x80: {  	_ =	shalt  }
0x81: {  	_ =	shalt  }
0x82: {  	_ =	shalt  }
0x83: {  	_ =	shalt  }
0x84: {  	_ =	shalt  }
0x85: {  	_ =	shalt  }
0x86: {  	_ =	shalt  }
0x87: {  	_ =	shalt  }
.Lfunc_end0:
.L_simem_size_0:
called_computation_lowered:
.L_overlay_start_0:
0x88: {  	s2 =	sld [smem:$0x3FD9]  }
0x89: {  	s3 =	sld [smem:$0x3FFE];
	_ =	sdelay $0x1  }
0x8a: {  	s1 =	srdreg.scid  }
0x8b: {  	s0 =	sand.u32 $0x1, s1  }
0x8c: {  	s17 =	sshll.u32 s0, $0xA;
	s2 =	sadd.s32 s3, s2  }
0x8d: {  	s2 =	sadd.s32 s2, s17  }
0x8e: {  	[smem:$0x3FBA] =	sst s2  }
0x8f: {  	_ = 	snop  }
0x90: {  	s2 =	sld [smem:$0x3FD0];
	(tm) =	ssettm $0x1  }
0x91: {  	s18 =	sld [smem:$0x3FFB];
	_ =	sdelay $0x3  }
0x92: {  	_ =	strace s18  }
0x93: {  	s3 =	sld [smem:$0x3FFC];
	_ =	sdelay $0x3  }
0x94: {  	_ =	strace s3  }
0x95: {  	s3 =	sld [smem:$0x3FFD];
	_ =	sdelay $0x3  }
0x96: {  	_ =	strace s3  }
0x97: {  	_ =	strace $0x8FFFFFFF  }
0x98: {  	s19 =	sld [smem:$0x3FDB];
	_ =	sdelay $0x1  }
0x99: {  	s4 =	simm.s32 $_scs_section_size  }
0x9a: {  	s5 =	simm.s32 $_size__tile_overlayer_lowered;
	s6 =	simm.s32 $_tile_overlayer_lowered  }
0x9b: {  	s22 =	simm.s32 $0x1BFF;
	s21 =	sshll.u32 s6, $0x1;
	s3 =	sadd.s32 s4, s19  }
0x9c: {  	s7 =	simm.s32 $0x0;
	s20 =	sshll.u32 s5, $0x1;
	s5 =	sadd.s32 s21, s3  }
0x9d: {  	[timem:s7], [sflag:s22] =	dma.local [hbm:s5], s20  }
0x9e: {  	_ =	swait.ge [sflag:s22], s20  }
0x9f: {  	s4 =	ssub.s32 $0x0, s20;
	[sflag:s22] =	ssyncset.done $0x0  }
0xa0: {  	[sflag:s22] =	ssyncadd.s32 s4;
	_ =	sdelay $0x1  }
0xa1: {  	s23 =	simm.s32 $0x1B8B  }
0xa2: {  	_ =	swait.ge [sflag:s23], $0x1  }
0xa3: {  	[sflag:s23] =	ssyncset.done $0x0  }
0xa4: {  	s25 =	simm.s32 $0x1B8E;
	s24 =	sld [smem:$0x3FFE];
	[sflag:s23] =	ssyncadd.s32 $0xFFFFFFFF  }
0xa5: {  	s26 =	simm.s32 $execute0_lowered;
	[smem:$0x3FD2] =	sst s25  }
0xa6: {  	s5 =	sshll.u32 s26, $0x1;
	_ =	strace $0x80000046;
	[dreg:$0x1] =	wrdreg $0xFFFFFFFF  }
0xa7: {  	s28 =	simm.s32 $_size_execute0_lowered;
	s3 =	sadd.s32 s3, s5;
	[dreg:$0x0] =	wrdreg $0x0  }
0xa8: {  	s5 =	sshll.u32 s28, $0x1;
	[dreg:$0x2] =	wrdreg s3  }
0xa9: {  	[dreg:$0x3] =	wrdreg s5  }
0xaa: {  	[dreg:$0x4] =	wrdreg $0xC0  }
0xab: {  	_ =	task [dreg:s7], $0x5FFFF  }
0xac: {  	[dreg:$0x1] =	wrdreg $0xFFFFFFFF  }
0xad: {  	[dreg:$0x0] =	wrdreg $0x60  }
0xae: {  	[dreg:$0x2] =	wrdreg s24  }
0xaf: {  	[dreg:$0x3] =	wrdreg s2  }
0xb0: {  	[dreg:$0x4] =	wrdreg $0x8F000  }
0xb1: {  	[dreg:$0x5] =	wrdreg $0x9  }
0xb2: {  	_ =	task.clear_ibuf [dreg:s7], $0x6FFFF;
	_ =	strace $0x90000046  }
0xb3: {  	s29 =	simm.s32 $0x9;
	_ =	strace $0x80000048  }
0xb4: {  	_ =	swait.ge [sflag:s29], $0x1  }
0xb5: {  	[sflag:s29] =	ssyncadd.s32 $0xFFFFFFFF  }
0xb6: {  	_ =	strace $0x90000048  }
0xb7: {  	_ =	sfence  }
0xb8: {  	s30 =	sld [smem:$0x0];
	_ =	sdelay $0x2  }
0xb9: {  	s31 =	sshll.u32 s1, $0xD;
	s1 =	sshrl.u32 s1, $0x2  }
0xba: {  	s3 =	sand.u32 $0x4000, s31;
	s1 =	sadd.s32 s1, s30  }
0xbb: {  	s0 =	sor.u32 s3, s0;
	s1 =	sshll.u32 s1, $0x11  }
0xbc: {  	s0 =	sor.u32 s1, s0  }
0xbd: {  	s0 =	sadd.s32 $0x8F2B, s0  }
0xbe: {  	[sflag:s0] =	ssyncadd.remote.s32 $0x1  }
0xbf: {  	_ =	sfence.sel $0xFFFF  }
0xc0: {  	[dreg:$0x0] =	wrdreg $0xFFFFFFFF;
	(pc) =	sbr.abs _section_cstart, $3  }
0xc1: {  	[dreg:$0x1] =	wrdreg $0xFFFFFFFF  }
0xc2: {  	_ =	task.clear_ibuf [dreg:s7], $0x2FFFF;
	_ =	strace $0x9FFFFFFF  }
0xc3: {  	(tm) =	ssettm $0x7FFFFFFF  }
tec
execute0_lowered:
.L_overlay_start_1:
0x0: {  	(tag) =	ssettag $0x1  }
0x1: {  	s1 =	srdreg.scid;
	s6 =	rddreg [dreg:$0x0]  }
0x2: {  	s0 =	stileid.u32;
	s2 =	rddreg [dreg:$0x1]  }
0x3: {  	s3 =	rddreg [dreg:$0x2];
	s4 =	simm.s32 $0x0;
	s14 =	simm.s32 $0x4F00  }
0x4: {  	s15 =	simm.s32 $0x1;
	s16 =	simm.s32 $0x80;
	s19 =	simm.s32 $0x0  }
0x5: {  	s7 =	sand.u32 $0x1, s1;
	s29 =	sshll.u32 s0, $0x1;
	s9 =	smul.u32 $0x14000, s0  }
0x6: {  	[smem:$0x7FF] =	sst s4;
	s10 =	smul.u32 $0x50000, s0;
	s17 =	sshll.u32 s0, $0x6  }
0x7: {  	s1 =	sor.u32 s7, s29;
	s8 =	smul.u32 $0x140000, s7;
	s7 =	ssub.s32 $0x2, s7  }
0x8: {  	s17 =	sor.u32 $0x1C01, s17;
	s5 =	smul.u32 $0x9E0, s1;
	s1 =	rddreg [dreg:$0x3]  }
0x9: {  	_ =	strace $0x80000047;
	s30 =	sshrl.u32 s10, $0x2;
	s31 =	sshrl.u32 s7, $0x1  }
0xa: {  	s8 =	sadd.s32 s9, s8;
	s13 =	ssub.s32 s7, s31;
	s11 =	sadd.s32 s5, s6  }
0xb: {  	s5 =	sadd.s32 $0x17400, s6;
	s8 =	sshrl.u32 s8, $0x3;
	s13 =	smax.u32 s13, $0x1  }
0xc: {  	s12 =	sadd.s32 s8, s6;
	s6 =	sadd.s32 s30, s3;
	s11 =	sadd.s32 $0x3800, s11  }
0xd: {  	s7 =	sadd.s32 $0x4000, s6;
	s8 =	sadd.s32 $0x8000, s6;
	s9 =	sadd.s32 $0xC000, s6  }
0xe: {  	s10 =	sadd.s32 $0x10000, s6;
	s12 =	sadd.s32 $0x17C00, s12;
	s18 =	sshrl.u32 s6, $0x3  }
.LBB2_1:
0xf: {  	[tilespmem:s14], [sflag:$0x1] =	stream.linear.gather [hbm4b:s5+s4], $0x4000, $0x38;
	[tilespmem:$0x1CF00] =	vst v63  }
0x10: {  	_ =	swait.ge [sflag:s15], $0x4000  }
0x11: {  	[sflag:s15] =	ssyncset.done $0x0  }
0x12: {  	[sflag:s15] =	ssyncadd.s32 $0xFFFFC000  }
0x13: {  	[spmem:s6] =	stream.linear.scatter [tilespmem:s14], [sflag:$0x1], $0x4000, $0x38;
	[tilespmem:$0x1CF00] =	vst v63  }
0x14: {  	_ =	swait.ge [sflag:s15], $0x4000  }
0x15: {  	[sflag:s15] =	ssyncset.done $0x0  }
0x16: {  	[sflag:s15] =	ssyncadd.s32 $0xFFFFC000  }
0x17: {  	[spmem:s7] =	stream.linear.scatter [tilespmem:s14], [sflag:$0x1], $0x4000, $0x38;
	[tilespmem:$0x1CF00] =	vst v63  }
0x18: {  	_ =	swait.ge [sflag:s15], $0x4000  }
0x19: {  	[sflag:s15] =	ssyncset.done $0x0  }
0x1a: {  	[sflag:s15] =	ssyncadd.s32 $0xFFFFC000  }
0x1b: {  	[spmem:s8] =	stream.linear.scatter [tilespmem:s14], [sflag:$0x1], $0x4000, $0x38;
	[tilespmem:$0x1CF00] =	vst v63  }
0x1c: {  	_ =	swait.ge [sflag:s15], $0x4000  }
0x1d: {  	[sflag:s15] =	ssyncset.done $0x0  }
0x1e: {  	[sflag:s15] =	ssyncadd.s32 $0xFFFFC000  }
0x1f: {  	[spmem:s9] =	stream.linear.scatter [tilespmem:s14], [sflag:$0x1], $0x4000, $0x38;
	[tilespmem:$0x1CF00] =	vst v63  }
0x20: {  	_ =	swait.ge [sflag:s15], $0x4000  }
0x21: {  	[sflag:s15] =	ssyncset.done $0x0  }
0x22: {  	[sflag:s15] =	ssyncadd.s32 $0xFFFFC000  }
0x23: {  	[spmem:s10] =	stream.linear.scatter [tilespmem:s14], [sflag:$0x1], $0x4000, $0x38;
	[tilespmem:$0x1CF00] =	vst v63  }
0x24: {  	_ =	swait.ge [sflag:s15], $0x4000  }
0x25: {  	[sflag:s15] =	ssyncset.done $0x0  }
0x26: {  	[sflag:s15] =	ssyncadd.s32 $0xFFFFC000  }
0x27: {  	[tilespmem:s4], [sflag:$0x1] =	stream.linear.gather [hbm4b:s11+s4], $0x4F00, $0x38;
	[tilespmem:$0x1CF00] =	vst v63  }
0x28: {  	_ =	swait.ge [sflag:s15], $0x4F00  }
0x29: {  	[sflag:s15] =	ssyncset.done $0x0  }
0x2a: {  	[sflag:s15] =	ssyncadd.s32 $0xFFFFB100  }
0x2b: {  	[tilespmem:s14], [sflag:$0x1] =	stream.linear.gather [hbm4b:s2+s4], $0x4000, $0x38;
	[tilespmem:$0x1CF00] =	vst v63  }
0x2c: {  	_ =	swait.ge [sflag:s15], $0x4000  }
0x2d: {  	[sflag:s15] =	ssyncset.done $0x0  }
0x2e: {  	[sflag:s15] =	ssyncadd.s32 $0xFFFFC000  }
0x2f: {  	s20 =	simm.s32 $0x80;
	[bflag:$0x0] =	sbarrier.arrive $0xFFFF  }
0x30: {  	[spmem:s3] =	stream.indirect.scatter.add.f32 [tilespmem:s14], [sflag:$0x1], $0x80, s20, s16, $0xb8;
	[tilespmem:$0x1CF00] =	vst v63  }
0x31: {  	_ =	swait.ge [sflag:s15], $0x4000  }
0x32: {  	s20 =	simm.s32 $0x600;
	[sflag:s15] =	ssyncset.done $0x0  }
.LBB2_2:
0x33: {  	s21 =	sshra.s32 s20, $0x2;
	[sflag:s15] =	ssyncadd.s32 $0xFFFFC000;
	p0 =	sne.s32 s20, $0x13A00  }
0x34: {  	[spmem:s3] =	stream.indirect.scatter.add.f32 [tilespmem:s14], [sflag:$0x1], $0x80, s21, s16, $0xb8;
	[tilespmem:$0x1CF00] =	vst v63  }
.Ltmp0:
0x35: {  	_ = 	snop;
	(pc) =	sbr.rel @p0 .LBB2_2-.Ltmp0, $4  }
0x36: {  	_ = 	snop  }
0x37: {  	s20 =	sadd.s32 $0x400, s20  }
0x38: {  	_ =	swait.ge [sflag:s15], $0x4000  }
0x39: {  	[sflag:s15] =	ssyncset.done $0x0  }
0x3a: {  	s19 =	sadd.s32 $0x1, s19  }
0x3b: {  	[sflag:s15] =	ssyncadd.s32 $0xFFFFC000;
	p0 =	sne.s32 s19, s13  }
.Ltmp1:
0x3c: {  	[bflag:$0x0] =	sbarrier.arrive $0xFFFF;
	(pc) =	sbr.rel @p0 .LBB2_1-.Ltmp1, $4  }
0x3d: {  	[hbm:s12], [sflag:s17] =	dma.local [spmem:s18], $0x2800  }
0x3e: {  	_ =	swait.ge [sflag:s15], $0x2800  }
0x3f: {  	[sflag:s15] =	ssyncset.done $0x0  }
0x40: {  	[sflag:s15] =	ssyncadd.s32 $0xFFFFD800  }
0x41: {  	_ =	sfence.sel $0x180000  }
0x42: {  	[bflag:$0x0] =	sbarrier.arrive $0xFFFF  }
0x43: {  	p0 =	sne.s32 s0, $0x0;
	_ =	strace $0x90000047  }
0x44: {  	s0 =	sadd.s32 @!p0 $0x100000, s1;
	[bflag:$0x2] =	sbarrier.arrive $0xFFFF  }
0x45: {  	[sflag:s0] =	ssyncadd.tile.s32 @!p0 $0x1;
	_ =	shalt  }
.Lfunc_end2:
_tile_overlayer_lowered:
.L_overlay_start_2:
0x46: {  	(tag) =	ssettag $0x2  }
0x47: {  	s0 =	rddreg [dreg:$0x0];
	s2 =	stileid.u32  }
0x48: {  	s1 =	rddreg [dreg:$0x1];
	p0 =	sne.s32 s2, $0x0  }
0x49: {  	s3 =	rddreg [dreg:$0x2];
	[bflag:$0x3] =	sbarrier.arrive $0xFFFF;
	s2 =	simm.s32 @!p0 $0x1C01  }
0x4a: {  	[timem:s3], [sflag:s2] =	dma.local @!p0 [hbm:s0], s1  }
0x4b: {  	s0 =	simm.s32 @!p0 $0x1  }
0x4c: {  	_ =	swait.ge @!p0 [sflag:s0], s1  }
0x4d: {  	s1 =	ssub.s32 @!p0 $0x0, s1;
	[sflag:s0] =	ssyncset.done @!p0 $0x0  }
0x4e: {  	[sflag:s0] =	ssyncadd.s32 @!p0 s1  }
0x4f: {  	[bflag:$0x3] =	sbarrier.arrive $0xFFFF  }
0x50: {  	_ =	shalt  }

</sc_bundles>
